<compile_context>
chip_gen: v7x
topology: tpu7x:2x2x1
jax: 0.10.2.dev20260603
libtpu: 0.0.44.dev20260713+nightly
codegen_flags: <defaults>
</compile_context>

<pallas_src>
import jax
import jax.numpy as jnp
from jax import lax
from jax.experimental import pallas as pl
from jax.experimental.pallas import tpu as pltpu
from jax.experimental.pallas import tpu_sc as plsc

_NUM_CORES = 2
_NUM_SUBCORES = 16
_NW = _NUM_CORES * _NUM_SUBCORES

_B, _H, _D = 16384, 50, 64
_TOTAL = _B * _H
_PER_W = _TOTAL // _NW
_CHUNK = 128
_NCHUNK = _PER_W // _CHUNK
_NBUF = 10
_LEAD = 5


def _emb_body(idx_hbm, table_hbm, out_hbm, idx_v, rows_v, gsem, ssem):
    wid = lax.axis_index("s") * _NUM_CORES + lax.axis_index("c")
    base = wid * _PER_W
    pltpu.sync_copy(idx_hbm.at[wid], idx_v)

    def _gather(c, b):
        return pltpu.make_async_copy(
            table_hbm.at[idx_v.at[c]], rows_v.at[b], gsem.at[b])

    def _store(c, b):
        return pltpu.make_async_copy(
            rows_v.at[b], out_hbm.at[pl.ds(base + c * _CHUNK, _CHUNK)],
            ssem.at[b])


    for c in range(_NBUF):
        if c >= _LEAD:
            _gather(c - _LEAD, c - _LEAD).wait()
            _store(c - _LEAD, c - _LEAD).start()
        _gather(c, c).start()

    @pl.loop(_NBUF, _NCHUNK, step=_NBUF)
    def _(i):
        for b in range(_NBUF):
            c = i + b
            bs = (b - _LEAD) % _NBUF
            _gather(c - _LEAD, bs).wait()
            _store(c - _LEAD, bs).start()
            _store(c - _NBUF, b).wait()
            _gather(c, b).start()

    for c in range(_NCHUNK, _NCHUNK + _LEAD):
        bs = (c - _LEAD) % _NBUF
        _gather(c - _LEAD, bs).wait()
        _store(c - _LEAD, bs).start()
    for b in range(_NBUF):
        _store(_NCHUNK - _NBUF + b, b).wait()


_mesh = plsc.VectorSubcoreMesh(
    core_axis_name="c", subcore_axis_name="s",
    num_cores=_NUM_CORES, num_subcores=_NUM_SUBCORES)

_emb_call = pl.kernel(
    _emb_body,
    out_type=jax.ShapeDtypeStruct((_TOTAL, _D), jnp.float32),
    mesh=_mesh,
    scratch_types=[
        pltpu.VMEM((_NCHUNK, _CHUNK), jnp.int32),
        pltpu.VMEM((_NBUF, _CHUNK, _D), jnp.float32),
        pltpu.SemaphoreType.DMA((_NBUF,)),
        pltpu.SemaphoreType.DMA((_NBUF,)),
    ],
    compiler_params=pltpu.CompilerParams(use_tc_tiling_on_sc=False),
)


def kernel(x, weight):
    idx = x.reshape(_NW, _NCHUNK, _CHUNK)
    out = _emb_call(idx, weight)
    return out.reshape(_B, _H, _D)

# --- scband reference (transcript-rebuilt; emitter-appended) ---
"""Pipeline reference for scband-model-direct-51745765982823 (READ-ONLY COPY).

The authoritative reference and input builder live on the scoring server;
editing this copy changes nothing except your own understanding.
"""

import jax, jax.numpy as jnp
import numpy as np

NUM_EMBEDDINGS = 1000000
EMBEDDING_DIM = 64
BATCH = 16384
HIST = 50


def setup_inputs(seed: int = 0) -> dict:
    key = jax.random.key(seed)
    k_idx, k_w = jax.random.split(key)
    x = jax.random.randint(k_idx, (BATCH, HIST), 0, NUM_EMBEDDINGS, dtype=jnp.int32)
    # torch.rand -> uniform [0, 1)
    weight = jax.random.uniform(k_w, (NUM_EMBEDDINGS, EMBEDDING_DIM), dtype=jnp.float32)
    return {"x": x, "weight": weight}


def reference(x, weight):
    # nn.Embedding forward: row gather from the embedding table
    output = jnp.take(weight, x, axis=0)
    return output

if __name__ == "__main__":
    import jax
    _d = setup_inputs()
    print(jax.jit(kernel)(*tuple(_d.values())))

</pallas_src>

<mosaic_0001>
#map = affine_map<(d0, d1) -> (0, 0, 0)>
#map1 = affine_map<(d0, d1) -> (0, 0)>
module attributes {stable_mosaic.version = 14 : i64} {
  func.func @_emb_body(%arg0: i32, %arg1: i32, %arg2: memref<32x200x128xi32, #tpu.memory_space<hbm>>, %arg3: memref<1000000x64xf32, #tpu.memory_space<hbm>>, %arg4: memref<819200x64xf32, #tpu.memory_space<hbm>>, %arg5: memref<200x128xi32, #tpu.memory_space<vmem>>, %arg6: memref<10x128x64xf32, #tpu.memory_space<vmem>>, %arg7: memref<10x!tpu.dma_semaphore, #tpu.memory_space<semaphore_mem>>, %arg8: memref<10x!tpu.dma_semaphore, #tpu.memory_space<semaphore_mem>>) attributes {dimension_semantics = [#tpu.dimension_semantics<core_parallel>, #tpu.dimension_semantics<subcore_parallel>], iteration_bounds = array<i64: 2, 16>, scalar_prefetch = 0 : i64, scratch_operands = 4 : i64, tpu.core_type = #tpu.core_type<sc_vector_subcore>, window_params = [{transform_indices = #map}, {transform_indices = #map1}, {transform_indices = #map1}]} {
    %mul3A = arith.constant 2 : i32
    %mul3A_0 = arith.muli %arg1, %mul3A : i32
    %add3A = arith.addi %mul3A_0, %arg0 : i32
    %mul3A_1 = arith.constant 25600 : i32
    %mul3A_2 = arith.muli %add3A, %mul3A_1 : i32
    "tpu.region"() ({
      %run_scoped3A = tpu.sem_alloc : memref<!tpu.dma_semaphore, #tpu.memory_space<semaphore_mem>>
      %dma_start3A_665 = arith.constant 0 : i32
      %dma_start3A_666 = arith.constant 0 : i32
      %dma_start3A_667 = tpu.memref_slice %arg2[%add3A, %dma_start3A_665, %dma_start3A_666] : memref<32x200x128xi32, #tpu.memory_space<hbm>> -> memref<1x200x128xi32, #tpu.memory_space<hbm>>
      %dma_start3A_668 = tpu.memref_squeeze %dma_start3A_667 : memref<1x200x128xi32, #tpu.memory_space<hbm>> -> memref<200x128xi32, #tpu.memory_space<hbm>>
      %dma_start3A_669 = arith.constant 0 : i32
      %dma_start3A_670 = arith.constant 0 : i32
      %dma_start3A_671 = tpu.memref_slice %arg2[%add3A, %dma_start3A_669, %dma_start3A_670] : memref<32x200x128xi32, #tpu.memory_space<hbm>> -> memref<1x200x128xi32, #tpu.memory_space<hbm>>
      %dma_start3A_672 = tpu.memref_squeeze %dma_start3A_671 : memref<1x200x128xi32, #tpu.memory_space<hbm>> -> memref<200x128xi32, #tpu.memory_space<hbm>>
      tpu.enqueue_dma source(%dma_start3A_672 : memref<200x128xi32, #tpu.memory_space<hbm>>) target(%arg5 : memref<200x128xi32, #tpu.memory_space<vmem>>) target_semaphore(%run_scoped3A : memref<!tpu.dma_semaphore, #tpu.memory_space<semaphore_mem>>)
      %dma_wait3A_673 = arith.constant 0 : i32
      %dma_wait3A_674 = arith.constant 0 : i32
      %dma_wait3A_675 = tpu.memref_slice %arg2[%add3A, %dma_wait3A_673, %dma_wait3A_674] : memref<32x200x128xi32, #tpu.memory_space<hbm>> -> memref<1x200x128xi32, #tpu.memory_space<hbm>>
      %dma_wait3A_676 = tpu.memref_squeeze %dma_wait3A_675 : memref<1x200x128xi32, #tpu.memory_space<hbm>> -> memref<200x128xi32, #tpu.memory_space<hbm>>
      %dma_wait3A_677 = arith.constant 0 : i32
      %dma_wait3A_678 = arith.constant 0 : i32
      %dma_wait3A_679 = tpu.memref_slice %arg2[%add3A, %dma_wait3A_677, %dma_wait3A_678] : memref<32x200x128xi32, #tpu.memory_space<hbm>> -> memref<1x200x128xi32, #tpu.memory_space<hbm>>
      %dma_wait3A_680 = tpu.memref_squeeze %dma_wait3A_679 : memref<1x200x128xi32, #tpu.memory_space<hbm>> -> memref<200x128xi32, #tpu.memory_space<hbm>>
      tpu.wait_dma2 semaphore(%run_scoped3A : memref<!tpu.dma_semaphore, #tpu.memory_space<semaphore_mem>>) src(%dma_wait3A_680 : memref<200x128xi32, #tpu.memory_space<hbm>>) dst(%arg5 : memref<200x128xi32, #tpu.memory_space<vmem>>)
      tpu.yield
    }) : () -> ()
    %dma_start3A = arith.constant 0 : i32
    %dma_start3A_3 = arith.constant 0 : i32
    %dma_start3A_4 = arith.constant 0 : i32
    %dma_start3A_5 = arith.constant 0 : i32
    %dma_start3A_6 = arith.constant 0 : i32
    %dma_start3A_7 = tpu.memref_slice %arg6[%dma_start3A_3, %dma_start3A_5, %dma_start3A_6] : memref<10x128x64xf32, #tpu.memory_space<vmem>> -> memref<1x128x64xf32, #tpu.memory_space<vmem>>
    %dma_start3A_8 = tpu.memref_squeeze %dma_start3A_7 : memref<1x128x64xf32, #tpu.memory_space<vmem>> -> memref<128x64xf32, #tpu.memory_space<vmem>>
    %dma_start3A_9 = arith.constant 0 : i32
    %dma_start3A_10 = tpu.memref_slice %arg5[%dma_start3A, %dma_start3A_9] : memref<200x128xi32, #tpu.memory_space<vmem>> -> memref<1x128xi32, #tpu.memory_space<vmem>>
    %dma_start3A_11 = tpu.memref_squeeze %dma_start3A_10 : memref<1x128xi32, #tpu.memory_space<vmem>> -> memref<128xi32, #tpu.memory_space<vmem>>
    %dma_start3A_12 = arith.constant 0 : i32
    %dma_start3A_13 = arith.constant 0 : i32
    %dma_start3A_14 = tpu.memref_slice %arg3[%dma_start3A_12, %dma_start3A_13] : memref<1000000x64xf32, #tpu.memory_space<hbm>> -> memref<1000000x64xf32, #tpu.memory_space<hbm>>
    %dma_start3A_15 = tpu.memref_slice %arg7[%dma_start3A_4] : memref<10x!tpu.dma_semaphore, #tpu.memory_space<semaphore_mem>> -> memref<1x!tpu.dma_semaphore, #tpu.memory_space<semaphore_mem>>
    %dma_start3A_16 = tpu.memref_squeeze %dma_start3A_15 : memref<1x!tpu.dma_semaphore, #tpu.memory_space<semaphore_mem>> -> memref<!tpu.dma_semaphore, #tpu.memory_space<semaphore_mem>>
    tpu.enqueue_indirect_dma source(%dma_start3A_14 : memref<1000000x64xf32, #tpu.memory_space<hbm>>) target(%dma_start3A_8 : memref<128x64xf32, #tpu.memory_space<vmem>>) offsets(%dma_start3A_11 : memref<128xi32, #tpu.memory_space<vmem>>) semaphore(%dma_start3A_16 : memref<!tpu.dma_semaphore, #tpu.memory_space<semaphore_mem>>)
    %dma_start3A_17 = arith.constant 1 : i32
    %dma_start3A_18 = arith.constant 1 : i32
    %dma_start3A_19 = arith.constant 1 : i32
    %dma_start3A_20 = arith.constant 0 : i32
    %dma_start3A_21 = arith.constant 0 : i32
    %dma_start3A_22 = tpu.memref_slice %arg6[%dma_start3A_18, %dma_start3A_20, %dma_start3A_21] : memref<10x128x64xf32, #tpu.memory_space<vmem>> -> memref<1x128x64xf32, #tpu.memory_space<vmem>>
    %dma_start3A_23 = tpu.memref_squeeze %dma_start3A_22 : memref<1x128x64xf32, #tpu.memory_space<vmem>> -> memref<128x64xf32, #tpu.memory_space<vmem>>
    %dma_start3A_24 = arith.constant 0 : i32
    %dma_start3A_25 = tpu.memref_slice %arg5[%dma_start3A_17, %dma_start3A_24] : memref<200x128xi32, #tpu.memory_space<vmem>> -> memref<1x128xi32, #tpu.memory_space<vmem>>
    %dma_start3A_26 = tpu.memref_squeeze %dma_start3A_25 : memref<1x128xi32, #tpu.memory_space<vmem>> -> memref<128xi32, #tpu.memory_space<vmem>>
    %dma_start3A_27 = arith.constant 0 : i32
    %dma_start3A_28 = arith.constant 0 : i32
    %dma_start3A_29 = tpu.memref_slice %arg3[%dma_start3A_27, %dma_start3A_28] : memref<1000000x64xf32, #tpu.memory_space<hbm>> -> memref<1000000x64xf32, #tpu.memory_space<hbm>>
    %dma_start3A_30 = tpu.memref_slice %arg7[%dma_start3A_19] : memref<10x!tpu.dma_semaphore, #tpu.memory_space<semaphore_mem>> -> memref<1x!tpu.dma_semaphore, #tpu.memory_space<semaphore_mem>>
    %dma_start3A_31 = tpu.memref_squeeze %dma_start3A_30 : memref<1x!tpu.dma_semaphore, #tpu.memory_space<semaphore_mem>> -> memref<!tpu.dma_semaphore, #tpu.memory_space<semaphore_mem>>
    tpu.enqueue_indirect_dma source(%dma_start3A_29 : memref<1000000x64xf32, #tpu.memory_space<hbm>>) target(%dma_start3A_23 : memref<128x64xf32, #tpu.memory_space<vmem>>) offsets(%dma_start3A_26 : memref<128xi32, #tpu.memory_space<vmem>>) semaphore(%dma_start3A_31 : memref<!tpu.dma_semaphore, #tpu.memory_space<semaphore_mem>>)
    %dma_start3A_32 = arith.constant 2 : i32
    %dma_start3A_33 = arith.constant 2 : i32
    %dma_start3A_34 = arith.constant 2 : i32
    %dma_start3A_35 = arith.constant 0 : i32
    %dma_start3A_36 = arith.constant 0 : i32
    %dma_start3A_37 = tpu.memref_slice %arg6[%dma_start3A_33, %dma_start3A_35, %dma_start3A_36] : memref<10x128x64xf32, #tpu.memory_space<vmem>> -> memref<1x128x64xf32, #tpu.memory_space<vmem>>
    %dma_start3A_38 = tpu.memref_squeeze %dma_start3A_37 : memref<1x128x64xf32, #tpu.memory_space<vmem>> -> memref<128x64xf32, #tpu.memory_space<vmem>>
    %dma_start3A_39 = arith.constant 0 : i32
    %dma_start3A_40 = tpu.memref_slice %arg5[%dma_start3A_32, %dma_start3A_39] : memref<200x128xi32, #tpu.memory_space<vmem>> -> memref<1x128xi32, #tpu.memory_space<vmem>>
    %dma_start3A_41 = tpu.memref_squeeze %dma_start3A_40 : memref<1x128xi32, #tpu.memory_space<vmem>> -> memref<128xi32, #tpu.memory_space<vmem>>
    %dma_start3A_42 = arith.constant 0 : i32
    %dma_start3A_43 = arith.constant 0 : i32
    %dma_start3A_44 = tpu.memref_slice %arg3[%dma_start3A_42, %dma_start3A_43] : memref<1000000x64xf32, #tpu.memory_space<hbm>> -> memref<1000000x64xf32, #tpu.memory_space<hbm>>
    %dma_start3A_45 = tpu.memref_slice %arg7[%dma_start3A_34] : memref<10x!tpu.dma_semaphore, #tpu.memory_space<semaphore_mem>> -> memref<1x!tpu.dma_semaphore, #tpu.memory_space<semaphore_mem>>
    %dma_start3A_46 = tpu.memref_squeeze %dma_start3A_45 : memref<1x!tpu.dma_semaphore, #tpu.memory_space<semaphore_mem>> -> memref<!tpu.dma_semaphore, #tpu.memory_space<semaphore_mem>>
    tpu.enqueue_indirect_dma source(%dma_start3A_44 : memref<1000000x64xf32, #tpu.memory_space<hbm>>) target(%dma_start3A_38 : memref<128x64xf32, #tpu.memory_space<vmem>>) offsets(%dma_start3A_41 : memref<128xi32, #tpu.memory_space<vmem>>) semaphore(%dma_start3A_46 : memref<!tpu.dma_semaphore, #tpu.memory_space<semaphore_mem>>)
    %dma_start3A_47 = arith.constant 3 : i32
    %dma_start3A_48 = arith.constant 3 : i32
    %dma_start3A_49 = arith.constant 3 : i32
    %dma_start3A_50 = arith.constant 0 : i32
    %dma_start3A_51 = arith.constant 0 : i32
    %dma_start3A_52 = tpu.memref_slice %arg6[%dma_start3A_48, %dma_start3A_50, %dma_start3A_51] : memref<10x128x64xf32, #tpu.memory_space<vmem>> -> memref<1x128x64xf32, #tpu.memory_space<vmem>>
    %dma_start3A_53 = tpu.memref_squeeze %dma_start3A_52 : memref<1x128x64xf32, #tpu.memory_space<vmem>> -> memref<128x64xf32, #tpu.memory_space<vmem>>
    %dma_start3A_54 = arith.constant 0 : i32
    %dma_start3A_55 = tpu.memref_slice %arg5[%dma_start3A_47, %dma_start3A_54] : memref<200x128xi32, #tpu.memory_space<vmem>> -> memref<1x128xi32, #tpu.memory_space<vmem>>
    %dma_start3A_56 = tpu.memref_squeeze %dma_start3A_55 : memref<1x128xi32, #tpu.memory_space<vmem>> -> memref<128xi32, #tpu.memory_space<vmem>>
    %dma_start3A_57 = arith.constant 0 : i32
    %dma_start3A_58 = arith.constant 0 : i32
    %dma_start3A_59 = tpu.memref_slice %arg3[%dma_start3A_57, %dma_start3A_58] : memref<1000000x64xf32, #tpu.memory_space<hbm>> -> memref<1000000x64xf32, #tpu.memory_space<hbm>>
    %dma_start3A_60 = tpu.memref_slice %arg7[%dma_start3A_49] : memref<10x!tpu.dma_semaphore, #tpu.memory_space<semaphore_mem>> -> memref<1x!tpu.dma_semaphore, #tpu.memory_space<semaphore_mem>>
    %dma_start3A_61 = tpu.memref_squeeze %dma_start3A_60 : memref<1x!tpu.dma_semaphore, #tpu.memory_space<semaphore_mem>> -> memref<!tpu.dma_semaphore, #tpu.memory_space<semaphore_mem>>
    tpu.enqueue_indirect_dma source(%dma_start3A_59 : memref<1000000x64xf32, #tpu.memory_space<hbm>>) target(%dma_start3A_53 : memref<128x64xf32, #tpu.memory_space<vmem>>) offsets(%dma_start3A_56 : memref<128xi32, #tpu.memory_space<vmem>>) semaphore(%dma_start3A_61 : memref<!tpu.dma_semaphore, #tpu.memory_space<semaphore_mem>>)
    %dma_start3A_62 = arith.constant 4 : i32
    %dma_start3A_63 = arith.constant 4 : i32
    %dma_start3A_64 = arith.constant 4 : i32
    %dma_start3A_65 = arith.constant 0 : i32
    %dma_start3A_66 = arith.constant 0 : i32
    %dma_start3A_67 = tpu.memref_slice %arg6[%dma_start3A_63, %dma_start3A_65, %dma_start3A_66] : memref<10x128x64xf32, #tpu.memory_space<vmem>> -> memref<1x128x64xf32, #tpu.memory_space<vmem>>
    %dma_start3A_68 = tpu.memref_squeeze %dma_start3A_67 : memref<1x128x64xf32, #tpu.memory_space<vmem>> -> memref<128x64xf32, #tpu.memory_space<vmem>>
    %dma_start3A_69 = arith.constant 0 : i32
    %dma_start3A_70 = tpu.memref_slice %arg5[%dma_start3A_62, %dma_start3A_69] : memref<200x128xi32, #tpu.memory_space<vmem>> -> memref<1x128xi32, #tpu.memory_space<vmem>>
    %dma_start3A_71 = tpu.memref_squeeze %dma_start3A_70 : memref<1x128xi32, #tpu.memory_space<vmem>> -> memref<128xi32, #tpu.memory_space<vmem>>
    %dma_start3A_72 = arith.constant 0 : i32
    %dma_start3A_73 = arith.constant 0 : i32
    %dma_start3A_74 = tpu.memref_slice %arg3[%dma_start3A_72, %dma_start3A_73] : memref<1000000x64xf32, #tpu.memory_space<hbm>> -> memref<1000000x64xf32, #tpu.memory_space<hbm>>
    %dma_start3A_75 = tpu.memref_slice %arg7[%dma_start3A_64] : memref<10x!tpu.dma_semaphore, #tpu.memory_space<semaphore_mem>> -> memref<1x!tpu.dma_semaphore, #tpu.memory_space<semaphore_mem>>
    %dma_start3A_76 = tpu.memref_squeeze %dma_start3A_75 : memref<1x!tpu.dma_semaphore, #tpu.memory_space<semaphore_mem>> -> memref<!tpu.dma_semaphore, #tpu.memory_space<semaphore_mem>>
    tpu.enqueue_indirect_dma source(%dma_start3A_74 : memref<1000000x64xf32, #tpu.memory_space<hbm>>) target(%dma_start3A_68 : memref<128x64xf32, #tpu.memory_space<vmem>>) offsets(%dma_start3A_71 : memref<128xi32, #tpu.memory_space<vmem>>) semaphore(%dma_start3A_76 : memref<!tpu.dma_semaphore, #tpu.memory_space<semaphore_mem>>)
    %dma_wait3A = arith.constant 0 : i32
    %dma_wait3A_77 = arith.constant 0 : i32
    %dma_wait3A_78 = arith.constant 0 : i32
    %dma_wait3A_79 = arith.constant 0 : i32
    %dma_wait3A_80 = arith.constant 0 : i32
    %dma_wait3A_81 = tpu.memref_slice %arg6[%dma_wait3A_77, %dma_wait3A_79, %dma_wait3A_80] : memref<10x128x64xf32, #tpu.memory_space<vmem>> -> memref<1x128x64xf32, #tpu.memory_space<vmem>>
    %dma_wait3A_82 = tpu.memref_squeeze %dma_wait3A_81 : memref<1x128x64xf32, #tpu.memory_space<vmem>> -> memref<128x64xf32, #tpu.memory_space<vmem>>
    %dma_wait3A_83 = arith.constant 0 : i32
    %dma_wait3A_84 = tpu.memref_slice %arg5[%dma_wait3A, %dma_wait3A_83] : memref<200x128xi32, #tpu.memory_space<vmem>> -> memref<1x128xi32, #tpu.memory_space<vmem>>
    %dma_wait3A_85 = tpu.memref_squeeze %dma_wait3A_84 : memref<1x128xi32, #tpu.memory_space<vmem>> -> memref<128xi32, #tpu.memory_space<vmem>>
    %dma_wait3A_86 = arith.constant 0 : i32
    %dma_wait3A_87 = arith.constant 0 : i32
    %dma_wait3A_88 = tpu.memref_slice %arg3[%dma_wait3A_86, %dma_wait3A_87] : memref<1000000x64xf32, #tpu.memory_space<hbm>> -> memref<1000000x64xf32, #tpu.memory_space<hbm>>
    %dma_wait3A_89 = tpu.memref_slice %arg7[%dma_wait3A_78] : memref<10x!tpu.dma_semaphore, #tpu.memory_space<semaphore_mem>> -> memref<1x!tpu.dma_semaphore, #tpu.memory_space<semaphore_mem>>
    %dma_wait3A_90 = tpu.memref_squeeze %dma_wait3A_89 : memref<1x!tpu.dma_semaphore, #tpu.memory_space<semaphore_mem>> -> memref<!tpu.dma_semaphore, #tpu.memory_space<semaphore_mem>>
    tpu.wait_indirect_dma semaphore(%dma_wait3A_90 : memref<!tpu.dma_semaphore, #tpu.memory_space<semaphore_mem>>) src(%dma_wait3A_88 : memref<1000000x64xf32, #tpu.memory_space<hbm>>) dst(%dma_wait3A_82 : memref<128x64xf32, #tpu.memory_space<vmem>>)
    %add3A_91 = arith.constant 0 : i32
    %add3A_92 = arith.addi %mul3A_2, %add3A_91 : i32
    %dma_start3A_93 = arith.constant 0 : i32
    %dma_start3A_94 = arith.constant 0 : i32
    %dma_start3A_95 = arith.constant 0 : i32
    %dma_start3A_96 = arith.constant 0 : i32
    %dma_start3A_97 = tpu.memref_slice %arg6[%dma_start3A_93, %dma_start3A_95, %dma_start3A_96] : memref<10x128x64xf32, #tpu.memory_space<vmem>> -> memref<1x128x64xf32, #tpu.memory_space<vmem>>
    %dma_start3A_98 = tpu.memref_squeeze %dma_start3A_97 : memref<1x128x64xf32, #tpu.memory_space<vmem>> -> memref<128x64xf32, #tpu.memory_space<vmem>>
    %dma_start3A_99 = arith.constant 0 : i32
    %dma_start3A_100 = tpu.memref_slice %arg4[%add3A_92, %dma_start3A_99] : memref<819200x64xf32, #tpu.memory_space<hbm>> -> memref<128x64xf32, #tpu.memory_space<hbm>>
    %dma_start3A_101 = tpu.memref_slice %arg8[%dma_start3A_94] : memref<10x!tpu.dma_semaphore, #tpu.memory_space<semaphore_mem>> -> memref<1x!tpu.dma_semaphore, #tpu.memory_space<semaphore_mem>>
    %dma_start3A_102 = tpu.memref_squeeze %dma_start3A_101 : memref<1x!tpu.dma_semaphore, #tpu.memory_space<semaphore_mem>> -> memref<!tpu.dma_semaphore, #tpu.memory_space<semaphore_mem>>
    %dma_start3A_103 = arith.constant 0 : i32
    %dma_start3A_104 = tpu.memref_slice %arg4[%add3A_92, %dma_start3A_103] : memref<819200x64xf32, #tpu.memory_space<hbm>> -> memref<128x64xf32, #tpu.memory_space<hbm>>
    %dma_start3A_105 = arith.constant 0 : i32
    %dma_start3A_106 = arith.constant 0 : i32
    %dma_start3A_107 = tpu.memref_slice %arg6[%dma_start3A_93, %dma_start3A_105, %dma_start3A_106] : memref<10x128x64xf32, #tpu.memory_space<vmem>> -> memref<1x128x64xf32, #tpu.memory_space<vmem>>
    %dma_start3A_108 = tpu.memref_squeeze %dma_start3A_107 : memref<1x128x64xf32, #tpu.memory_space<vmem>> -> memref<128x64xf32, #tpu.memory_space<vmem>>
    tpu.enqueue_dma source(%dma_start3A_108 : memref<128x64xf32, #tpu.memory_space<vmem>>) target(%dma_start3A_104 : memref<128x64xf32, #tpu.memory_space<hbm>>) target_semaphore(%dma_start3A_102 : memref<!tpu.dma_semaphore, #tpu.memory_space<semaphore_mem>>)
    %dma_start3A_109 = arith.constant 5 : i32
    %dma_start3A_110 = arith.constant 5 : i32
    %dma_start3A_111 = arith.constant 5 : i32
    %dma_start3A_112 = arith.constant 0 : i32
    %dma_start3A_113 = arith.constant 0 : i32
    %dma_start3A_114 = tpu.memref_slice %arg6[%dma_start3A_110, %dma_start3A_112, %dma_start3A_113] : memref<10x128x64xf32, #tpu.memory_space<vmem>> -> memref<1x128x64xf32, #tpu.memory_space<vmem>>
    %dma_start3A_115 = tpu.memref_squeeze %dma_start3A_114 : memref<1x128x64xf32, #tpu.memory_space<vmem>> -> memref<128x64xf32, #tpu.memory_space<vmem>>
    %dma_start3A_116 = arith.constant 0 : i32
    %dma_start3A_117 = tpu.memref_slice %arg5[%dma_start3A_109, %dma_start3A_116] : memref<200x128xi32, #tpu.memory_space<vmem>> -> memref<1x128xi32, #tpu.memory_space<vmem>>
    %dma_start3A_118 = tpu.memref_squeeze %dma_start3A_117 : memref<1x128xi32, #tpu.memory_space<vmem>> -> memref<128xi32, #tpu.memory_space<vmem>>
    %dma_start3A_119 = arith.constant 0 : i32
    %dma_start3A_120 = arith.constant 0 : i32
    %dma_start3A_121 = tpu.memref_slice %arg3[%dma_start3A_119, %dma_start3A_120] : memref<1000000x64xf32, #tpu.memory_space<hbm>> -> memref<1000000x64xf32, #tpu.memory_space<hbm>>
    %dma_start3A_122 = tpu.memref_slice %arg7[%dma_start3A_111] : memref<10x!tpu.dma_semaphore, #tpu.memory_space<semaphore_mem>> -> memref<1x!tpu.dma_semaphore, #tpu.memory_space<semaphore_mem>>
    %dma_start3A_123 = tpu.memref_squeeze %dma_start3A_122 : memref<1x!tpu.dma_semaphore, #tpu.memory_space<semaphore_mem>> -> memref<!tpu.dma_semaphore, #tpu.memory_space<semaphore_mem>>
    tpu.enqueue_indirect_dma source(%dma_start3A_121 : memref<1000000x64xf32, #tpu.memory_space<hbm>>) target(%dma_start3A_115 : memref<128x64xf32, #tpu.memory_space<vmem>>) offsets(%dma_start3A_118 : memref<128xi32, #tpu.memory_space<vmem>>) semaphore(%dma_start3A_123 : memref<!tpu.dma_semaphore, #tpu.memory_space<semaphore_mem>>)
    %dma_wait3A_124 = arith.constant 1 : i32
    %dma_wait3A_125 = arith.constant 1 : i32
    %dma_wait3A_126 = arith.constant 1 : i32
    %dma_wait3A_127 = arith.constant 0 : i32
    %dma_wait3A_128 = arith.constant 0 : i32
    %dma_wait3A_129 = tpu.memref_slice %arg6[%dma_wait3A_125, %dma_wait3A_127, %dma_wait3A_128] : memref<10x128x64xf32, #tpu.memory_space<vmem>> -> memref<1x128x64xf32, #tpu.memory_space<vmem>>
    %dma_wait3A_130 = tpu.memref_squeeze %dma_wait3A_129 : memref<1x128x64xf32, #tpu.memory_space<vmem>> -> memref<128x64xf32, #tpu.memory_space<vmem>>
    %dma_wait3A_131 = arith.constant 0 : i32
    %dma_wait3A_132 = tpu.memref_slice %arg5[%dma_wait3A_124, %dma_wait3A_131] : memref<200x128xi32, #tpu.memory_space<vmem>> -> memref<1x128xi32, #tpu.memory_space<vmem>>
    %dma_wait3A_133 = tpu.memref_squeeze %dma_wait3A_132 : memref<1x128xi32, #tpu.memory_space<vmem>> -> memref<128xi32, #tpu.memory_space<vmem>>
    %dma_wait3A_134 = arith.constant 0 : i32
    %dma_wait3A_135 = arith.constant 0 : i32
    %dma_wait3A_136 = tpu.memref_slice %arg3[%dma_wait3A_134, %dma_wait3A_135] : memref<1000000x64xf32, #tpu.memory_space<hbm>> -> memref<1000000x64xf32, #tpu.memory_space<hbm>>
    %dma_wait3A_137 = tpu.memref_slice %arg7[%dma_wait3A_126] : memref<10x!tpu.dma_semaphore, #tpu.memory_space<semaphore_mem>> -> memref<1x!tpu.dma_semaphore, #tpu.memory_space<semaphore_mem>>
    %dma_wait3A_138 = tpu.memref_squeeze %dma_wait3A_137 : memref<1x!tpu.dma_semaphore, #tpu.memory_space<semaphore_mem>> -> memref<!tpu.dma_semaphore, #tpu.memory_space<semaphore_mem>>
    tpu.wait_indirect_dma semaphore(%dma_wait3A_138 : memref<!tpu.dma_semaphore, #tpu.memory_space<semaphore_mem>>) src(%dma_wait3A_136 : memref<1000000x64xf32, #tpu.memory_space<hbm>>) dst(%dma_wait3A_130 : memref<128x64xf32, #tpu.memory_space<vmem>>)
    %add3A_139 = arith.constant 128 : i32
    %add3A_140 = arith.addi %mul3A_2, %add3A_139 : i32
    %dma_start3A_141 = arith.constant 1 : i32
    %dma_start3A_142 = arith.constant 1 : i32
    %dma_start3A_143 = arith.constant 0 : i32
    %dma_start3A_144 = arith.constant 0 : i32
    %dma_start3A_145 = tpu.memref_slice %arg6[%dma_start3A_141, %dma_start3A_143, %dma_start3A_144] : memref<10x128x64xf32, #tpu.memory_space<vmem>> -> memref<1x128x64xf32, #tpu.memory_space<vmem>>
    %dma_start3A_146 = tpu.memref_squeeze %dma_start3A_145 : memref<1x128x64xf32, #tpu.memory_space<vmem>> -> memref<128x64xf32, #tpu.memory_space<vmem>>
    %dma_start3A_147 = arith.constant 0 : i32
    %dma_start3A_148 = tpu.memref_slice %arg4[%add3A_140, %dma_start3A_147] : memref<819200x64xf32, #tpu.memory_space<hbm>> -> memref<128x64xf32, #tpu.memory_space<hbm>>
    %dma_start3A_149 = tpu.memref_slice %arg8[%dma_start3A_142] : memref<10x!tpu.dma_semaphore, #tpu.memory_space<semaphore_mem>> -> memref<1x!tpu.dma_semaphore, #tpu.memory_space<semaphore_mem>>
    %dma_start3A_150 = tpu.memref_squeeze %dma_start3A_149 : memref<1x!tpu.dma_semaphore, #tpu.memory_space<semaphore_mem>> -> memref<!tpu.dma_semaphore, #tpu.memory_space<semaphore_mem>>
    %dma_start3A_151 = arith.constant 0 : i32
    %dma_start3A_152 = tpu.memref_slice %arg4[%add3A_140, %dma_start3A_151] : memref<819200x64xf32, #tpu.memory_space<hbm>> -> memref<128x64xf32, #tpu.memory_space<hbm>>
    %dma_start3A_153 = arith.constant 0 : i32
    %dma_start3A_154 = arith.constant 0 : i32
    %dma_start3A_155 = tpu.memref_slice %arg6[%dma_start3A_141, %dma_start3A_153, %dma_start3A_154] : memref<10x128x64xf32, #tpu.memory_space<vmem>> -> memref<1x128x64xf32, #tpu.memory_space<vmem>>
    %dma_start3A_156 = tpu.memref_squeeze %dma_start3A_155 : memref<1x128x64xf32, #tpu.memory_space<vmem>> -> memref<128x64xf32, #tpu.memory_space<vmem>>
    tpu.enqueue_dma source(%dma_start3A_156 : memref<128x64xf32, #tpu.memory_space<vmem>>) target(%dma_start3A_152 : memref<128x64xf32, #tpu.memory_space<hbm>>) target_semaphore(%dma_start3A_150 : memref<!tpu.dma_semaphore, #tpu.memory_space<semaphore_mem>>)
    %dma_start3A_157 = arith.constant 6 : i32
    %dma_start3A_158 = arith.constant 6 : i32
    %dma_start3A_159 = arith.constant 6 : i32
    %dma_start3A_160 = arith.constant 0 : i32
    %dma_start3A_161 = arith.constant 0 : i32
    %dma_start3A_162 = tpu.memref_slice %arg6[%dma_start3A_158, %dma_start3A_160, %dma_start3A_161] : memref<10x128x64xf32, #tpu.memory_space<vmem>> -> memref<1x128x64xf32, #tpu.memory_space<vmem>>
    %dma_start3A_163 = tpu.memref_squeeze %dma_start3A_162 : memref<1x128x64xf32, #tpu.memory_space<vmem>> -> memref<128x64xf32, #tpu.memory_space<vmem>>
    %dma_start3A_164 = arith.constant 0 : i32
    %dma_start3A_165 = tpu.memref_slice %arg5[%dma_start3A_157, %dma_start3A_164] : memref<200x128xi32, #tpu.memory_space<vmem>> -> memref<1x128xi32, #tpu.memory_space<vmem>>
    %dma_start3A_166 = tpu.memref_squeeze %dma_start3A_165 : memref<1x128xi32, #tpu.memory_space<vmem>> -> memref<128xi32, #tpu.memory_space<vmem>>
    %dma_start3A_167 = arith.constant 0 : i32
    %dma_start3A_168 = arith.constant 0 : i32
    %dma_start3A_169 = tpu.memref_slice %arg3[%dma_start3A_167, %dma_start3A_168] : memref<1000000x64xf32, #tpu.memory_space<hbm>> -> memref<1000000x64xf32, #tpu.memory_space<hbm>>
    %dma_start3A_170 = tpu.memref_slice %arg7[%dma_start3A_159] : memref<10x!tpu.dma_semaphore, #tpu.memory_space<semaphore_mem>> -> memref<1x!tpu.dma_semaphore, #tpu.memory_space<semaphore_mem>>
    %dma_start3A_171 = tpu.memref_squeeze %dma_start3A_170 : memref<1x!tpu.dma_semaphore, #tpu.memory_space<semaphore_mem>> -> memref<!tpu.dma_semaphore, #tpu.memory_space<semaphore_mem>>
    tpu.enqueue_indirect_dma source(%dma_start3A_169 : memref<1000000x64xf32, #tpu.memory_space<hbm>>) target(%dma_start3A_163 : memref<128x64xf32, #tpu.memory_space<vmem>>) offsets(%dma_start3A_166 : memref<128xi32, #tpu.memory_space<vmem>>) semaphore(%dma_start3A_171 : memref<!tpu.dma_semaphore, #tpu.memory_space<semaphore_mem>>)
    %dma_wait3A_172 = arith.constant 2 : i32
    %dma_wait3A_173 = arith.constant 2 : i32
    %dma_wait3A_174 = arith.constant 2 : i32
    %dma_wait3A_175 = arith.constant 0 : i32
    %dma_wait3A_176 = arith.constant 0 : i32
    %dma_wait3A_177 = tpu.memref_slice %arg6[%dma_wait3A_173, %dma_wait3A_175, %dma_wait3A_176] : memref<10x128x64xf32, #tpu.memory_space<vmem>> -> memref<1x128x64xf32, #tpu.memory_space<vmem>>
    %dma_wait3A_178 = tpu.memref_squeeze %dma_wait3A_177 : memref<1x128x64xf32, #tpu.memory_space<vmem>> -> memref<128x64xf32, #tpu.memory_space<vmem>>
    %dma_wait3A_179 = arith.constant 0 : i32
    %dma_wait3A_180 = tpu.memref_slice %arg5[%dma_wait3A_172, %dma_wait3A_179] : memref<200x128xi32, #tpu.memory_space<vmem>> -> memref<1x128xi32, #tpu.memory_space<vmem>>
    %dma_wait3A_181 = tpu.memref_squeeze %dma_wait3A_180 : memref<1x128xi32, #tpu.memory_space<vmem>> -> memref<128xi32, #tpu.memory_space<vmem>>
    %dma_wait3A_182 = arith.constant 0 : i32
    %dma_wait3A_183 = arith.constant 0 : i32
    %dma_wait3A_184 = tpu.memref_slice %arg3[%dma_wait3A_182, %dma_wait3A_183] : memref<1000000x64xf32, #tpu.memory_space<hbm>> -> memref<1000000x64xf32, #tpu.memory_space<hbm>>
    %dma_wait3A_185 = tpu.memref_slice %arg7[%dma_wait3A_174] : memref<10x!tpu.dma_semaphore, #tpu.memory_space<semaphore_mem>> -> memref<1x!tpu.dma_semaphore, #tpu.memory_space<semaphore_mem>>
    %dma_wait3A_186 = tpu.memref_squeeze %dma_wait3A_185 : memref<1x!tpu.dma_semaphore, #tpu.memory_space<semaphore_mem>> -> memref<!tpu.dma_semaphore, #tpu.memory_space<semaphore_mem>>
    tpu.wait_indirect_dma semaphore(%dma_wait3A_186 : memref<!tpu.dma_semaphore, #tpu.memory_space<semaphore_mem>>) src(%dma_wait3A_184 : memref<1000000x64xf32, #tpu.memory_space<hbm>>) dst(%dma_wait3A_178 : memref<128x64xf32, #tpu.memory_space<vmem>>)
    %add3A_187 = arith.constant 256 : i32
    %add3A_188 = arith.addi %mul3A_2, %add3A_187 : i32
    %dma_start3A_189 = arith.constant 2 : i32
    %dma_start3A_190 = arith.constant 2 : i32
    %dma_start3A_191 = arith.constant 0 : i32
    %dma_start3A_192 = arith.constant 0 : i32
    %dma_start3A_193 = tpu.memref_slice %arg6[%dma_start3A_189, %dma_start3A_191, %dma_start3A_192] : memref<10x128x64xf32, #tpu.memory_space<vmem>> -> memref<1x128x64xf32, #tpu.memory_space<vmem>>
    %dma_start3A_194 = tpu.memref_squeeze %dma_start3A_193 : memref<1x128x64xf32, #tpu.memory_space<vmem>> -> memref<128x64xf32, #tpu.memory_space<vmem>>
    %dma_start3A_195 = arith.constant 0 : i32
    %dma_start3A_196 = tpu.memref_slice %arg4[%add3A_188, %dma_start3A_195] : memref<819200x64xf32, #tpu.memory_space<hbm>> -> memref<128x64xf32, #tpu.memory_space<hbm>>
    %dma_start3A_197 = tpu.memref_slice %arg8[%dma_start3A_190] : memref<10x!tpu.dma_semaphore, #tpu.memory_space<semaphore_mem>> -> memref<1x!tpu.dma_semaphore, #tpu.memory_space<semaphore_mem>>
    %dma_start3A_198 = tpu.memref_squeeze %dma_start3A_197 : memref<1x!tpu.dma_semaphore, #tpu.memory_space<semaphore_mem>> -> memref<!tpu.dma_semaphore, #tpu.memory_space<semaphore_mem>>
    %dma_start3A_199 = arith.constant 0 : i32
    %dma_start3A_200 = tpu.memref_slice %arg4[%add3A_188, %dma_start3A_199] : memref<819200x64xf32, #tpu.memory_space<hbm>> -> memref<128x64xf32, #tpu.memory_space<hbm>>
    %dma_start3A_201 = arith.constant 0 : i32
    %dma_start3A_202 = arith.constant 0 : i32
    %dma_start3A_203 = tpu.memref_slice %arg6[%dma_start3A_189, %dma_start3A_201, %dma_start3A_202] : memref<10x128x64xf32, #tpu.memory_space<vmem>> -> memref<1x128x64xf32, #tpu.memory_space<vmem>>
    %dma_start3A_204 = tpu.memref_squeeze %dma_start3A_203 : memref<1x128x64xf32, #tpu.memory_space<vmem>> -> memref<128x64xf32, #tpu.memory_space<vmem>>
    tpu.enqueue_dma source(%dma_start3A_204 : memref<128x64xf32, #tpu.memory_space<vmem>>) target(%dma_start3A_200 : memref<128x64xf32, #tpu.memory_space<hbm>>) target_semaphore(%dma_start3A_198 : memref<!tpu.dma_semaphore, #tpu.memory_space<semaphore_mem>>)
    %dma_start3A_205 = arith.constant 7 : i32
    %dma_start3A_206 = arith.constant 7 : i32
    %dma_start3A_207 = arith.constant 7 : i32
    %dma_start3A_208 = arith.constant 0 : i32
    %dma_start3A_209 = arith.constant 0 : i32
    %dma_start3A_210 = tpu.memref_slice %arg6[%dma_start3A_206, %dma_start3A_208, %dma_start3A_209] : memref<10x128x64xf32, #tpu.memory_space<vmem>> -> memref<1x128x64xf32, #tpu.memory_space<vmem>>
    %dma_start3A_211 = tpu.memref_squeeze %dma_start3A_210 : memref<1x128x64xf32, #tpu.memory_space<vmem>> -> memref<128x64xf32, #tpu.memory_space<vmem>>
    %dma_start3A_212 = arith.constant 0 : i32
    %dma_start3A_213 = tpu.memref_slice %arg5[%dma_start3A_205, %dma_start3A_212] : memref<200x128xi32, #tpu.memory_space<vmem>> -> memref<1x128xi32, #tpu.memory_space<vmem>>
    %dma_start3A_214 = tpu.memref_squeeze %dma_start3A_213 : memref<1x128xi32, #tpu.memory_space<vmem>> -> memref<128xi32, #tpu.memory_space<vmem>>
    %dma_start3A_215 = arith.constant 0 : i32
    %dma_start3A_216 = arith.constant 0 : i32
    %dma_start3A_217 = tpu.memref_slice %arg3[%dma_start3A_215, %dma_start3A_216] : memref<1000000x64xf32, #tpu.memory_space<hbm>> -> memref<1000000x64xf32, #tpu.memory_space<hbm>>
    %dma_start3A_218 = tpu.memref_slice %arg7[%dma_start3A_207] : memref<10x!tpu.dma_semaphore, #tpu.memory_space<semaphore_mem>> -> memref<1x!tpu.dma_semaphore, #tpu.memory_space<semaphore_mem>>
    %dma_start3A_219 = tpu.memref_squeeze %dma_start3A_218 : memref<1x!tpu.dma_semaphore, #tpu.memory_space<semaphore_mem>> -> memref<!tpu.dma_semaphore, #tpu.memory_space<semaphore_mem>>
    tpu.enqueue_indirect_dma source(%dma_start3A_217 : memref<1000000x64xf32, #tpu.memory_space<hbm>>) target(%dma_start3A_211 : memref<128x64xf32, #tpu.memory_space<vmem>>) offsets(%dma_start3A_214 : memref<128xi32, #tpu.memory_space<vmem>>) semaphore(%dma_start3A_219 : memref<!tpu.dma_semaphore, #tpu.memory_space<semaphore_mem>>)
    %dma_wait3A_220 = arith.constant 3 : i32
    %dma_wait3A_221 = arith.constant 3 : i32
    %dma_wait3A_222 = arith.constant 3 : i32
    %dma_wait3A_223 = arith.constant 0 : i32
    %dma_wait3A_224 = arith.constant 0 : i32
    %dma_wait3A_225 = tpu.memref_slice %arg6[%dma_wait3A_221, %dma_wait3A_223, %dma_wait3A_224] : memref<10x128x64xf32, #tpu.memory_space<vmem>> -> memref<1x128x64xf32, #tpu.memory_space<vmem>>
    %dma_wait3A_226 = tpu.memref_squeeze %dma_wait3A_225 : memref<1x128x64xf32, #tpu.memory_space<vmem>> -> memref<128x64xf32, #tpu.memory_space<vmem>>
    %dma_wait3A_227 = arith.constant 0 : i32
    %dma_wait3A_228 = tpu.memref_slice %arg5[%dma_wait3A_220, %dma_wait3A_227] : memref<200x128xi32, #tpu.memory_space<vmem>> -> memref<1x128xi32, #tpu.memory_space<vmem>>
    %dma_wait3A_229 = tpu.memref_squeeze %dma_wait3A_228 : memref<1x128xi32, #tpu.memory_space<vmem>> -> memref<128xi32, #tpu.memory_space<vmem>>
    %dma_wait3A_230 = arith.constant 0 : i32
    %dma_wait3A_231 = arith.constant 0 : i32
    %dma_wait3A_232 = tpu.memref_slice %arg3[%dma_wait3A_230, %dma_wait3A_231] : memref<1000000x64xf32, #tpu.memory_space<hbm>> -> memref<1000000x64xf32, #tpu.memory_space<hbm>>
    %dma_wait3A_233 = tpu.memref_slice %arg7[%dma_wait3A_222] : memref<10x!tpu.dma_semaphore, #tpu.memory_space<semaphore_mem>> -> memref<1x!tpu.dma_semaphore, #tpu.memory_space<semaphore_mem>>
    %dma_wait3A_234 = tpu.memref_squeeze %dma_wait3A_233 : memref<1x!tpu.dma_semaphore, #tpu.memory_space<semaphore_mem>> -> memref<!tpu.dma_semaphore, #tpu.memory_space<semaphore_mem>>
    tpu.wait_indirect_dma semaphore(%dma_wait3A_234 : memref<!tpu.dma_semaphore, #tpu.memory_space<semaphore_mem>>) src(%dma_wait3A_232 : memref<1000000x64xf32, #tpu.memory_space<hbm>>) dst(%dma_wait3A_226 : memref<128x64xf32, #tpu.memory_space<vmem>>)
    %add3A_235 = arith.constant 384 : i32
    %add3A_236 = arith.addi %mul3A_2, %add3A_235 : i32
    %dma_start3A_237 = arith.constant 3 : i32
    %dma_start3A_238 = arith.constant 3 : i32
    %dma_start3A_239 = arith.constant 0 : i32
    %dma_start3A_240 = arith.constant 0 : i32
    %dma_start3A_241 = tpu.memref_slice %arg6[%dma_start3A_237, %dma_start3A_239, %dma_start3A_240] : memref<10x128x64xf32, #tpu.memory_space<vmem>> -> memref<1x128x64xf32, #tpu.memory_space<vmem>>
    %dma_start3A_242 = tpu.memref_squeeze %dma_start3A_241 : memref<1x128x64xf32, #tpu.memory_space<vmem>> -> memref<128x64xf32, #tpu.memory_space<vmem>>
    %dma_start3A_243 = arith.constant 0 : i32
    %dma_start3A_244 = tpu.memref_slice %arg4[%add3A_236, %dma_start3A_243] : memref<819200x64xf32, #tpu.memory_space<hbm>> -> memref<128x64xf32, #tpu.memory_space<hbm>>
    %dma_start3A_245 = tpu.memref_slice %arg8[%dma_start3A_238] : memref<10x!tpu.dma_semaphore, #tpu.memory_space<semaphore_mem>> -> memref<1x!tpu.dma_semaphore, #tpu.memory_space<semaphore_mem>>
    %dma_start3A_246 = tpu.memref_squeeze %dma_start3A_245 : memref<1x!tpu.dma_semaphore, #tpu.memory_space<semaphore_mem>> -> memref<!tpu.dma_semaphore, #tpu.memory_space<semaphore_mem>>
    %dma_start3A_247 = arith.constant 0 : i32
    %dma_start3A_248 = tpu.memref_slice %arg4[%add3A_236, %dma_start3A_247] : memref<819200x64xf32, #tpu.memory_space<hbm>> -> memref<128x64xf32, #tpu.memory_space<hbm>>
    %dma_start3A_249 = arith.constant 0 : i32
    %dma_start3A_250 = arith.constant 0 : i32
    %dma_start3A_251 = tpu.memref_slice %arg6[%dma_start3A_237, %dma_start3A_249, %dma_start3A_250] : memref<10x128x64xf32, #tpu.memory_space<vmem>> -> memref<1x128x64xf32, #tpu.memory_space<vmem>>
    %dma_start3A_252 = tpu.memref_squeeze %dma_start3A_251 : memref<1x128x64xf32, #tpu.memory_space<vmem>> -> memref<128x64xf32, #tpu.memory_space<vmem>>
    tpu.enqueue_dma source(%dma_start3A_252 : memref<128x64xf32, #tpu.memory_space<vmem>>) target(%dma_start3A_248 : memref<128x64xf32, #tpu.memory_space<hbm>>) target_semaphore(%dma_start3A_246 : memref<!tpu.dma_semaphore, #tpu.memory_space<semaphore_mem>>)
    %dma_start3A_253 = arith.constant 8 : i32
    %dma_start3A_254 = arith.constant 8 : i32
    %dma_start3A_255 = arith.constant 8 : i32
    %dma_start3A_256 = arith.constant 0 : i32
    %dma_start3A_257 = arith.constant 0 : i32
    %dma_start3A_258 = tpu.memref_slice %arg6[%dma_start3A_254, %dma_start3A_256, %dma_start3A_257] : memref<10x128x64xf32, #tpu.memory_space<vmem>> -> memref<1x128x64xf32, #tpu.memory_space<vmem>>
    %dma_start3A_259 = tpu.memref_squeeze %dma_start3A_258 : memref<1x128x64xf32, #tpu.memory_space<vmem>> -> memref<128x64xf32, #tpu.memory_space<vmem>>
    %dma_start3A_260 = arith.constant 0 : i32
    %dma_start3A_261 = tpu.memref_slice %arg5[%dma_start3A_253, %dma_start3A_260] : memref<200x128xi32, #tpu.memory_space<vmem>> -> memref<1x128xi32, #tpu.memory_space<vmem>>
    %dma_start3A_262 = tpu.memref_squeeze %dma_start3A_261 : memref<1x128xi32, #tpu.memory_space<vmem>> -> memref<128xi32, #tpu.memory_space<vmem>>
    %dma_start3A_263 = arith.constant 0 : i32
    %dma_start3A_264 = arith.constant 0 : i32
    %dma_start3A_265 = tpu.memref_slice %arg3[%dma_start3A_263, %dma_start3A_264] : memref<1000000x64xf32, #tpu.memory_space<hbm>> -> memref<1000000x64xf32, #tpu.memory_space<hbm>>
    %dma_start3A_266 = tpu.memref_slice %arg7[%dma_start3A_255] : memref<10x!tpu.dma_semaphore, #tpu.memory_space<semaphore_mem>> -> memref<1x!tpu.dma_semaphore, #tpu.memory_space<semaphore_mem>>
    %dma_start3A_267 = tpu.memref_squeeze %dma_start3A_266 : memref<1x!tpu.dma_semaphore, #tpu.memory_space<semaphore_mem>> -> memref<!tpu.dma_semaphore, #tpu.memory_space<semaphore_mem>>
    tpu.enqueue_indirect_dma source(%dma_start3A_265 : memref<1000000x64xf32, #tpu.memory_space<hbm>>) target(%dma_start3A_259 : memref<128x64xf32, #tpu.memory_space<vmem>>) offsets(%dma_start3A_262 : memref<128xi32, #tpu.memory_space<vmem>>) semaphore(%dma_start3A_267 : memref<!tpu.dma_semaphore, #tpu.memory_space<semaphore_mem>>)
    %dma_wait3A_268 = arith.constant 4 : i32
    %dma_wait3A_269 = arith.constant 4 : i32
    %dma_wait3A_270 = arith.constant 4 : i32
    %dma_wait3A_271 = arith.constant 0 : i32
    %dma_wait3A_272 = arith.constant 0 : i32
    %dma_wait3A_273 = tpu.memref_slice %arg6[%dma_wait3A_269, %dma_wait3A_271, %dma_wait3A_272] : memref<10x128x64xf32, #tpu.memory_space<vmem>> -> memref<1x128x64xf32, #tpu.memory_space<vmem>>
    %dma_wait3A_274 = tpu.memref_squeeze %dma_wait3A_273 : memref<1x128x64xf32, #tpu.memory_space<vmem>> -> memref<128x64xf32, #tpu.memory_space<vmem>>
    %dma_wait3A_275 = arith.constant 0 : i32
    %dma_wait3A_276 = tpu.memref_slice %arg5[%dma_wait3A_268, %dma_wait3A_275] : memref<200x128xi32, #tpu.memory_space<vmem>> -> memref<1x128xi32, #tpu.memory_space<vmem>>
    %dma_wait3A_277 = tpu.memref_squeeze %dma_wait3A_276 : memref<1x128xi32, #tpu.memory_space<vmem>> -> memref<128xi32, #tpu.memory_space<vmem>>
    %dma_wait3A_278 = arith.constant 0 : i32
    %dma_wait3A_279 = arith.constant 0 : i32
    %dma_wait3A_280 = tpu.memref_slice %arg3[%dma_wait3A_278, %dma_wait3A_279] : memref<1000000x64xf32, #tpu.memory_space<hbm>> -> memref<1000000x64xf32, #tpu.memory_space<hbm>>
    %dma_wait3A_281 = tpu.memref_slice %arg7[%dma_wait3A_270] : memref<10x!tpu.dma_semaphore, #tpu.memory_space<semaphore_mem>> -> memref<1x!tpu.dma_semaphore, #tpu.memory_space<semaphore_mem>>
    %dma_wait3A_282 = tpu.memref_squeeze %dma_wait3A_281 : memref<1x!tpu.dma_semaphore, #tpu.memory_space<semaphore_mem>> -> memref<!tpu.dma_semaphore, #tpu.memory_space<semaphore_mem>>
    tpu.wait_indirect_dma semaphore(%dma_wait3A_282 : memref<!tpu.dma_semaphore, #tpu.memory_space<semaphore_mem>>) src(%dma_wait3A_280 : memref<1000000x64xf32, #tpu.memory_space<hbm>>) dst(%dma_wait3A_274 : memref<128x64xf32, #tpu.memory_space<vmem>>)
    %add3A_283 = arith.constant 512 : i32
    %add3A_284 = arith.addi %mul3A_2, %add3A_283 : i32
    %dma_start3A_285 = arith.constant 4 : i32
    %dma_start3A_286 = arith.constant 4 : i32
    %dma_start3A_287 = arith.constant 0 : i32
    %dma_start3A_288 = arith.constant 0 : i32
    %dma_start3A_289 = tpu.memref_slice %arg6[%dma_start3A_285, %dma_start3A_287, %dma_start3A_288] : memref<10x128x64xf32, #tpu.memory_space<vmem>> -> memref<1x128x64xf32, #tpu.memory_space<vmem>>
    %dma_start3A_290 = tpu.memref_squeeze %dma_start3A_289 : memref<1x128x64xf32, #tpu.memory_space<vmem>> -> memref<128x64xf32, #tpu.memory_space<vmem>>
    %dma_start3A_291 = arith.constant 0 : i32
    %dma_start3A_292 = tpu.memref_slice %arg4[%add3A_284, %dma_start3A_291] : memref<819200x64xf32, #tpu.memory_space<hbm>> -> memref<128x64xf32, #tpu.memory_space<hbm>>
    %dma_start3A_293 = tpu.memref_slice %arg8[%dma_start3A_286] : memref<10x!tpu.dma_semaphore, #tpu.memory_space<semaphore_mem>> -> memref<1x!tpu.dma_semaphore, #tpu.memory_space<semaphore_mem>>
    %dma_start3A_294 = tpu.memref_squeeze %dma_start3A_293 : memref<1x!tpu.dma_semaphore, #tpu.memory_space<semaphore_mem>> -> memref<!tpu.dma_semaphore, #tpu.memory_space<semaphore_mem>>
    %dma_start3A_295 = arith.constant 0 : i32
    %dma_start3A_296 = tpu.memref_slice %arg4[%add3A_284, %dma_start3A_295] : memref<819200x64xf32, #tpu.memory_space<hbm>> -> memref<128x64xf32, #tpu.memory_space<hbm>>
    %dma_start3A_297 = arith.constant 0 : i32
    %dma_start3A_298 = arith.constant 0 : i32
    %dma_start3A_299 = tpu.memref_slice %arg6[%dma_start3A_285, %dma_start3A_297, %dma_start3A_298] : memref<10x128x64xf32, #tpu.memory_space<vmem>> -> memref<1x128x64xf32, #tpu.memory_space<vmem>>
    %dma_start3A_300 = tpu.memref_squeeze %dma_start3A_299 : memref<1x128x64xf32, #tpu.memory_space<vmem>> -> memref<128x64xf32, #tpu.memory_space<vmem>>
    tpu.enqueue_dma source(%dma_start3A_300 : memref<128x64xf32, #tpu.memory_space<vmem>>) target(%dma_start3A_296 : memref<128x64xf32, #tpu.memory_space<hbm>>) target_semaphore(%dma_start3A_294 : memref<!tpu.dma_semaphore, #tpu.memory_space<semaphore_mem>>)
    %dma_start3A_301 = arith.constant 9 : i32
    %dma_start3A_302 = arith.constant 9 : i32
    %dma_start3A_303 = arith.constant 9 : i32
    %dma_start3A_304 = arith.constant 0 : i32
    %dma_start3A_305 = arith.constant 0 : i32
    %dma_start3A_306 = tpu.memref_slice %arg6[%dma_start3A_302, %dma_start3A_304, %dma_start3A_305] : memref<10x128x64xf32, #tpu.memory_space<vmem>> -> memref<1x128x64xf32, #tpu.memory_space<vmem>>
    %dma_start3A_307 = tpu.memref_squeeze %dma_start3A_306 : memref<1x128x64xf32, #tpu.memory_space<vmem>> -> memref<128x64xf32, #tpu.memory_space<vmem>>
    %dma_start3A_308 = arith.constant 0 : i32
    %dma_start3A_309 = tpu.memref_slice %arg5[%dma_start3A_301, %dma_start3A_308] : memref<200x128xi32, #tpu.memory_space<vmem>> -> memref<1x128xi32, #tpu.memory_space<vmem>>
    %dma_start3A_310 = tpu.memref_squeeze %dma_start3A_309 : memref<1x128xi32, #tpu.memory_space<vmem>> -> memref<128xi32, #tpu.memory_space<vmem>>
    %dma_start3A_311 = arith.constant 0 : i32
    %dma_start3A_312 = arith.constant 0 : i32
    %dma_start3A_313 = tpu.memref_slice %arg3[%dma_start3A_311, %dma_start3A_312] : memref<1000000x64xf32, #tpu.memory_space<hbm>> -> memref<1000000x64xf32, #tpu.memory_space<hbm>>
    %dma_start3A_314 = tpu.memref_slice %arg7[%dma_start3A_303] : memref<10x!tpu.dma_semaphore, #tpu.memory_space<semaphore_mem>> -> memref<1x!tpu.dma_semaphore, #tpu.memory_space<semaphore_mem>>
    %dma_start3A_315 = tpu.memref_squeeze %dma_start3A_314 : memref<1x!tpu.dma_semaphore, #tpu.memory_space<semaphore_mem>> -> memref<!tpu.dma_semaphore, #tpu.memory_space<semaphore_mem>>
    tpu.enqueue_indirect_dma source(%dma_start3A_313 : memref<1000000x64xf32, #tpu.memory_space<hbm>>) target(%dma_start3A_307 : memref<128x64xf32, #tpu.memory_space<vmem>>) offsets(%dma_start3A_310 : memref<128xi32, #tpu.memory_space<vmem>>) semaphore(%dma_start3A_315 : memref<!tpu.dma_semaphore, #tpu.memory_space<semaphore_mem>>)
    %scan3A = arith.constant 0 : i32
    %scan3A_316 = arith.constant 19 : i32
    %scan3A_317 = arith.addi %scan3A, %scan3A_316 : i32
    %scan3A_318 = arith.constant 1 : i32
    scf.for %scan3A_665 = %scan3A to %scan3A_317 step %scan3A_318  : i32 {
      %mul3A_666 = arith.constant 10 : i32
      %mul3A_667 = arith.muli %scan3A_665, %mul3A_666 : i32
      %add3A_668 = arith.constant 10 : i32
      %add3A_669 = arith.addi %add3A_668, %mul3A_667 : i32
      %add3A_670 = arith.constant 0 : i32
      %add3A_671 = arith.addi %add3A_669, %add3A_670 : i32
      %sub3A = arith.constant 5 : i32
      %sub3A_672 = arith.subi %add3A_671, %sub3A : i32
      %dma_wait3A_673 = arith.constant 5 : i32
      %dma_wait3A_674 = arith.constant 5 : i32
      %dma_wait3A_675 = arith.constant 0 : i32
      %dma_wait3A_676 = arith.constant 0 : i32
      %dma_wait3A_677 = tpu.memref_slice %arg6[%dma_wait3A_673, %dma_wait3A_675, %dma_wait3A_676] : memref<10x128x64xf32, #tpu.memory_space<vmem>> -> memref<1x128x64xf32, #tpu.memory_space<vmem>>
      %dma_wait3A_678 = tpu.memref_squeeze %dma_wait3A_677 : memref<1x128x64xf32, #tpu.memory_space<vmem>> -> memref<128x64xf32, #tpu.memory_space<vmem>>
      %dma_wait3A_679 = arith.constant 0 : i32
      %dma_wait3A_680 = tpu.memref_slice %arg5[%sub3A_672, %dma_wait3A_679] : memref<200x128xi32, #tpu.memory_space<vmem>> -> memref<1x128xi32, #tpu.memory_space<vmem>>
      %dma_wait3A_681 = tpu.memref_squeeze %dma_wait3A_680 : memref<1x128xi32, #tpu.memory_space<vmem>> -> memref<128xi32, #tpu.memory_space<vmem>>
      %dma_wait3A_682 = arith.constant 0 : i32
      %dma_wait3A_683 = arith.constant 0 : i32
      %dma_wait3A_684 = tpu.memref_slice %arg3[%dma_wait3A_682, %dma_wait3A_683] : memref<1000000x64xf32, #tpu.memory_space<hbm>> -> memref<1000000x64xf32, #tpu.memory_space<hbm>>
      %dma_wait3A_685 = tpu.memref_slice %arg7[%dma_wait3A_674] : memref<10x!tpu.dma_semaphore, #tpu.memory_space<semaphore_mem>> -> memref<1x!tpu.dma_semaphore, #tpu.memory_space<semaphore_mem>>
      %dma_wait3A_686 = tpu.memref_squeeze %dma_wait3A_685 : memref<1x!tpu.dma_semaphore, #tpu.memory_space<semaphore_mem>> -> memref<!tpu.dma_semaphore, #tpu.memory_space<semaphore_mem>>
      tpu.wait_indirect_dma semaphore(%dma_wait3A_686 : memref<!tpu.dma_semaphore, #tpu.memory_space<semaphore_mem>>) src(%dma_wait3A_684 : memref<1000000x64xf32, #tpu.memory_space<hbm>>) dst(%dma_wait3A_678 : memref<128x64xf32, #tpu.memory_space<vmem>>)
      %sub3A_687 = arith.constant 5 : i32
      %sub3A_688 = arith.subi %add3A_671, %sub3A_687 : i32
      %mul3A_689 = arith.constant 128 : i32
      %mul3A_690 = arith.muli %sub3A_688, %mul3A_689 : i32
      %add3A_691 = arith.addi %mul3A_2, %mul3A_690 : i32
      %dma_start3A_692 = arith.constant 5 : i32
      %dma_start3A_693 = arith.constant 5 : i32
      %dma_start3A_694 = arith.constant 0 : i32
      %dma_start3A_695 = arith.constant 0 : i32
      %dma_start3A_696 = tpu.memref_slice %arg6[%dma_start3A_692, %dma_start3A_694, %dma_start3A_695] : memref<10x128x64xf32, #tpu.memory_space<vmem>> -> memref<1x128x64xf32, #tpu.memory_space<vmem>>
      %dma_start3A_697 = tpu.memref_squeeze %dma_start3A_696 : memref<1x128x64xf32, #tpu.memory_space<vmem>> -> memref<128x64xf32, #tpu.memory_space<vmem>>
      %dma_start3A_698 = arith.constant 0 : i32
      %dma_start3A_699 = tpu.memref_slice %arg4[%add3A_691, %dma_start3A_698] : memref<819200x64xf32, #tpu.memory_space<hbm>> -> memref<128x64xf32, #tpu.memory_space<hbm>>
      %dma_start3A_700 = tpu.memref_slice %arg8[%dma_start3A_693] : memref<10x!tpu.dma_semaphore, #tpu.memory_space<semaphore_mem>> -> memref<1x!tpu.dma_semaphore, #tpu.memory_space<semaphore_mem>>
      %dma_start3A_701 = tpu.memref_squeeze %dma_start3A_700 : memref<1x!tpu.dma_semaphore, #tpu.memory_space<semaphore_mem>> -> memref<!tpu.dma_semaphore, #tpu.memory_space<semaphore_mem>>
      %dma_start3A_702 = arith.constant 0 : i32
      %dma_start3A_703 = tpu.memref_slice %arg4[%add3A_691, %dma_start3A_702] : memref<819200x64xf32, #tpu.memory_space<hbm>> -> memref<128x64xf32, #tpu.memory_space<hbm>>
      %dma_start3A_704 = arith.constant 0 : i32
      %dma_start3A_705 = arith.constant 0 : i32
      %dma_start3A_706 = tpu.memref_slice %arg6[%dma_start3A_692, %dma_start3A_704, %dma_start3A_705] : memref<10x128x64xf32, #tpu.memory_space<vmem>> -> memref<1x128x64xf32, #tpu.memory_space<vmem>>
      %dma_start3A_707 = tpu.memref_squeeze %dma_start3A_706 : memref<1x128x64xf32, #tpu.memory_space<vmem>> -> memref<128x64xf32, #tpu.memory_space<vmem>>
      tpu.enqueue_dma source(%dma_start3A_707 : memref<128x64xf32, #tpu.memory_space<vmem>>) target(%dma_start3A_703 : memref<128x64xf32, #tpu.memory_space<hbm>>) target_semaphore(%dma_start3A_701 : memref<!tpu.dma_semaphore, #tpu.memory_space<semaphore_mem>>)
      %sub3A_708 = arith.constant 10 : i32
      %sub3A_709 = arith.subi %add3A_671, %sub3A_708 : i32
      %mul3A_710 = arith.constant 128 : i32
      %mul3A_711 = arith.muli %sub3A_709, %mul3A_710 : i32
      %add3A_712 = arith.addi %mul3A_2, %mul3A_711 : i32
      %dma_wait3A_713 = arith.constant 0 : i32
      %dma_wait3A_714 = arith.constant 0 : i32
      %dma_wait3A_715 = arith.constant 0 : i32
      %dma_wait3A_716 = arith.constant 0 : i32
      %dma_wait3A_717 = tpu.memref_slice %arg6[%dma_wait3A_713, %dma_wait3A_715, %dma_wait3A_716] : memref<10x128x64xf32, #tpu.memory_space<vmem>> -> memref<1x128x64xf32, #tpu.memory_space<vmem>>
      %dma_wait3A_718 = tpu.memref_squeeze %dma_wait3A_717 : memref<1x128x64xf32, #tpu.memory_space<vmem>> -> memref<128x64xf32, #tpu.memory_space<vmem>>
      %dma_wait3A_719 = arith.constant 0 : i32
      %dma_wait3A_720 = tpu.memref_slice %arg4[%add3A_712, %dma_wait3A_719] : memref<819200x64xf32, #tpu.memory_space<hbm>> -> memref<128x64xf32, #tpu.memory_space<hbm>>
      %dma_wait3A_721 = tpu.memref_slice %arg8[%dma_wait3A_714] : memref<10x!tpu.dma_semaphore, #tpu.memory_space<semaphore_mem>> -> memref<1x!tpu.dma_semaphore, #tpu.memory_space<semaphore_mem>>
      %dma_wait3A_722 = tpu.memref_squeeze %dma_wait3A_721 : memref<1x!tpu.dma_semaphore, #tpu.memory_space<semaphore_mem>> -> memref<!tpu.dma_semaphore, #tpu.memory_space<semaphore_mem>>
      %dma_wait3A_723 = arith.constant 0 : i32
      %dma_wait3A_724 = tpu.memref_slice %arg4[%add3A_712, %dma_wait3A_723] : memref<819200x64xf32, #tpu.memory_space<hbm>> -> memref<128x64xf32, #tpu.memory_space<hbm>>
      %dma_wait3A_725 = arith.constant 0 : i32
      %dma_wait3A_726 = arith.constant 0 : i32
      %dma_wait3A_727 = tpu.memref_slice %arg6[%dma_wait3A_713, %dma_wait3A_725, %dma_wait3A_726] : memref<10x128x64xf32, #tpu.memory_space<vmem>> -> memref<1x128x64xf32, #tpu.memory_space<vmem>>
      %dma_wait3A_728 = tpu.memref_squeeze %dma_wait3A_727 : memref<1x128x64xf32, #tpu.memory_space<vmem>> -> memref<128x64xf32, #tpu.memory_space<vmem>>
      tpu.wait_dma2 semaphore(%dma_wait3A_722 : memref<!tpu.dma_semaphore, #tpu.memory_space<semaphore_mem>>) src(%dma_wait3A_728 : memref<128x64xf32, #tpu.memory_space<vmem>>) dst(%dma_wait3A_724 : memref<128x64xf32, #tpu.memory_space<hbm>>)
      %dma_start3A_729 = arith.constant 0 : i32
      %dma_start3A_730 = arith.constant 0 : i32
      %dma_start3A_731 = arith.constant 0 : i32
      %dma_start3A_732 = arith.constant 0 : i32
      %dma_start3A_733 = tpu.memref_slice %arg6[%dma_start3A_729, %dma_start3A_731, %dma_start3A_732] : memref<10x128x64xf32, #tpu.memory_space<vmem>> -> memref<1x128x64xf32, #tpu.memory_space<vmem>>
      %dma_start3A_734 = tpu.memref_squeeze %dma_start3A_733 : memref<1x128x64xf32, #tpu.memory_space<vmem>> -> memref<128x64xf32, #tpu.memory_space<vmem>>
      %dma_start3A_735 = arith.constant 0 : i32
      %dma_start3A_736 = tpu.memref_slice %arg5[%add3A_671, %dma_start3A_735] : memref<200x128xi32, #tpu.memory_space<vmem>> -> memref<1x128xi32, #tpu.memory_space<vmem>>
      %dma_start3A_737 = tpu.memref_squeeze %dma_start3A_736 : memref<1x128xi32, #tpu.memory_space<vmem>> -> memref<128xi32, #tpu.memory_space<vmem>>
      %dma_start3A_738 = arith.constant 0 : i32
      %dma_start3A_739 = arith.constant 0 : i32
      %dma_start3A_740 = tpu.memref_slice %arg3[%dma_start3A_738, %dma_start3A_739] : memref<1000000x64xf32, #tpu.memory_space<hbm>> -> memref<1000000x64xf32, #tpu.memory_space<hbm>>
      %dma_start3A_741 = tpu.memref_slice %arg7[%dma_start3A_730] : memref<10x!tpu.dma_semaphore, #tpu.memory_space<semaphore_mem>> -> memref<1x!tpu.dma_semaphore, #tpu.memory_space<semaphore_mem>>
      %dma_start3A_742 = tpu.memref_squeeze %dma_start3A_741 : memref<1x!tpu.dma_semaphore, #tpu.memory_space<semaphore_mem>> -> memref<!tpu.dma_semaphore, #tpu.memory_space<semaphore_mem>>
      tpu.enqueue_indirect_dma source(%dma_start3A_740 : memref<1000000x64xf32, #tpu.memory_space<hbm>>) target(%dma_start3A_734 : memref<128x64xf32, #tpu.memory_space<vmem>>) offsets(%dma_start3A_737 : memref<128xi32, #tpu.memory_space<vmem>>) semaphore(%dma_start3A_742 : memref<!tpu.dma_semaphore, #tpu.memory_space<semaphore_mem>>)
      %add3A_743 = arith.constant 1 : i32
      %add3A_744 = arith.addi %add3A_669, %add3A_743 : i32
      %sub3A_745 = arith.constant 5 : i32
      %sub3A_746 = arith.subi %add3A_744, %sub3A_745 : i32
      %dma_wait3A_747 = arith.constant 6 : i32
      %dma_wait3A_748 = arith.constant 6 : i32
      %dma_wait3A_749 = arith.constant 0 : i32
      %dma_wait3A_750 = arith.constant 0 : i32
      %dma_wait3A_751 = tpu.memref_slice %arg6[%dma_wait3A_747, %dma_wait3A_749, %dma_wait3A_750] : memref<10x128x64xf32, #tpu.memory_space<vmem>> -> memref<1x128x64xf32, #tpu.memory_space<vmem>>
      %dma_wait3A_752 = tpu.memref_squeeze %dma_wait3A_751 : memref<1x128x64xf32, #tpu.memory_space<vmem>> -> memref<128x64xf32, #tpu.memory_space<vmem>>
      %dma_wait3A_753 = arith.constant 0 : i32
      %dma_wait3A_754 = tpu.memref_slice %arg5[%sub3A_746, %dma_wait3A_753] : memref<200x128xi32, #tpu.memory_space<vmem>> -> memref<1x128xi32, #tpu.memory_space<vmem>>
      %dma_wait3A_755 = tpu.memref_squeeze %dma_wait3A_754 : memref<1x128xi32, #tpu.memory_space<vmem>> -> memref<128xi32, #tpu.memory_space<vmem>>
      %dma_wait3A_756 = arith.constant 0 : i32
      %dma_wait3A_757 = arith.constant 0 : i32
      %dma_wait3A_758 = tpu.memref_slice %arg3[%dma_wait3A_756, %dma_wait3A_757] : memref<1000000x64xf32, #tpu.memory_space<hbm>> -> memref<1000000x64xf32, #tpu.memory_space<hbm>>
      %dma_wait3A_759 = tpu.memref_slice %arg7[%dma_wait3A_748] : memref<10x!tpu.dma_semaphore, #tpu.memory_space<semaphore_mem>> -> memref<1x!tpu.dma_semaphore, #tpu.memory_space<semaphore_mem>>
      %dma_wait3A_760 = tpu.memref_squeeze %dma_wait3A_759 : memref<1x!tpu.dma_semaphore, #tpu.memory_space<semaphore_mem>> -> memref<!tpu.dma_semaphore, #tpu.memory_space<semaphore_mem>>
      tpu.wait_indirect_dma semaphore(%dma_wait3A_760 : memref<!tpu.dma_semaphore, #tpu.memory_space<semaphore_mem>>) src(%dma_wait3A_758 : memref<1000000x64xf32, #tpu.memory_space<hbm>>) dst(%dma_wait3A_752 : memref<128x64xf32, #tpu.memory_space<vmem>>)
      %sub3A_761 = arith.constant 5 : i32
      %sub3A_762 = arith.subi %add3A_744, %sub3A_761 : i32
      %mul3A_763 = arith.constant 128 : i32
      %mul3A_764 = arith.muli %sub3A_762, %mul3A_763 : i32
      %add3A_765 = arith.addi %mul3A_2, %mul3A_764 : i32
      %dma_start3A_766 = arith.constant 6 : i32
      %dma_start3A_767 = arith.constant 6 : i32
      %dma_start3A_768 = arith.constant 0 : i32
      %dma_start3A_769 = arith.constant 0 : i32
      %dma_start3A_770 = tpu.memref_slice %arg6[%dma_start3A_766, %dma_start3A_768, %dma_start3A_769] : memref<10x128x64xf32, #tpu.memory_space<vmem>> -> memref<1x128x64xf32, #tpu.memory_space<vmem>>
      %dma_start3A_771 = tpu.memref_squeeze %dma_start3A_770 : memref<1x128x64xf32, #tpu.memory_space<vmem>> -> memref<128x64xf32, #tpu.memory_space<vmem>>
      %dma_start3A_772 = arith.constant 0 : i32
      %dma_start3A_773 = tpu.memref_slice %arg4[%add3A_765, %dma_start3A_772] : memref<819200x64xf32, #tpu.memory_space<hbm>> -> memref<128x64xf32, #tpu.memory_space<hbm>>
      %dma_start3A_774 = tpu.memref_slice %arg8[%dma_start3A_767] : memref<10x!tpu.dma_semaphore, #tpu.memory_space<semaphore_mem>> -> memref<1x!tpu.dma_semaphore, #tpu.memory_space<semaphore_mem>>
      %dma_start3A_775 = tpu.memref_squeeze %dma_start3A_774 : memref<1x!tpu.dma_semaphore, #tpu.memory_space<semaphore_mem>> -> memref<!tpu.dma_semaphore, #tpu.memory_space<semaphore_mem>>
      %dma_start3A_776 = arith.constant 0 : i32
      %dma_start3A_777 = tpu.memref_slice %arg4[%add3A_765, %dma_start3A_776] : memref<819200x64xf32, #tpu.memory_space<hbm>> -> memref<128x64xf32, #tpu.memory_space<hbm>>
      %dma_start3A_778 = arith.constant 0 : i32
      %dma_start3A_779 = arith.constant 0 : i32
      %dma_start3A_780 = tpu.memref_slice %arg6[%dma_start3A_766, %dma_start3A_778, %dma_start3A_779] : memref<10x128x64xf32, #tpu.memory_space<vmem>> -> memref<1x128x64xf32, #tpu.memory_space<vmem>>
      %dma_start3A_781 = tpu.memref_squeeze %dma_start3A_780 : memref<1x128x64xf32, #tpu.memory_space<vmem>> -> memref<128x64xf32, #tpu.memory_space<vmem>>
      tpu.enqueue_dma source(%dma_start3A_781 : memref<128x64xf32, #tpu.memory_space<vmem>>) target(%dma_start3A_777 : memref<128x64xf32, #tpu.memory_space<hbm>>) target_semaphore(%dma_start3A_775 : memref<!tpu.dma_semaphore, #tpu.memory_space<semaphore_mem>>)
      %sub3A_782 = arith.constant 10 : i32
      %sub3A_783 = arith.subi %add3A_744, %sub3A_782 : i32
      %mul3A_784 = arith.constant 128 : i32
      %mul3A_785 = arith.muli %sub3A_783, %mul3A_784 : i32
      %add3A_786 = arith.addi %mul3A_2, %mul3A_785 : i32
      %dma_wait3A_787 = arith.constant 1 : i32
      %dma_wait3A_788 = arith.constant 1 : i32
      %dma_wait3A_789 = arith.constant 0 : i32
      %dma_wait3A_790 = arith.constant 0 : i32
      %dma_wait3A_791 = tpu.memref_slice %arg6[%dma_wait3A_787, %dma_wait3A_789, %dma_wait3A_790] : memref<10x128x64xf32, #tpu.memory_space<vmem>> -> memref<1x128x64xf32, #tpu.memory_space<vmem>>
      %dma_wait3A_792 = tpu.memref_squeeze %dma_wait3A_791 : memref<1x128x64xf32, #tpu.memory_space<vmem>> -> memref<128x64xf32, #tpu.memory_space<vmem>>
      %dma_wait3A_793 = arith.constant 0 : i32
      %dma_wait3A_794 = tpu.memref_slice %arg4[%add3A_786, %dma_wait3A_793] : memref<819200x64xf32, #tpu.memory_space<hbm>> -> memref<128x64xf32, #tpu.memory_space<hbm>>
      %dma_wait3A_795 = tpu.memref_slice %arg8[%dma_wait3A_788] : memref<10x!tpu.dma_semaphore, #tpu.memory_space<semaphore_mem>> -> memref<1x!tpu.dma_semaphore, #tpu.memory_space<semaphore_mem>>
      %dma_wait3A_796 = tpu.memref_squeeze %dma_wait3A_795 : memref<1x!tpu.dma_semaphore, #tpu.memory_space<semaphore_mem>> -> memref<!tpu.dma_semaphore, #tpu.memory_space<semaphore_mem>>
      %dma_wait3A_797 = arith.constant 0 : i32
      %dma_wait3A_798 = tpu.memref_slice %arg4[%add3A_786, %dma_wait3A_797] : memref<819200x64xf32, #tpu.memory_space<hbm>> -> memref<128x64xf32, #tpu.memory_space<hbm>>
      %dma_wait3A_799 = arith.constant 0 : i32
      %dma_wait3A_800 = arith.constant 0 : i32
      %dma_wait3A_801 = tpu.memref_slice %arg6[%dma_wait3A_787, %dma_wait3A_799, %dma_wait3A_800] : memref<10x128x64xf32, #tpu.memory_space<vmem>> -> memref<1x128x64xf32, #tpu.memory_space<vmem>>
      %dma_wait3A_802 = tpu.memref_squeeze %dma_wait3A_801 : memref<1x128x64xf32, #tpu.memory_space<vmem>> -> memref<128x64xf32, #tpu.memory_space<vmem>>
      tpu.wait_dma2 semaphore(%dma_wait3A_796 : memref<!tpu.dma_semaphore, #tpu.memory_space<semaphore_mem>>) src(%dma_wait3A_802 : memref<128x64xf32, #tpu.memory_space<vmem>>) dst(%dma_wait3A_798 : memref<128x64xf32, #tpu.memory_space<hbm>>)
      %dma_start3A_803 = arith.constant 1 : i32
      %dma_start3A_804 = arith.constant 1 : i32
      %dma_start3A_805 = arith.constant 0 : i32
      %dma_start3A_806 = arith.constant 0 : i32
      %dma_start3A_807 = tpu.memref_slice %arg6[%dma_start3A_803, %dma_start3A_805, %dma_start3A_806] : memref<10x128x64xf32, #tpu.memory_space<vmem>> -> memref<1x128x64xf32, #tpu.memory_space<vmem>>
      %dma_start3A_808 = tpu.memref_squeeze %dma_start3A_807 : memref<1x128x64xf32, #tpu.memory_space<vmem>> -> memref<128x64xf32, #tpu.memory_space<vmem>>
      %dma_start3A_809 = arith.constant 0 : i32
      %dma_start3A_810 = tpu.memref_slice %arg5[%add3A_744, %dma_start3A_809] : memref<200x128xi32, #tpu.memory_space<vmem>> -> memref<1x128xi32, #tpu.memory_space<vmem>>
      %dma_start3A_811 = tpu.memref_squeeze %dma_start3A_810 : memref<1x128xi32, #tpu.memory_space<vmem>> -> memref<128xi32, #tpu.memory_space<vmem>>
      %dma_start3A_812 = arith.constant 0 : i32
      %dma_start3A_813 = arith.constant 0 : i32
      %dma_start3A_814 = tpu.memref_slice %arg3[%dma_start3A_812, %dma_start3A_813] : memref<1000000x64xf32, #tpu.memory_space<hbm>> -> memref<1000000x64xf32, #tpu.memory_space<hbm>>
      %dma_start3A_815 = tpu.memref_slice %arg7[%dma_start3A_804] : memref<10x!tpu.dma_semaphore, #tpu.memory_space<semaphore_mem>> -> memref<1x!tpu.dma_semaphore, #tpu.memory_space<semaphore_mem>>
      %dma_start3A_816 = tpu.memref_squeeze %dma_start3A_815 : memref<1x!tpu.dma_semaphore, #tpu.memory_space<semaphore_mem>> -> memref<!tpu.dma_semaphore, #tpu.memory_space<semaphore_mem>>
      tpu.enqueue_indirect_dma source(%dma_start3A_814 : memref<1000000x64xf32, #tpu.memory_space<hbm>>) target(%dma_start3A_808 : memref<128x64xf32, #tpu.memory_space<vmem>>) offsets(%dma_start3A_811 : memref<128xi32, #tpu.memory_space<vmem>>) semaphore(%dma_start3A_816 : memref<!tpu.dma_semaphore, #tpu.memory_space<semaphore_mem>>)
      %add3A_817 = arith.constant 2 : i32
      %add3A_818 = arith.addi %add3A_669, %add3A_817 : i32
      %sub3A_819 = arith.constant 5 : i32
      %sub3A_820 = arith.subi %add3A_818, %sub3A_819 : i32
      %dma_wait3A_821 = arith.constant 7 : i32
      %dma_wait3A_822 = arith.constant 7 : i32
      %dma_wait3A_823 = arith.constant 0 : i32
      %dma_wait3A_824 = arith.constant 0 : i32
      %dma_wait3A_825 = tpu.memref_slice %arg6[%dma_wait3A_821, %dma_wait3A_823, %dma_wait3A_824] : memref<10x128x64xf32, #tpu.memory_space<vmem>> -> memref<1x128x64xf32, #tpu.memory_space<vmem>>
      %dma_wait3A_826 = tpu.memref_squeeze %dma_wait3A_825 : memref<1x128x64xf32, #tpu.memory_space<vmem>> -> memref<128x64xf32, #tpu.memory_space<vmem>>
      %dma_wait3A_827 = arith.constant 0 : i32
      %dma_wait3A_828 = tpu.memref_slice %arg5[%sub3A_820, %dma_wait3A_827] : memref<200x128xi32, #tpu.memory_space<vmem>> -> memref<1x128xi32, #tpu.memory_space<vmem>>
      %dma_wait3A_829 = tpu.memref_squeeze %dma_wait3A_828 : memref<1x128xi32, #tpu.memory_space<vmem>> -> memref<128xi32, #tpu.memory_space<vmem>>
      %dma_wait3A_830 = arith.constant 0 : i32
      %dma_wait3A_831 = arith.constant 0 : i32
      %dma_wait3A_832 = tpu.memref_slice %arg3[%dma_wait3A_830, %dma_wait3A_831] : memref<1000000x64xf32, #tpu.memory_space<hbm>> -> memref<1000000x64xf32, #tpu.memory_space<hbm>>
      %dma_wait3A_833 = tpu.memref_slice %arg7[%dma_wait3A_822] : memref<10x!tpu.dma_semaphore, #tpu.memory_space<semaphore_mem>> -> memref<1x!tpu.dma_semaphore, #tpu.memory_space<semaphore_mem>>
      %dma_wait3A_834 = tpu.memref_squeeze %dma_wait3A_833 : memref<1x!tpu.dma_semaphore, #tpu.memory_space<semaphore_mem>> -> memref<!tpu.dma_semaphore, #tpu.memory_space<semaphore_mem>>
      tpu.wait_indirect_dma semaphore(%dma_wait3A_834 : memref<!tpu.dma_semaphore, #tpu.memory_space<semaphore_mem>>) src(%dma_wait3A_832 : memref<1000000x64xf32, #tpu.memory_space<hbm>>) dst(%dma_wait3A_826 : memref<128x64xf32, #tpu.memory_space<vmem>>)
      %sub3A_835 = arith.constant 5 : i32
      %sub3A_836 = arith.subi %add3A_818, %sub3A_835 : i32
      %mul3A_837 = arith.constant 128 : i32
      %mul3A_838 = arith.muli %sub3A_836, %mul3A_837 : i32
      %add3A_839 = arith.addi %mul3A_2, %mul3A_838 : i32
      %dma_start3A_840 = arith.constant 7 : i32
      %dma_start3A_841 = arith.constant 7 : i32
      %dma_start3A_842 = arith.constant 0 : i32
      %dma_start3A_843 = arith.constant 0 : i32
      %dma_start3A_844 = tpu.memref_slice %arg6[%dma_start3A_840, %dma_start3A_842, %dma_start3A_843] : memref<10x128x64xf32, #tpu.memory_space<vmem>> -> memref<1x128x64xf32, #tpu.memory_space<vmem>>
      %dma_start3A_845 = tpu.memref_squeeze %dma_start3A_844 : memref<1x128x64xf32, #tpu.memory_space<vmem>> -> memref<128x64xf32, #tpu.memory_space<vmem>>
      %dma_start3A_846 = arith.constant 0 : i32
      %dma_start3A_847 = tpu.memref_slice %arg4[%add3A_839, %dma_start3A_846] : memref<819200x64xf32, #tpu.memory_space<hbm>> -> memref<128x64xf32, #tpu.memory_space<hbm>>
      %dma_start3A_848 = tpu.memref_slice %arg8[%dma_start3A_841] : memref<10x!tpu.dma_semaphore, #tpu.memory_space<semaphore_mem>> -> memref<1x!tpu.dma_semaphore, #tpu.memory_space<semaphore_mem>>
      %dma_start3A_849 = tpu.memref_squeeze %dma_start3A_848 : memref<1x!tpu.dma_semaphore, #tpu.memory_space<semaphore_mem>> -> memref<!tpu.dma_semaphore, #tpu.memory_space<semaphore_mem>>
      %dma_start3A_850 = arith.constant 0 : i32
      %dma_start3A_851 = tpu.memref_slice %arg4[%add3A_839, %dma_start3A_850] : memref<819200x64xf32, #tpu.memory_space<hbm>> -> memref<128x64xf32, #tpu.memory_space<hbm>>
      %dma_start3A_852 = arith.constant 0 : i32
      %dma_start3A_853 = arith.constant 0 : i32
      %dma_start3A_854 = tpu.memref_slice %arg6[%dma_start3A_840, %dma_start3A_852, %dma_start3A_853] : memref<10x128x64xf32, #tpu.memory_space<vmem>> -> memref<1x128x64xf32, #tpu.memory_space<vmem>>
      %dma_start3A_855 = tpu.memref_squeeze %dma_start3A_854 : memref<1x128x64xf32, #tpu.memory_space<vmem>> -> memref<128x64xf32, #tpu.memory_space<vmem>>
      tpu.enqueue_dma source(%dma_start3A_855 : memref<128x64xf32, #tpu.memory_space<vmem>>) target(%dma_start3A_851 : memref<128x64xf32, #tpu.memory_space<hbm>>) target_semaphore(%dma_start3A_849 : memref<!tpu.dma_semaphore, #tpu.memory_space<semaphore_mem>>)
      %sub3A_856 = arith.constant 10 : i32
      %sub3A_857 = arith.subi %add3A_818, %sub3A_856 : i32
      %mul3A_858 = arith.constant 128 : i32
      %mul3A_859 = arith.muli %sub3A_857, %mul3A_858 : i32
      %add3A_860 = arith.addi %mul3A_2, %mul3A_859 : i32
      %dma_wait3A_861 = arith.constant 2 : i32
      %dma_wait3A_862 = arith.constant 2 : i32
      %dma_wait3A_863 = arith.constant 0 : i32
      %dma_wait3A_864 = arith.constant 0 : i32
      %dma_wait3A_865 = tpu.memref_slice %arg6[%dma_wait3A_861, %dma_wait3A_863, %dma_wait3A_864] : memref<10x128x64xf32, #tpu.memory_space<vmem>> -> memref<1x128x64xf32, #tpu.memory_space<vmem>>
      %dma_wait3A_866 = tpu.memref_squeeze %dma_wait3A_865 : memref<1x128x64xf32, #tpu.memory_space<vmem>> -> memref<128x64xf32, #tpu.memory_space<vmem>>
      %dma_wait3A_867 = arith.constant 0 : i32
      %dma_wait3A_868 = tpu.memref_slice %arg4[%add3A_860, %dma_wait3A_867] : memref<819200x64xf32, #tpu.memory_space<hbm>> -> memref<128x64xf32, #tpu.memory_space<hbm>>
      %dma_wait3A_869 = tpu.memref_slice %arg8[%dma_wait3A_862] : memref<10x!tpu.dma_semaphore, #tpu.memory_space<semaphore_mem>> -> memref<1x!tpu.dma_semaphore, #tpu.memory_space<semaphore_mem>>
      %dma_wait3A_870 = tpu.memref_squeeze %dma_wait3A_869 : memref<1x!tpu.dma_semaphore, #tpu.memory_space<semaphore_mem>> -> memref<!tpu.dma_semaphore, #tpu.memory_space<semaphore_mem>>
      %dma_wait3A_871 = arith.constant 0 : i32
      %dma_wait3A_872 = tpu.memref_slice %arg4[%add3A_860, %dma_wait3A_871] : memref<819200x64xf32, #tpu.memory_space<hbm>> -> memref<128x64xf32, #tpu.memory_space<hbm>>
      %dma_wait3A_873 = arith.constant 0 : i32
      %dma_wait3A_874 = arith.constant 0 : i32
      %dma_wait3A_875 = tpu.memref_slice %arg6[%dma_wait3A_861, %dma_wait3A_873, %dma_wait3A_874] : memref<10x128x64xf32, #tpu.memory_space<vmem>> -> memref<1x128x64xf32, #tpu.memory_space<vmem>>
      %dma_wait3A_876 = tpu.memref_squeeze %dma_wait3A_875 : memref<1x128x64xf32, #tpu.memory_space<vmem>> -> memref<128x64xf32, #tpu.memory_space<vmem>>
      tpu.wait_dma2 semaphore(%dma_wait3A_870 : memref<!tpu.dma_semaphore, #tpu.memory_space<semaphore_mem>>) src(%dma_wait3A_876 : memref<128x64xf32, #tpu.memory_space<vmem>>) dst(%dma_wait3A_872 : memref<128x64xf32, #tpu.memory_space<hbm>>)
      %dma_start3A_877 = arith.constant 2 : i32
      %dma_start3A_878 = arith.constant 2 : i32
      %dma_start3A_879 = arith.constant 0 : i32
      %dma_start3A_880 = arith.constant 0 : i32
      %dma_start3A_881 = tpu.memref_slice %arg6[%dma_start3A_877, %dma_start3A_879, %dma_start3A_880] : memref<10x128x64xf32, #tpu.memory_space<vmem>> -> memref<1x128x64xf32, #tpu.memory_space<vmem>>
      %dma_start3A_882 = tpu.memref_squeeze %dma_start3A_881 : memref<1x128x64xf32, #tpu.memory_space<vmem>> -> memref<128x64xf32, #tpu.memory_space<vmem>>
      %dma_start3A_883 = arith.constant 0 : i32
      %dma_start3A_884 = tpu.memref_slice %arg5[%add3A_818, %dma_start3A_883] : memref<200x128xi32, #tpu.memory_space<vmem>> -> memref<1x128xi32, #tpu.memory_space<vmem>>
      %dma_start3A_885 = tpu.memref_squeeze %dma_start3A_884 : memref<1x128xi32, #tpu.memory_space<vmem>> -> memref<128xi32, #tpu.memory_space<vmem>>
      %dma_start3A_886 = arith.constant 0 : i32
      %dma_start3A_887 = arith.constant 0 : i32
      %dma_start3A_888 = tpu.memref_slice %arg3[%dma_start3A_886, %dma_start3A_887] : memref<1000000x64xf32, #tpu.memory_space<hbm>> -> memref<1000000x64xf32, #tpu.memory_space<hbm>>
      %dma_start3A_889 = tpu.memref_slice %arg7[%dma_start3A_878] : memref<10x!tpu.dma_semaphore, #tpu.memory_space<semaphore_mem>> -> memref<1x!tpu.dma_semaphore, #tpu.memory_space<semaphore_mem>>
      %dma_start3A_890 = tpu.memref_squeeze %dma_start3A_889 : memref<1x!tpu.dma_semaphore, #tpu.memory_space<semaphore_mem>> -> memref<!tpu.dma_semaphore, #tpu.memory_space<semaphore_mem>>
      tpu.enqueue_indirect_dma source(%dma_start3A_888 : memref<1000000x64xf32, #tpu.memory_space<hbm>>) target(%dma_start3A_882 : memref<128x64xf32, #tpu.memory_space<vmem>>) offsets(%dma_start3A_885 : memref<128xi32, #tpu.memory_space<vmem>>) semaphore(%dma_start3A_890 : memref<!tpu.dma_semaphore, #tpu.memory_space<semaphore_mem>>)
      %add3A_891 = arith.constant 3 : i32
      %add3A_892 = arith.addi %add3A_669, %add3A_891 : i32
      %sub3A_893 = arith.constant 5 : i32
      %sub3A_894 = arith.subi %add3A_892, %sub3A_893 : i32
      %dma_wait3A_895 = arith.constant 8 : i32
      %dma_wait3A_896 = arith.constant 8 : i32
      %dma_wait3A_897 = arith.constant 0 : i32
      %dma_wait3A_898 = arith.constant 0 : i32
      %dma_wait3A_899 = tpu.memref_slice %arg6[%dma_wait3A_895, %dma_wait3A_897, %dma_wait3A_898] : memref<10x128x64xf32, #tpu.memory_space<vmem>> -> memref<1x128x64xf32, #tpu.memory_space<vmem>>
      %dma_wait3A_900 = tpu.memref_squeeze %dma_wait3A_899 : memref<1x128x64xf32, #tpu.memory_space<vmem>> -> memref<128x64xf32, #tpu.memory_space<vmem>>
      %dma_wait3A_901 = arith.constant 0 : i32
      %dma_wait3A_902 = tpu.memref_slice %arg5[%sub3A_894, %dma_wait3A_901] : memref<200x128xi32, #tpu.memory_space<vmem>> -> memref<1x128xi32, #tpu.memory_space<vmem>>
      %dma_wait3A_903 = tpu.memref_squeeze %dma_wait3A_902 : memref<1x128xi32, #tpu.memory_space<vmem>> -> memref<128xi32, #tpu.memory_space<vmem>>
      %dma_wait3A_904 = arith.constant 0 : i32
      %dma_wait3A_905 = arith.constant 0 : i32
      %dma_wait3A_906 = tpu.memref_slice %arg3[%dma_wait3A_904, %dma_wait3A_905] : memref<1000000x64xf32, #tpu.memory_space<hbm>> -> memref<1000000x64xf32, #tpu.memory_space<hbm>>
      %dma_wait3A_907 = tpu.memref_slice %arg7[%dma_wait3A_896] : memref<10x!tpu.dma_semaphore, #tpu.memory_space<semaphore_mem>> -> memref<1x!tpu.dma_semaphore, #tpu.memory_space<semaphore_mem>>
      %dma_wait3A_908 = tpu.memref_squeeze %dma_wait3A_907 : memref<1x!tpu.dma_semaphore, #tpu.memory_space<semaphore_mem>> -> memref<!tpu.dma_semaphore, #tpu.memory_space<semaphore_mem>>
      tpu.wait_indirect_dma semaphore(%dma_wait3A_908 : memref<!tpu.dma_semaphore, #tpu.memory_space<semaphore_mem>>) src(%dma_wait3A_906 : memref<1000000x64xf32, #tpu.memory_space<hbm>>) dst(%dma_wait3A_900 : memref<128x64xf32, #tpu.memory_space<vmem>>)
      %sub3A_909 = arith.constant 5 : i32
      %sub3A_910 = arith.subi %add3A_892, %sub3A_909 : i32
      %mul3A_911 = arith.constant 128 : i32
      %mul3A_912 = arith.muli %sub3A_910, %mul3A_911 : i32
      %add3A_913 = arith.addi %mul3A_2, %mul3A_912 : i32
      %dma_start3A_914 = arith.constant 8 : i32
      %dma_start3A_915 = arith.constant 8 : i32
      %dma_start3A_916 = arith.constant 0 : i32
      %dma_start3A_917 = arith.constant 0 : i32
      %dma_start3A_918 = tpu.memref_slice %arg6[%dma_start3A_914, %dma_start3A_916, %dma_start3A_917] : memref<10x128x64xf32, #tpu.memory_space<vmem>> -> memref<1x128x64xf32, #tpu.memory_space<vmem>>
      %dma_start3A_919 = tpu.memref_squeeze %dma_start3A_918 : memref<1x128x64xf32, #tpu.memory_space<vmem>> -> memref<128x64xf32, #tpu.memory_space<vmem>>
      %dma_start3A_920 = arith.constant 0 : i32
      %dma_start3A_921 = tpu.memref_slice %arg4[%add3A_913, %dma_start3A_920] : memref<819200x64xf32, #tpu.memory_space<hbm>> -> memref<128x64xf32, #tpu.memory_space<hbm>>
      %dma_start3A_922 = tpu.memref_slice %arg8[%dma_start3A_915] : memref<10x!tpu.dma_semaphore, #tpu.memory_space<semaphore_mem>> -> memref<1x!tpu.dma_semaphore, #tpu.memory_space<semaphore_mem>>
      %dma_start3A_923 = tpu.memref_squeeze %dma_start3A_922 : memref<1x!tpu.dma_semaphore, #tpu.memory_space<semaphore_mem>> -> memref<!tpu.dma_semaphore, #tpu.memory_space<semaphore_mem>>
      %dma_start3A_924 = arith.constant 0 : i32
      %dma_start3A_925 = tpu.memref_slice %arg4[%add3A_913, %dma_start3A_924] : memref<819200x64xf32, #tpu.memory_space<hbm>> -> memref<128x64xf32, #tpu.memory_space<hbm>>
      %dma_start3A_926 = arith.constant 0 : i32
      %dma_start3A_927 = arith.constant 0 : i32
      %dma_start3A_928 = tpu.memref_slice %arg6[%dma_start3A_914, %dma_start3A_926, %dma_start3A_927] : memref<10x128x64xf32, #tpu.memory_space<vmem>> -> memref<1x128x64xf32, #tpu.memory_space<vmem>>
      %dma_start3A_929 = tpu.memref_squeeze %dma_start3A_928 : memref<1x128x64xf32, #tpu.memory_space<vmem>> -> memref<128x64xf32, #tpu.memory_space<vmem>>
      tpu.enqueue_dma source(%dma_start3A_929 : memref<128x64xf32, #tpu.memory_space<vmem>>) target(%dma_start3A_925 : memref<128x64xf32, #tpu.memory_space<hbm>>) target_semaphore(%dma_start3A_923 : memref<!tpu.dma_semaphore, #tpu.memory_space<semaphore_mem>>)
      %sub3A_930 = arith.constant 10 : i32
      %sub3A_931 = arith.subi %add3A_892, %sub3A_930 : i32
      %mul3A_932 = arith.constant 128 : i32
      %mul3A_933 = arith.muli %sub3A_931, %mul3A_932 : i32
      %add3A_934 = arith.addi %mul3A_2, %mul3A_933 : i32
      %dma_wait3A_935 = arith.constant 3 : i32
      %dma_wait3A_936 = arith.constant 3 : i32
      %dma_wait3A_937 = arith.constant 0 : i32
      %dma_wait3A_938 = arith.constant 0 : i32
      %dma_wait3A_939 = tpu.memref_slice %arg6[%dma_wait3A_935, %dma_wait3A_937, %dma_wait3A_938] : memref<10x128x64xf32, #tpu.memory_space<vmem>> -> memref<1x128x64xf32, #tpu.memory_space<vmem>>
      %dma_wait3A_940 = tpu.memref_squeeze %dma_wait3A_939 : memref<1x128x64xf32, #tpu.memory_space<vmem>> -> memref<128x64xf32, #tpu.memory_space<vmem>>
      %dma_wait3A_941 = arith.constant 0 : i32
      %dma_wait3A_942 = tpu.memref_slice %arg4[%add3A_934, %dma_wait3A_941] : memref<819200x64xf32, #tpu.memory_space<hbm>> -> memref<128x64xf32, #tpu.memory_space<hbm>>
      %dma_wait3A_943 = tpu.memref_slice %arg8[%dma_wait3A_936] : memref<10x!tpu.dma_semaphore, #tpu.memory_space<semaphore_mem>> -> memref<1x!tpu.dma_semaphore, #tpu.memory_space<semaphore_mem>>
      %dma_wait3A_944 = tpu.memref_squeeze %dma_wait3A_943 : memref<1x!tpu.dma_semaphore, #tpu.memory_space<semaphore_mem>> -> memref<!tpu.dma_semaphore, #tpu.memory_space<semaphore_mem>>
      %dma_wait3A_945 = arith.constant 0 : i32
      %dma_wait3A_946 = tpu.memref_slice %arg4[%add3A_934, %dma_wait3A_945] : memref<819200x64xf32, #tpu.memory_space<hbm>> -> memref<128x64xf32, #tpu.memory_space<hbm>>
      %dma_wait3A_947 = arith.constant 0 : i32
      %dma_wait3A_948 = arith.constant 0 : i32
      %dma_wait3A_949 = tpu.memref_slice %arg6[%dma_wait3A_935, %dma_wait3A_947, %dma_wait3A_948] : memref<10x128x64xf32, #tpu.memory_space<vmem>> -> memref<1x128x64xf32, #tpu.memory_space<vmem>>
      %dma_wait3A_950 = tpu.memref_squeeze %dma_wait3A_949 : memref<1x128x64xf32, #tpu.memory_space<vmem>> -> memref<128x64xf32, #tpu.memory_space<vmem>>
      tpu.wait_dma2 semaphore(%dma_wait3A_944 : memref<!tpu.dma_semaphore, #tpu.memory_space<semaphore_mem>>) src(%dma_wait3A_950 : memref<128x64xf32, #tpu.memory_space<vmem>>) dst(%dma_wait3A_946 : memref<128x64xf32, #tpu.memory_space<hbm>>)
      %dma_start3A_951 = arith.constant 3 : i32
      %dma_start3A_952 = arith.constant 3 : i32
      %dma_start3A_953 = arith.constant 0 : i32
      %dma_start3A_954 = arith.constant 0 : i32
      %dma_start3A_955 = tpu.memref_slice %arg6[%dma_start3A_951, %dma_start3A_953, %dma_start3A_954] : memref<10x128x64xf32, #tpu.memory_space<vmem>> -> memref<1x128x64xf32, #tpu.memory_space<vmem>>
      %dma_start3A_956 = tpu.memref_squeeze %dma_start3A_955 : memref<1x128x64xf32, #tpu.memory_space<vmem>> -> memref<128x64xf32, #tpu.memory_space<vmem>>
      %dma_start3A_957 = arith.constant 0 : i32
      %dma_start3A_958 = tpu.memref_slice %arg5[%add3A_892, %dma_start3A_957] : memref<200x128xi32, #tpu.memory_space<vmem>> -> memref<1x128xi32, #tpu.memory_space<vmem>>
      %dma_start3A_959 = tpu.memref_squeeze %dma_start3A_958 : memref<1x128xi32, #tpu.memory_space<vmem>> -> memref<128xi32, #tpu.memory_space<vmem>>
      %dma_start3A_960 = arith.constant 0 : i32
      %dma_start3A_961 = arith.constant 0 : i32
      %dma_start3A_962 = tpu.memref_slice %arg3[%dma_start3A_960, %dma_start3A_961] : memref<1000000x64xf32, #tpu.memory_space<hbm>> -> memref<1000000x64xf32, #tpu.memory_space<hbm>>
      %dma_start3A_963 = tpu.memref_slice %arg7[%dma_start3A_952] : memref<10x!tpu.dma_semaphore, #tpu.memory_space<semaphore_mem>> -> memref<1x!tpu.dma_semaphore, #tpu.memory_space<semaphore_mem>>
      %dma_start3A_964 = tpu.memref_squeeze %dma_start3A_963 : memref<1x!tpu.dma_semaphore, #tpu.memory_space<semaphore_mem>> -> memref<!tpu.dma_semaphore, #tpu.memory_space<semaphore_mem>>
      tpu.enqueue_indirect_dma source(%dma_start3A_962 : memref<1000000x64xf32, #tpu.memory_space<hbm>>) target(%dma_start3A_956 : memref<128x64xf32, #tpu.memory_space<vmem>>) offsets(%dma_start3A_959 : memref<128xi32, #tpu.memory_space<vmem>>) semaphore(%dma_start3A_964 : memref<!tpu.dma_semaphore, #tpu.memory_space<semaphore_mem>>)
      %add3A_965 = arith.constant 4 : i32
      %add3A_966 = arith.addi %add3A_669, %add3A_965 : i32
      %sub3A_967 = arith.constant 5 : i32
      %sub3A_968 = arith.subi %add3A_966, %sub3A_967 : i32
      %dma_wait3A_969 = arith.constant 9 : i32
      %dma_wait3A_970 = arith.constant 9 : i32
      %dma_wait3A_971 = arith.constant 0 : i32
      %dma_wait3A_972 = arith.constant 0 : i32
      %dma_wait3A_973 = tpu.memref_slice %arg6[%dma_wait3A_969, %dma_wait3A_971, %dma_wait3A_972] : memref<10x128x64xf32, #tpu.memory_space<vmem>> -> memref<1x128x64xf32, #tpu.memory_space<vmem>>
      %dma_wait3A_974 = tpu.memref_squeeze %dma_wait3A_973 : memref<1x128x64xf32, #tpu.memory_space<vmem>> -> memref<128x64xf32, #tpu.memory_space<vmem>>
      %dma_wait3A_975 = arith.constant 0 : i32
      %dma_wait3A_976 = tpu.memref_slice %arg5[%sub3A_968, %dma_wait3A_975] : memref<200x128xi32, #tpu.memory_space<vmem>> -> memref<1x128xi32, #tpu.memory_space<vmem>>
      %dma_wait3A_977 = tpu.memref_squeeze %dma_wait3A_976 : memref<1x128xi32, #tpu.memory_space<vmem>> -> memref<128xi32, #tpu.memory_space<vmem>>
      %dma_wait3A_978 = arith.constant 0 : i32
      %dma_wait3A_979 = arith.constant 0 : i32
      %dma_wait3A_980 = tpu.memref_slice %arg3[%dma_wait3A_978, %dma_wait3A_979] : memref<1000000x64xf32, #tpu.memory_space<hbm>> -> memref<1000000x64xf32, #tpu.memory_space<hbm>>
      %dma_wait3A_981 = tpu.memref_slice %arg7[%dma_wait3A_970] : memref<10x!tpu.dma_semaphore, #tpu.memory_space<semaphore_mem>> -> memref<1x!tpu.dma_semaphore, #tpu.memory_space<semaphore_mem>>
      %dma_wait3A_982 = tpu.memref_squeeze %dma_wait3A_981 : memref<1x!tpu.dma_semaphore, #tpu.memory_space<semaphore_mem>> -> memref<!tpu.dma_semaphore, #tpu.memory_space<semaphore_mem>>
      tpu.wait_indirect_dma semaphore(%dma_wait3A_982 : memref<!tpu.dma_semaphore, #tpu.memory_space<semaphore_mem>>) src(%dma_wait3A_980 : memref<1000000x64xf32, #tpu.memory_space<hbm>>) dst(%dma_wait3A_974 : memref<128x64xf32, #tpu.memory_space<vmem>>)
      %sub3A_983 = arith.constant 5 : i32
      %sub3A_984 = arith.subi %add3A_966, %sub3A_983 : i32
      %mul3A_985 = arith.constant 128 : i32
      %mul3A_986 = arith.muli %sub3A_984, %mul3A_985 : i32
      %add3A_987 = arith.addi %mul3A_2, %mul3A_986 : i32
      %dma_start3A_988 = arith.constant 9 : i32
      %dma_start3A_989 = arith.constant 9 : i32
      %dma_start3A_990 = arith.constant 0 : i32
      %dma_start3A_991 = arith.constant 0 : i32
      %dma_start3A_992 = tpu.memref_slice %arg6[%dma_start3A_988, %dma_start3A_990, %dma_start3A_991] : memref<10x128x64xf32, #tpu.memory_space<vmem>> -> memref<1x128x64xf32, #tpu.memory_space<vmem>>
      %dma_start3A_993 = tpu.memref_squeeze %dma_start3A_992 : memref<1x128x64xf32, #tpu.memory_space<vmem>> -> memref<128x64xf32, #tpu.memory_space<vmem>>
      %dma_start3A_994 = arith.constant 0 : i32
      %dma_start3A_995 = tpu.memref_slice %arg4[%add3A_987, %dma_start3A_994] : memref<819200x64xf32, #tpu.memory_space<hbm>> -> memref<128x64xf32, #tpu.memory_space<hbm>>
      %dma_start3A_996 = tpu.memref_slice %arg8[%dma_start3A_989] : memref<10x!tpu.dma_semaphore, #tpu.memory_space<semaphore_mem>> -> memref<1x!tpu.dma_semaphore, #tpu.memory_space<semaphore_mem>>
      %dma_start3A_997 = tpu.memref_squeeze %dma_start3A_996 : memref<1x!tpu.dma_semaphore, #tpu.memory_space<semaphore_mem>> -> memref<!tpu.dma_semaphore, #tpu.memory_space<semaphore_mem>>
      %dma_start3A_998 = arith.constant 0 : i32
      %dma_start3A_999 = tpu.memref_slice %arg4[%add3A_987, %dma_start3A_998] : memref<819200x64xf32, #tpu.memory_space<hbm>> -> memref<128x64xf32, #tpu.memory_space<hbm>>
      %dma_start3A_1000 = arith.constant 0 : i32
      %dma_start3A_1001 = arith.constant 0 : i32
      %dma_start3A_1002 = tpu.memref_slice %arg6[%dma_start3A_988, %dma_start3A_1000, %dma_start3A_1001] : memref<10x128x64xf32, #tpu.memory_space<vmem>> -> memref<1x128x64xf32, #tpu.memory_space<vmem>>
      %dma_start3A_1003 = tpu.memref_squeeze %dma_start3A_1002 : memref<1x128x64xf32, #tpu.memory_space<vmem>> -> memref<128x64xf32, #tpu.memory_space<vmem>>
      tpu.enqueue_dma source(%dma_start3A_1003 : memref<128x64xf32, #tpu.memory_space<vmem>>) target(%dma_start3A_999 : memref<128x64xf32, #tpu.memory_space<hbm>>) target_semaphore(%dma_start3A_997 : memref<!tpu.dma_semaphore, #tpu.memory_space<semaphore_mem>>)
      %sub3A_1004 = arith.constant 10 : i32
      %sub3A_1005 = arith.subi %add3A_966, %sub3A_1004 : i32
      %mul3A_1006 = arith.constant 128 : i32
      %mul3A_1007 = arith.muli %sub3A_1005, %mul3A_1006 : i32
      %add3A_1008 = arith.addi %mul3A_2, %mul3A_1007 : i32
      %dma_wait3A_1009 = arith.constant 4 : i32
      %dma_wait3A_1010 = arith.constant 4 : i32
      %dma_wait3A_1011 = arith.constant 0 : i32
      %dma_wait3A_1012 = arith.constant 0 : i32
      %dma_wait3A_1013 = tpu.memref_slice %arg6[%dma_wait3A_1009, %dma_wait3A_1011, %dma_wait3A_1012] : memref<10x128x64xf32, #tpu.memory_space<vmem>> -> memref<1x128x64xf32, #tpu.memory_space<vmem>>
      %dma_wait3A_1014 = tpu.memref_squeeze %dma_wait3A_1013 : memref<1x128x64xf32, #tpu.memory_space<vmem>> -> memref<128x64xf32, #tpu.memory_space<vmem>>
      %dma_wait3A_1015 = arith.constant 0 : i32
      %dma_wait3A_1016 = tpu.memref_slice %arg4[%add3A_1008, %dma_wait3A_1015] : memref<819200x64xf32, #tpu.memory_space<hbm>> -> memref<128x64xf32, #tpu.memory_space<hbm>>
      %dma_wait3A_1017 = tpu.memref_slice %arg8[%dma_wait3A_1010] : memref<10x!tpu.dma_semaphore, #tpu.memory_space<semaphore_mem>> -> memref<1x!tpu.dma_semaphore, #tpu.memory_space<semaphore_mem>>
      %dma_wait3A_1018 = tpu.memref_squeeze %dma_wait3A_1017 : memref<1x!tpu.dma_semaphore, #tpu.memory_space<semaphore_mem>> -> memref<!tpu.dma_semaphore, #tpu.memory_space<semaphore_mem>>
      %dma_wait3A_1019 = arith.constant 0 : i32
      %dma_wait3A_1020 = tpu.memref_slice %arg4[%add3A_1008, %dma_wait3A_1019] : memref<819200x64xf32, #tpu.memory_space<hbm>> -> memref<128x64xf32, #tpu.memory_space<hbm>>
      %dma_wait3A_1021 = arith.constant 0 : i32
      %dma_wait3A_1022 = arith.constant 0 : i32
      %dma_wait3A_1023 = tpu.memref_slice %arg6[%dma_wait3A_1009, %dma_wait3A_1021, %dma_wait3A_1022] : memref<10x128x64xf32, #tpu.memory_space<vmem>> -> memref<1x128x64xf32, #tpu.memory_space<vmem>>
      %dma_wait3A_1024 = tpu.memref_squeeze %dma_wait3A_1023 : memref<1x128x64xf32, #tpu.memory_space<vmem>> -> memref<128x64xf32, #tpu.memory_space<vmem>>
      tpu.wait_dma2 semaphore(%dma_wait3A_1018 : memref<!tpu.dma_semaphore, #tpu.memory_space<semaphore_mem>>) src(%dma_wait3A_1024 : memref<128x64xf32, #tpu.memory_space<vmem>>) dst(%dma_wait3A_1020 : memref<128x64xf32, #tpu.memory_space<hbm>>)
      %dma_start3A_1025 = arith.constant 4 : i32
      %dma_start3A_1026 = arith.constant 4 : i32
      %dma_start3A_1027 = arith.constant 0 : i32
      %dma_start3A_1028 = arith.constant 0 : i32
      %dma_start3A_1029 = tpu.memref_slice %arg6[%dma_start3A_1025, %dma_start3A_1027, %dma_start3A_1028] : memref<10x128x64xf32, #tpu.memory_space<vmem>> -> memref<1x128x64xf32, #tpu.memory_space<vmem>>
      %dma_start3A_1030 = tpu.memref_squeeze %dma_start3A_1029 : memref<1x128x64xf32, #tpu.memory_space<vmem>> -> memref<128x64xf32, #tpu.memory_space<vmem>>
      %dma_start3A_1031 = arith.constant 0 : i32
      %dma_start3A_1032 = tpu.memref_slice %arg5[%add3A_966, %dma_start3A_1031] : memref<200x128xi32, #tpu.memory_space<vmem>> -> memref<1x128xi32, #tpu.memory_space<vmem>>
      %dma_start3A_1033 = tpu.memref_squeeze %dma_start3A_1032 : memref<1x128xi32, #tpu.memory_space<vmem>> -> memref<128xi32, #tpu.memory_space<vmem>>
      %dma_start3A_1034 = arith.constant 0 : i32
      %dma_start3A_1035 = arith.constant 0 : i32
      %dma_start3A_1036 = tpu.memref_slice %arg3[%dma_start3A_1034, %dma_start3A_1035] : memref<1000000x64xf32, #tpu.memory_space<hbm>> -> memref<1000000x64xf32, #tpu.memory_space<hbm>>
      %dma_start3A_1037 = tpu.memref_slice %arg7[%dma_start3A_1026] : memref<10x!tpu.dma_semaphore, #tpu.memory_space<semaphore_mem>> -> memref<1x!tpu.dma_semaphore, #tpu.memory_space<semaphore_mem>>
      %dma_start3A_1038 = tpu.memref_squeeze %dma_start3A_1037 : memref<1x!tpu.dma_semaphore, #tpu.memory_space<semaphore_mem>> -> memref<!tpu.dma_semaphore, #tpu.memory_space<semaphore_mem>>
      tpu.enqueue_indirect_dma source(%dma_start3A_1036 : memref<1000000x64xf32, #tpu.memory_space<hbm>>) target(%dma_start3A_1030 : memref<128x64xf32, #tpu.memory_space<vmem>>) offsets(%dma_start3A_1033 : memref<128xi32, #tpu.memory_space<vmem>>) semaphore(%dma_start3A_1038 : memref<!tpu.dma_semaphore, #tpu.memory_space<semaphore_mem>>)
      %add3A_1039 = arith.constant 5 : i32
      %add3A_1040 = arith.addi %add3A_669, %add3A_1039 : i32
      %sub3A_1041 = arith.constant 5 : i32
      %sub3A_1042 = arith.subi %add3A_1040, %sub3A_1041 : i32
      %dma_wait3A_1043 = arith.constant 0 : i32
      %dma_wait3A_1044 = arith.constant 0 : i32
      %dma_wait3A_1045 = arith.constant 0 : i32
      %dma_wait3A_1046 = arith.constant 0 : i32
      %dma_wait3A_1047 = tpu.memref_slice %arg6[%dma_wait3A_1043, %dma_wait3A_1045, %dma_wait3A_1046] : memref<10x128x64xf32, #tpu.memory_space<vmem>> -> memref<1x128x64xf32, #tpu.memory_space<vmem>>
      %dma_wait3A_1048 = tpu.memref_squeeze %dma_wait3A_1047 : memref<1x128x64xf32, #tpu.memory_space<vmem>> -> memref<128x64xf32, #tpu.memory_space<vmem>>
      %dma_wait3A_1049 = arith.constant 0 : i32
      %dma_wait3A_1050 = tpu.memref_slice %arg5[%sub3A_1042, %dma_wait3A_1049] : memref<200x128xi32, #tpu.memory_space<vmem>> -> memref<1x128xi32, #tpu.memory_space<vmem>>
      %dma_wait3A_1051 = tpu.memref_squeeze %dma_wait3A_1050 : memref<1x128xi32, #tpu.memory_space<vmem>> -> memref<128xi32, #tpu.memory_space<vmem>>
      %dma_wait3A_1052 = arith.constant 0 : i32
      %dma_wait3A_1053 = arith.constant 0 : i32
      %dma_wait3A_1054 = tpu.memref_slice %arg3[%dma_wait3A_1052, %dma_wait3A_1053] : memref<1000000x64xf32, #tpu.memory_space<hbm>> -> memref<1000000x64xf32, #tpu.memory_space<hbm>>
      %dma_wait3A_1055 = tpu.memref_slice %arg7[%dma_wait3A_1044] : memref<10x!tpu.dma_semaphore, #tpu.memory_space<semaphore_mem>> -> memref<1x!tpu.dma_semaphore, #tpu.memory_space<semaphore_mem>>
      %dma_wait3A_1056 = tpu.memref_squeeze %dma_wait3A_1055 : memref<1x!tpu.dma_semaphore, #tpu.memory_space<semaphore_mem>> -> memref<!tpu.dma_semaphore, #tpu.memory_space<semaphore_mem>>
      tpu.wait_indirect_dma semaphore(%dma_wait3A_1056 : memref<!tpu.dma_semaphore, #tpu.memory_space<semaphore_mem>>) src(%dma_wait3A_1054 : memref<1000000x64xf32, #tpu.memory_space<hbm>>) dst(%dma_wait3A_1048 : memref<128x64xf32, #tpu.memory_space<vmem>>)
      %sub3A_1057 = arith.constant 5 : i32
      %sub3A_1058 = arith.subi %add3A_1040, %sub3A_1057 : i32
      %mul3A_1059 = arith.constant 128 : i32
      %mul3A_1060 = arith.muli %sub3A_1058, %mul3A_1059 : i32
      %add3A_1061 = arith.addi %mul3A_2, %mul3A_1060 : i32
      %dma_start3A_1062 = arith.constant 0 : i32
      %dma_start3A_1063 = arith.constant 0 : i32
      %dma_start3A_1064 = arith.constant 0 : i32
      %dma_start3A_1065 = arith.constant 0 : i32
      %dma_start3A_1066 = tpu.memref_slice %arg6[%dma_start3A_1062, %dma_start3A_1064, %dma_start3A_1065] : memref<10x128x64xf32, #tpu.memory_space<vmem>> -> memref<1x128x64xf32, #tpu.memory_space<vmem>>
      %dma_start3A_1067 = tpu.memref_squeeze %dma_start3A_1066 : memref<1x128x64xf32, #tpu.memory_space<vmem>> -> memref<128x64xf32, #tpu.memory_space<vmem>>
      %dma_start3A_1068 = arith.constant 0 : i32
      %dma_start3A_1069 = tpu.memref_slice %arg4[%add3A_1061, %dma_start3A_1068] : memref<819200x64xf32, #tpu.memory_space<hbm>> -> memref<128x64xf32, #tpu.memory_space<hbm>>
      %dma_start3A_1070 = tpu.memref_slice %arg8[%dma_start3A_1063] : memref<10x!tpu.dma_semaphore, #tpu.memory_space<semaphore_mem>> -> memref<1x!tpu.dma_semaphore, #tpu.memory_space<semaphore_mem>>
      %dma_start3A_1071 = tpu.memref_squeeze %dma_start3A_1070 : memref<1x!tpu.dma_semaphore, #tpu.memory_space<semaphore_mem>> -> memref<!tpu.dma_semaphore, #tpu.memory_space<semaphore_mem>>
      %dma_start3A_1072 = arith.constant 0 : i32
      %dma_start3A_1073 = tpu.memref_slice %arg4[%add3A_1061, %dma_start3A_1072] : memref<819200x64xf32, #tpu.memory_space<hbm>> -> memref<128x64xf32, #tpu.memory_space<hbm>>
      %dma_start3A_1074 = arith.constant 0 : i32
      %dma_start3A_1075 = arith.constant 0 : i32
      %dma_start3A_1076 = tpu.memref_slice %arg6[%dma_start3A_1062, %dma_start3A_1074, %dma_start3A_1075] : memref<10x128x64xf32, #tpu.memory_space<vmem>> -> memref<1x128x64xf32, #tpu.memory_space<vmem>>
      %dma_start3A_1077 = tpu.memref_squeeze %dma_start3A_1076 : memref<1x128x64xf32, #tpu.memory_space<vmem>> -> memref<128x64xf32, #tpu.memory_space<vmem>>
      tpu.enqueue_dma source(%dma_start3A_1077 : memref<128x64xf32, #tpu.memory_space<vmem>>) target(%dma_start3A_1073 : memref<128x64xf32, #tpu.memory_space<hbm>>) target_semaphore(%dma_start3A_1071 : memref<!tpu.dma_semaphore, #tpu.memory_space<semaphore_mem>>)
      %sub3A_1078 = arith.constant 10 : i32
      %sub3A_1079 = arith.subi %add3A_1040, %sub3A_1078 : i32
      %mul3A_1080 = arith.constant 128 : i32
      %mul3A_1081 = arith.muli %sub3A_1079, %mul3A_1080 : i32
      %add3A_1082 = arith.addi %mul3A_2, %mul3A_1081 : i32
      %dma_wait3A_1083 = arith.constant 5 : i32
      %dma_wait3A_1084 = arith.constant 5 : i32
      %dma_wait3A_1085 = arith.constant 0 : i32
      %dma_wait3A_1086 = arith.constant 0 : i32
      %dma_wait3A_1087 = tpu.memref_slice %arg6[%dma_wait3A_1083, %dma_wait3A_1085, %dma_wait3A_1086] : memref<10x128x64xf32, #tpu.memory_space<vmem>> -> memref<1x128x64xf32, #tpu.memory_space<vmem>>
      %dma_wait3A_1088 = tpu.memref_squeeze %dma_wait3A_1087 : memref<1x128x64xf32, #tpu.memory_space<vmem>> -> memref<128x64xf32, #tpu.memory_space<vmem>>
      %dma_wait3A_1089 = arith.constant 0 : i32
      %dma_wait3A_1090 = tpu.memref_slice %arg4[%add3A_1082, %dma_wait3A_1089] : memref<819200x64xf32, #tpu.memory_space<hbm>> -> memref<128x64xf32, #tpu.memory_space<hbm>>
      %dma_wait3A_1091 = tpu.memref_slice %arg8[%dma_wait3A_1084] : memref<10x!tpu.dma_semaphore, #tpu.memory_space<semaphore_mem>> -> memref<1x!tpu.dma_semaphore, #tpu.memory_space<semaphore_mem>>
      %dma_wait3A_1092 = tpu.memref_squeeze %dma_wait3A_1091 : memref<1x!tpu.dma_semaphore, #tpu.memory_space<semaphore_mem>> -> memref<!tpu.dma_semaphore, #tpu.memory_space<semaphore_mem>>
      %dma_wait3A_1093 = arith.constant 0 : i32
      %dma_wait3A_1094 = tpu.memref_slice %arg4[%add3A_1082, %dma_wait3A_1093] : memref<819200x64xf32, #tpu.memory_space<hbm>> -> memref<128x64xf32, #tpu.memory_space<hbm>>
      %dma_wait3A_1095 = arith.constant 0 : i32
      %dma_wait3A_1096 = arith.constant 0 : i32
      %dma_wait3A_1097 = tpu.memref_slice %arg6[%dma_wait3A_1083, %dma_wait3A_1095, %dma_wait3A_1096] : memref<10x128x64xf32, #tpu.memory_space<vmem>> -> memref<1x128x64xf32, #tpu.memory_space<vmem>>
      %dma_wait3A_1098 = tpu.memref_squeeze %dma_wait3A_1097 : memref<1x128x64xf32, #tpu.memory_space<vmem>> -> memref<128x64xf32, #tpu.memory_space<vmem>>
      tpu.wait_dma2 semaphore(%dma_wait3A_1092 : memref<!tpu.dma_semaphore, #tpu.memory_space<semaphore_mem>>) src(%dma_wait3A_1098 : memref<128x64xf32, #tpu.memory_space<vmem>>) dst(%dma_wait3A_1094 : memref<128x64xf32, #tpu.memory_space<hbm>>)
      %dma_start3A_1099 = arith.constant 5 : i32
      %dma_start3A_1100 = arith.constant 5 : i32
      %dma_start3A_1101 = arith.constant 0 : i32
      %dma_start3A_1102 = arith.constant 0 : i32
      %dma_start3A_1103 = tpu.memref_slice %arg6[%dma_start3A_1099, %dma_start3A_1101, %dma_start3A_1102] : memref<10x128x64xf32, #tpu.memory_space<vmem>> -> memref<1x128x64xf32, #tpu.memory_space<vmem>>
      %dma_start3A_1104 = tpu.memref_squeeze %dma_start3A_1103 : memref<1x128x64xf32, #tpu.memory_space<vmem>> -> memref<128x64xf32, #tpu.memory_space<vmem>>
      %dma_start3A_1105 = arith.constant 0 : i32
      %dma_start3A_1106 = tpu.memref_slice %arg5[%add3A_1040, %dma_start3A_1105] : memref<200x128xi32, #tpu.memory_space<vmem>> -> memref<1x128xi32, #tpu.memory_space<vmem>>
      %dma_start3A_1107 = tpu.memref_squeeze %dma_start3A_1106 : memref<1x128xi32, #tpu.memory_space<vmem>> -> memref<128xi32, #tpu.memory_space<vmem>>
      %dma_start3A_1108 = arith.constant 0 : i32
      %dma_start3A_1109 = arith.constant 0 : i32
      %dma_start3A_1110 = tpu.memref_slice %arg3[%dma_start3A_1108, %dma_start3A_1109] : memref<1000000x64xf32, #tpu.memory_space<hbm>> -> memref<1000000x64xf32, #tpu.memory_space<hbm>>
      %dma_start3A_1111 = tpu.memref_slice %arg7[%dma_start3A_1100] : memref<10x!tpu.dma_semaphore, #tpu.memory_space<semaphore_mem>> -> memref<1x!tpu.dma_semaphore, #tpu.memory_space<semaphore_mem>>
      %dma_start3A_1112 = tpu.memref_squeeze %dma_start3A_1111 : memref<1x!tpu.dma_semaphore, #tpu.memory_space<semaphore_mem>> -> memref<!tpu.dma_semaphore, #tpu.memory_space<semaphore_mem>>
      tpu.enqueue_indirect_dma source(%dma_start3A_1110 : memref<1000000x64xf32, #tpu.memory_space<hbm>>) target(%dma_start3A_1104 : memref<128x64xf32, #tpu.memory_space<vmem>>) offsets(%dma_start3A_1107 : memref<128xi32, #tpu.memory_space<vmem>>) semaphore(%dma_start3A_1112 : memref<!tpu.dma_semaphore, #tpu.memory_space<semaphore_mem>>)
      %add3A_1113 = arith.constant 6 : i32
      %add3A_1114 = arith.addi %add3A_669, %add3A_1113 : i32
      %sub3A_1115 = arith.constant 5 : i32
      %sub3A_1116 = arith.subi %add3A_1114, %sub3A_1115 : i32
      %dma_wait3A_1117 = arith.constant 1 : i32
      %dma_wait3A_1118 = arith.constant 1 : i32
      %dma_wait3A_1119 = arith.constant 0 : i32
      %dma_wait3A_1120 = arith.constant 0 : i32
      %dma_wait3A_1121 = tpu.memref_slice %arg6[%dma_wait3A_1117, %dma_wait3A_1119, %dma_wait3A_1120] : memref<10x128x64xf32, #tpu.memory_space<vmem>> -> memref<1x128x64xf32, #tpu.memory_space<vmem>>
      %dma_wait3A_1122 = tpu.memref_squeeze %dma_wait3A_1121 : memref<1x128x64xf32, #tpu.memory_space<vmem>> -> memref<128x64xf32, #tpu.memory_space<vmem>>
      %dma_wait3A_1123 = arith.constant 0 : i32
      %dma_wait3A_1124 = tpu.memref_slice %arg5[%sub3A_1116, %dma_wait3A_1123] : memref<200x128xi32, #tpu.memory_space<vmem>> -> memref<1x128xi32, #tpu.memory_space<vmem>>
      %dma_wait3A_1125 = tpu.memref_squeeze %dma_wait3A_1124 : memref<1x128xi32, #tpu.memory_space<vmem>> -> memref<128xi32, #tpu.memory_space<vmem>>
      %dma_wait3A_1126 = arith.constant 0 : i32
      %dma_wait3A_1127 = arith.constant 0 : i32
      %dma_wait3A_1128 = tpu.memref_slice %arg3[%dma_wait3A_1126, %dma_wait3A_1127] : memref<1000000x64xf32, #tpu.memory_space<hbm>> -> memref<1000000x64xf32, #tpu.memory_space<hbm>>
      %dma_wait3A_1129 = tpu.memref_slice %arg7[%dma_wait3A_1118] : memref<10x!tpu.dma_semaphore, #tpu.memory_space<semaphore_mem>> -> memref<1x!tpu.dma_semaphore, #tpu.memory_space<semaphore_mem>>
      %dma_wait3A_1130 = tpu.memref_squeeze %dma_wait3A_1129 : memref<1x!tpu.dma_semaphore, #tpu.memory_space<semaphore_mem>> -> memref<!tpu.dma_semaphore, #tpu.memory_space<semaphore_mem>>
      tpu.wait_indirect_dma semaphore(%dma_wait3A_1130 : memref<!tpu.dma_semaphore, #tpu.memory_space<semaphore_mem>>) src(%dma_wait3A_1128 : memref<1000000x64xf32, #tpu.memory_space<hbm>>) dst(%dma_wait3A_1122 : memref<128x64xf32, #tpu.memory_space<vmem>>)
      %sub3A_1131 = arith.constant 5 : i32
      %sub3A_1132 = arith.subi %add3A_1114, %sub3A_1131 : i32
      %mul3A_1133 = arith.constant 128 : i32
      %mul3A_1134 = arith.muli %sub3A_1132, %mul3A_1133 : i32
      %add3A_1135 = arith.addi %mul3A_2, %mul3A_1134 : i32
      %dma_start3A_1136 = arith.constant 1 : i32
      %dma_start3A_1137 = arith.constant 1 : i32
      %dma_start3A_1138 = arith.constant 0 : i32
      %dma_start3A_1139 = arith.constant 0 : i32
      %dma_start3A_1140 = tpu.memref_slice %arg6[%dma_start3A_1136, %dma_start3A_1138, %dma_start3A_1139] : memref<10x128x64xf32, #tpu.memory_space<vmem>> -> memref<1x128x64xf32, #tpu.memory_space<vmem>>
      %dma_start3A_1141 = tpu.memref_squeeze %dma_start3A_1140 : memref<1x128x64xf32, #tpu.memory_space<vmem>> -> memref<128x64xf32, #tpu.memory_space<vmem>>
      %dma_start3A_1142 = arith.constant 0 : i32
      %dma_start3A_1143 = tpu.memref_slice %arg4[%add3A_1135, %dma_start3A_1142] : memref<819200x64xf32, #tpu.memory_space<hbm>> -> memref<128x64xf32, #tpu.memory_space<hbm>>
      %dma_start3A_1144 = tpu.memref_slice %arg8[%dma_start3A_1137] : memref<10x!tpu.dma_semaphore, #tpu.memory_space<semaphore_mem>> -> memref<1x!tpu.dma_semaphore, #tpu.memory_space<semaphore_mem>>
      %dma_start3A_1145 = tpu.memref_squeeze %dma_start3A_1144 : memref<1x!tpu.dma_semaphore, #tpu.memory_space<semaphore_mem>> -> memref<!tpu.dma_semaphore, #tpu.memory_space<semaphore_mem>>
      %dma_start3A_1146 = arith.constant 0 : i32
      %dma_start3A_1147 = tpu.memref_slice %arg4[%add3A_1135, %dma_start3A_1146] : memref<819200x64xf32, #tpu.memory_space<hbm>> -> memref<128x64xf32, #tpu.memory_space<hbm>>
      %dma_start3A_1148 = arith.constant 0 : i32
      %dma_start3A_1149 = arith.constant 0 : i32
      %dma_start3A_1150 = tpu.memref_slice %arg6[%dma_start3A_1136, %dma_start3A_1148, %dma_start3A_1149] : memref<10x128x64xf32, #tpu.memory_space<vmem>> -> memref<1x128x64xf32, #tpu.memory_space<vmem>>
      %dma_start3A_1151 = tpu.memref_squeeze %dma_start3A_1150 : memref<1x128x64xf32, #tpu.memory_space<vmem>> -> memref<128x64xf32, #tpu.memory_space<vmem>>
      tpu.enqueue_dma source(%dma_start3A_1151 : memref<128x64xf32, #tpu.memory_space<vmem>>) target(%dma_start3A_1147 : memref<128x64xf32, #tpu.memory_space<hbm>>) target_semaphore(%dma_start3A_1145 : memref<!tpu.dma_semaphore, #tpu.memory_space<semaphore_mem>>)
      %sub3A_1152 = arith.constant 10 : i32
      %sub3A_1153 = arith.subi %add3A_1114, %sub3A_1152 : i32
      %mul3A_1154 = arith.constant 128 : i32
      %mul3A_1155 = arith.muli %sub3A_1153, %mul3A_1154 : i32
      %add3A_1156 = arith.addi %mul3A_2, %mul3A_1155 : i32
      %dma_wait3A_1157 = arith.constant 6 : i32
      %dma_wait3A_1158 = arith.constant 6 : i32
      %dma_wait3A_1159 = arith.constant 0 : i32
      %dma_wait3A_1160 = arith.constant 0 : i32
      %dma_wait3A_1161 = tpu.memref_slice %arg6[%dma_wait3A_1157, %dma_wait3A_1159, %dma_wait3A_1160] : memref<10x128x64xf32, #tpu.memory_space<vmem>> -> memref<1x128x64xf32, #tpu.memory_space<vmem>>
      %dma_wait3A_1162 = tpu.memref_squeeze %dma_wait3A_1161 : memref<1x128x64xf32, #tpu.memory_space<vmem>> -> memref<128x64xf32, #tpu.memory_space<vmem>>
      %dma_wait3A_1163 = arith.constant 0 : i32
      %dma_wait3A_1164 = tpu.memref_slice %arg4[%add3A_1156, %dma_wait3A_1163] : memref<819200x64xf32, #tpu.memory_space<hbm>> -> memref<128x64xf32, #tpu.memory_space<hbm>>
      %dma_wait3A_1165 = tpu.memref_slice %arg8[%dma_wait3A_1158] : memref<10x!tpu.dma_semaphore, #tpu.memory_space<semaphore_mem>> -> memref<1x!tpu.dma_semaphore, #tpu.memory_space<semaphore_mem>>
      %dma_wait3A_1166 = tpu.memref_squeeze %dma_wait3A_1165 : memref<1x!tpu.dma_semaphore, #tpu.memory_space<semaphore_mem>> -> memref<!tpu.dma_semaphore, #tpu.memory_space<semaphore_mem>>
      %dma_wait3A_1167 = arith.constant 0 : i32
      %dma_wait3A_1168 = tpu.memref_slice %arg4[%add3A_1156, %dma_wait3A_1167] : memref<819200x64xf32, #tpu.memory_space<hbm>> -> memref<128x64xf32, #tpu.memory_space<hbm>>
      %dma_wait3A_1169 = arith.constant 0 : i32
      %dma_wait3A_1170 = arith.constant 0 : i32
      %dma_wait3A_1171 = tpu.memref_slice %arg6[%dma_wait3A_1157, %dma_wait3A_1169, %dma_wait3A_1170] : memref<10x128x64xf32, #tpu.memory_space<vmem>> -> memref<1x128x64xf32, #tpu.memory_space<vmem>>
      %dma_wait3A_1172 = tpu.memref_squeeze %dma_wait3A_1171 : memref<1x128x64xf32, #tpu.memory_space<vmem>> -> memref<128x64xf32, #tpu.memory_space<vmem>>
      tpu.wait_dma2 semaphore(%dma_wait3A_1166 : memref<!tpu.dma_semaphore, #tpu.memory_space<semaphore_mem>>) src(%dma_wait3A_1172 : memref<128x64xf32, #tpu.memory_space<vmem>>) dst(%dma_wait3A_1168 : memref<128x64xf32, #tpu.memory_space<hbm>>)
      %dma_start3A_1173 = arith.constant 6 : i32
      %dma_start3A_1174 = arith.constant 6 : i32
      %dma_start3A_1175 = arith.constant 0 : i32
      %dma_start3A_1176 = arith.constant 0 : i32
      %dma_start3A_1177 = tpu.memref_slice %arg6[%dma_start3A_1173, %dma_start3A_1175, %dma_start3A_1176] : memref<10x128x64xf32, #tpu.memory_space<vmem>> -> memref<1x128x64xf32, #tpu.memory_space<vmem>>
      %dma_start3A_1178 = tpu.memref_squeeze %dma_start3A_1177 : memref<1x128x64xf32, #tpu.memory_space<vmem>> -> memref<128x64xf32, #tpu.memory_space<vmem>>
      %dma_start3A_1179 = arith.constant 0 : i32
      %dma_start3A_1180 = tpu.memref_slice %arg5[%add3A_1114, %dma_start3A_1179] : memref<200x128xi32, #tpu.memory_space<vmem>> -> memref<1x128xi32, #tpu.memory_space<vmem>>
      %dma_start3A_1181 = tpu.memref_squeeze %dma_start3A_1180 : memref<1x128xi32, #tpu.memory_space<vmem>> -> memref<128xi32, #tpu.memory_space<vmem>>
      %dma_start3A_1182 = arith.constant 0 : i32
      %dma_start3A_1183 = arith.constant 0 : i32
      %dma_start3A_1184 = tpu.memref_slice %arg3[%dma_start3A_1182, %dma_start3A_1183] : memref<1000000x64xf32, #tpu.memory_space<hbm>> -> memref<1000000x64xf32, #tpu.memory_space<hbm>>
      %dma_start3A_1185 = tpu.memref_slice %arg7[%dma_start3A_1174] : memref<10x!tpu.dma_semaphore, #tpu.memory_space<semaphore_mem>> -> memref<1x!tpu.dma_semaphore, #tpu.memory_space<semaphore_mem>>
      %dma_start3A_1186 = tpu.memref_squeeze %dma_start3A_1185 : memref<1x!tpu.dma_semaphore, #tpu.memory_space<semaphore_mem>> -> memref<!tpu.dma_semaphore, #tpu.memory_space<semaphore_mem>>
      tpu.enqueue_indirect_dma source(%dma_start3A_1184 : memref<1000000x64xf32, #tpu.memory_space<hbm>>) target(%dma_start3A_1178 : memref<128x64xf32, #tpu.memory_space<vmem>>) offsets(%dma_start3A_1181 : memref<128xi32, #tpu.memory_space<vmem>>) semaphore(%dma_start3A_1186 : memref<!tpu.dma_semaphore, #tpu.memory_space<semaphore_mem>>)
      %add3A_1187 = arith.constant 7 : i32
      %add3A_1188 = arith.addi %add3A_669, %add3A_1187 : i32
      %sub3A_1189 = arith.constant 5 : i32
      %sub3A_1190 = arith.subi %add3A_1188, %sub3A_1189 : i32
      %dma_wait3A_1191 = arith.constant 2 : i32
      %dma_wait3A_1192 = arith.constant 2 : i32
      %dma_wait3A_1193 = arith.constant 0 : i32
      %dma_wait3A_1194 = arith.constant 0 : i32
      %dma_wait3A_1195 = tpu.memref_slice %arg6[%dma_wait3A_1191, %dma_wait3A_1193, %dma_wait3A_1194] : memref<10x128x64xf32, #tpu.memory_space<vmem>> -> memref<1x128x64xf32, #tpu.memory_space<vmem>>
      %dma_wait3A_1196 = tpu.memref_squeeze %dma_wait3A_1195 : memref<1x128x64xf32, #tpu.memory_space<vmem>> -> memref<128x64xf32, #tpu.memory_space<vmem>>
      %dma_wait3A_1197 = arith.constant 0 : i32
      %dma_wait3A_1198 = tpu.memref_slice %arg5[%sub3A_1190, %dma_wait3A_1197] : memref<200x128xi32, #tpu.memory_space<vmem>> -> memref<1x128xi32, #tpu.memory_space<vmem>>
      %dma_wait3A_1199 = tpu.memref_squeeze %dma_wait3A_1198 : memref<1x128xi32, #tpu.memory_space<vmem>> -> memref<128xi32, #tpu.memory_space<vmem>>
      %dma_wait3A_1200 = arith.constant 0 : i32
      %dma_wait3A_1201 = arith.constant 0 : i32
      %dma_wait3A_1202 = tpu.memref_slice %arg3[%dma_wait3A_1200, %dma_wait3A_1201] : memref<1000000x64xf32, #tpu.memory_space<hbm>> -> memref<1000000x64xf32, #tpu.memory_space<hbm>>
      %dma_wait3A_1203 = tpu.memref_slice %arg7[%dma_wait3A_1192] : memref<10x!tpu.dma_semaphore, #tpu.memory_space<semaphore_mem>> -> memref<1x!tpu.dma_semaphore, #tpu.memory_space<semaphore_mem>>
      %dma_wait3A_1204 = tpu.memref_squeeze %dma_wait3A_1203 : memref<1x!tpu.dma_semaphore, #tpu.memory_space<semaphore_mem>> -> memref<!tpu.dma_semaphore, #tpu.memory_space<semaphore_mem>>
      tpu.wait_indirect_dma semaphore(%dma_wait3A_1204 : memref<!tpu.dma_semaphore, #tpu.memory_space<semaphore_mem>>) src(%dma_wait3A_1202 : memref<1000000x64xf32, #tpu.memory_space<hbm>>) dst(%dma_wait3A_1196 : memref<128x64xf32, #tpu.memory_space<vmem>>)
      %sub3A_1205 = arith.constant 5 : i32
      %sub3A_1206 = arith.subi %add3A_1188, %sub3A_1205 : i32
      %mul3A_1207 = arith.constant 128 : i32
      %mul3A_1208 = arith.muli %sub3A_1206, %mul3A_1207 : i32
      %add3A_1209 = arith.addi %mul3A_2, %mul3A_1208 : i32
      %dma_start3A_1210 = arith.constant 2 : i32
      %dma_start3A_1211 = arith.constant 2 : i32
      %dma_start3A_1212 = arith.constant 0 : i32
      %dma_start3A_1213 = arith.constant 0 : i32
      %dma_start3A_1214 = tpu.memref_slice %arg6[%dma_start3A_1210, %dma_start3A_1212, %dma_start3A_1213] : memref<10x128x64xf32, #tpu.memory_space<vmem>> -> memref<1x128x64xf32, #tpu.memory_space<vmem>>
      %dma_start3A_1215 = tpu.memref_squeeze %dma_start3A_1214 : memref<1x128x64xf32, #tpu.memory_space<vmem>> -> memref<128x64xf32, #tpu.memory_space<vmem>>
      %dma_start3A_1216 = arith.constant 0 : i32
      %dma_start3A_1217 = tpu.memref_slice %arg4[%add3A_1209, %dma_start3A_1216] : memref<819200x64xf32, #tpu.memory_space<hbm>> -> memref<128x64xf32, #tpu.memory_space<hbm>>
      %dma_start3A_1218 = tpu.memref_slice %arg8[%dma_start3A_1211] : memref<10x!tpu.dma_semaphore, #tpu.memory_space<semaphore_mem>> -> memref<1x!tpu.dma_semaphore, #tpu.memory_space<semaphore_mem>>
      %dma_start3A_1219 = tpu.memref_squeeze %dma_start3A_1218 : memref<1x!tpu.dma_semaphore, #tpu.memory_space<semaphore_mem>> -> memref<!tpu.dma_semaphore, #tpu.memory_space<semaphore_mem>>
      %dma_start3A_1220 = arith.constant 0 : i32
      %dma_start3A_1221 = tpu.memref_slice %arg4[%add3A_1209, %dma_start3A_1220] : memref<819200x64xf32, #tpu.memory_space<hbm>> -> memref<128x64xf32, #tpu.memory_space<hbm>>
      %dma_start3A_1222 = arith.constant 0 : i32
      %dma_start3A_1223 = arith.constant 0 : i32
      %dma_start3A_1224 = tpu.memref_slice %arg6[%dma_start3A_1210, %dma_start3A_1222, %dma_start3A_1223] : memref<10x128x64xf32, #tpu.memory_space<vmem>> -> memref<1x128x64xf32, #tpu.memory_space<vmem>>
      %dma_start3A_1225 = tpu.memref_squeeze %dma_start3A_1224 : memref<1x128x64xf32, #tpu.memory_space<vmem>> -> memref<128x64xf32, #tpu.memory_space<vmem>>
      tpu.enqueue_dma source(%dma_start3A_1225 : memref<128x64xf32, #tpu.memory_space<vmem>>) target(%dma_start3A_1221 : memref<128x64xf32, #tpu.memory_space<hbm>>) target_semaphore(%dma_start3A_1219 : memref<!tpu.dma_semaphore, #tpu.memory_space<semaphore_mem>>)
      %sub3A_1226 = arith.constant 10 : i32
      %sub3A_1227 = arith.subi %add3A_1188, %sub3A_1226 : i32
      %mul3A_1228 = arith.constant 128 : i32
      %mul3A_1229 = arith.muli %sub3A_1227, %mul3A_1228 : i32
      %add3A_1230 = arith.addi %mul3A_2, %mul3A_1229 : i32
      %dma_wait3A_1231 = arith.constant 7 : i32
      %dma_wait3A_1232 = arith.constant 7 : i32
      %dma_wait3A_1233 = arith.constant 0 : i32
      %dma_wait3A_1234 = arith.constant 0 : i32
      %dma_wait3A_1235 = tpu.memref_slice %arg6[%dma_wait3A_1231, %dma_wait3A_1233, %dma_wait3A_1234] : memref<10x128x64xf32, #tpu.memory_space<vmem>> -> memref<1x128x64xf32, #tpu.memory_space<vmem>>
      %dma_wait3A_1236 = tpu.memref_squeeze %dma_wait3A_1235 : memref<1x128x64xf32, #tpu.memory_space<vmem>> -> memref<128x64xf32, #tpu.memory_space<vmem>>
      %dma_wait3A_1237 = arith.constant 0 : i32
      %dma_wait3A_1238 = tpu.memref_slice %arg4[%add3A_1230, %dma_wait3A_1237] : memref<819200x64xf32, #tpu.memory_space<hbm>> -> memref<128x64xf32, #tpu.memory_space<hbm>>
      %dma_wait3A_1239 = tpu.memref_slice %arg8[%dma_wait3A_1232] : memref<10x!tpu.dma_semaphore, #tpu.memory_space<semaphore_mem>> -> memref<1x!tpu.dma_semaphore, #tpu.memory_space<semaphore_mem>>
      %dma_wait3A_1240 = tpu.memref_squeeze %dma_wait3A_1239 : memref<1x!tpu.dma_semaphore, #tpu.memory_space<semaphore_mem>> -> memref<!tpu.dma_semaphore, #tpu.memory_space<semaphore_mem>>
      %dma_wait3A_1241 = arith.constant 0 : i32
      %dma_wait3A_1242 = tpu.memref_slice %arg4[%add3A_1230, %dma_wait3A_1241] : memref<819200x64xf32, #tpu.memory_space<hbm>> -> memref<128x64xf32, #tpu.memory_space<hbm>>
      %dma_wait3A_1243 = arith.constant 0 : i32
      %dma_wait3A_1244 = arith.constant 0 : i32
      %dma_wait3A_1245 = tpu.memref_slice %arg6[%dma_wait3A_1231, %dma_wait3A_1243, %dma_wait3A_1244] : memref<10x128x64xf32, #tpu.memory_space<vmem>> -> memref<1x128x64xf32, #tpu.memory_space<vmem>>
      %dma_wait3A_1246 = tpu.memref_squeeze %dma_wait3A_1245 : memref<1x128x64xf32, #tpu.memory_space<vmem>> -> memref<128x64xf32, #tpu.memory_space<vmem>>
      tpu.wait_dma2 semaphore(%dma_wait3A_1240 : memref<!tpu.dma_semaphore, #tpu.memory_space<semaphore_mem>>) src(%dma_wait3A_1246 : memref<128x64xf32, #tpu.memory_space<vmem>>) dst(%dma_wait3A_1242 : memref<128x64xf32, #tpu.memory_space<hbm>>)
      %dma_start3A_1247 = arith.constant 7 : i32
      %dma_start3A_1248 = arith.constant 7 : i32
      %dma_start3A_1249 = arith.constant 0 : i32
      %dma_start3A_1250 = arith.constant 0 : i32
      %dma_start3A_1251 = tpu.memref_slice %arg6[%dma_start3A_1247, %dma_start3A_1249, %dma_start3A_1250] : memref<10x128x64xf32, #tpu.memory_space<vmem>> -> memref<1x128x64xf32, #tpu.memory_space<vmem>>
      %dma_start3A_1252 = tpu.memref_squeeze %dma_start3A_1251 : memref<1x128x64xf32, #tpu.memory_space<vmem>> -> memref<128x64xf32, #tpu.memory_space<vmem>>
      %dma_start3A_1253 = arith.constant 0 : i32
      %dma_start3A_1254 = tpu.memref_slice %arg5[%add3A_1188, %dma_start3A_1253] : memref<200x128xi32, #tpu.memory_space<vmem>> -> memref<1x128xi32, #tpu.memory_space<vmem>>
      %dma_start3A_1255 = tpu.memref_squeeze %dma_start3A_1254 : memref<1x128xi32, #tpu.memory_space<vmem>> -> memref<128xi32, #tpu.memory_space<vmem>>
      %dma_start3A_1256 = arith.constant 0 : i32
      %dma_start3A_1257 = arith.constant 0 : i32
      %dma_start3A_1258 = tpu.memref_slice %arg3[%dma_start3A_1256, %dma_start3A_1257] : memref<1000000x64xf32, #tpu.memory_space<hbm>> -> memref<1000000x64xf32, #tpu.memory_space<hbm>>
      %dma_start3A_1259 = tpu.memref_slice %arg7[%dma_start3A_1248] : memref<10x!tpu.dma_semaphore, #tpu.memory_space<semaphore_mem>> -> memref<1x!tpu.dma_semaphore, #tpu.memory_space<semaphore_mem>>
      %dma_start3A_1260 = tpu.memref_squeeze %dma_start3A_1259 : memref<1x!tpu.dma_semaphore, #tpu.memory_space<semaphore_mem>> -> memref<!tpu.dma_semaphore, #tpu.memory_space<semaphore_mem>>
      tpu.enqueue_indirect_dma source(%dma_start3A_1258 : memref<1000000x64xf32, #tpu.memory_space<hbm>>) target(%dma_start3A_1252 : memref<128x64xf32, #tpu.memory_space<vmem>>) offsets(%dma_start3A_1255 : memref<128xi32, #tpu.memory_space<vmem>>) semaphore(%dma_start3A_1260 : memref<!tpu.dma_semaphore, #tpu.memory_space<semaphore_mem>>)
      %add3A_1261 = arith.constant 8 : i32
      %add3A_1262 = arith.addi %add3A_669, %add3A_1261 : i32
      %sub3A_1263 = arith.constant 5 : i32
      %sub3A_1264 = arith.subi %add3A_1262, %sub3A_1263 : i32
      %dma_wait3A_1265 = arith.constant 3 : i32
      %dma_wait3A_1266 = arith.constant 3 : i32
      %dma_wait3A_1267 = arith.constant 0 : i32
      %dma_wait3A_1268 = arith.constant 0 : i32
      %dma_wait3A_1269 = tpu.memref_slice %arg6[%dma_wait3A_1265, %dma_wait3A_1267, %dma_wait3A_1268] : memref<10x128x64xf32, #tpu.memory_space<vmem>> -> memref<1x128x64xf32, #tpu.memory_space<vmem>>
      %dma_wait3A_1270 = tpu.memref_squeeze %dma_wait3A_1269 : memref<1x128x64xf32, #tpu.memory_space<vmem>> -> memref<128x64xf32, #tpu.memory_space<vmem>>
      %dma_wait3A_1271 = arith.constant 0 : i32
      %dma_wait3A_1272 = tpu.memref_slice %arg5[%sub3A_1264, %dma_wait3A_1271] : memref<200x128xi32, #tpu.memory_space<vmem>> -> memref<1x128xi32, #tpu.memory_space<vmem>>
      %dma_wait3A_1273 = tpu.memref_squeeze %dma_wait3A_1272 : memref<1x128xi32, #tpu.memory_space<vmem>> -> memref<128xi32, #tpu.memory_space<vmem>>
      %dma_wait3A_1274 = arith.constant 0 : i32
      %dma_wait3A_1275 = arith.constant 0 : i32
      %dma_wait3A_1276 = tpu.memref_slice %arg3[%dma_wait3A_1274, %dma_wait3A_1275] : memref<1000000x64xf32, #tpu.memory_space<hbm>> -> memref<1000000x64xf32, #tpu.memory_space<hbm>>
      %dma_wait3A_1277 = tpu.memref_slice %arg7[%dma_wait3A_1266] : memref<10x!tpu.dma_semaphore, #tpu.memory_space<semaphore_mem>> -> memref<1x!tpu.dma_semaphore, #tpu.memory_space<semaphore_mem>>
      %dma_wait3A_1278 = tpu.memref_squeeze %dma_wait3A_1277 : memref<1x!tpu.dma_semaphore, #tpu.memory_space<semaphore_mem>> -> memref<!tpu.dma_semaphore, #tpu.memory_space<semaphore_mem>>
      tpu.wait_indirect_dma semaphore(%dma_wait3A_1278 : memref<!tpu.dma_semaphore, #tpu.memory_space<semaphore_mem>>) src(%dma_wait3A_1276 : memref<1000000x64xf32, #tpu.memory_space<hbm>>) dst(%dma_wait3A_1270 : memref<128x64xf32, #tpu.memory_space<vmem>>)
      %sub3A_1279 = arith.constant 5 : i32
      %sub3A_1280 = arith.subi %add3A_1262, %sub3A_1279 : i32
      %mul3A_1281 = arith.constant 128 : i32
      %mul3A_1282 = arith.muli %sub3A_1280, %mul3A_1281 : i32
      %add3A_1283 = arith.addi %mul3A_2, %mul3A_1282 : i32
      %dma_start3A_1284 = arith.constant 3 : i32
      %dma_start3A_1285 = arith.constant 3 : i32
      %dma_start3A_1286 = arith.constant 0 : i32
      %dma_start3A_1287 = arith.constant 0 : i32
      %dma_start3A_1288 = tpu.memref_slice %arg6[%dma_start3A_1284, %dma_start3A_1286, %dma_start3A_1287] : memref<10x128x64xf32, #tpu.memory_space<vmem>> -> memref<1x128x64xf32, #tpu.memory_space<vmem>>
      %dma_start3A_1289 = tpu.memref_squeeze %dma_start3A_1288 : memref<1x128x64xf32, #tpu.memory_space<vmem>> -> memref<128x64xf32, #tpu.memory_space<vmem>>
      %dma_start3A_1290 = arith.constant 0 : i32
      %dma_start3A_1291 = tpu.memref_slice %arg4[%add3A_1283, %dma_start3A_1290] : memref<819200x64xf32, #tpu.memory_space<hbm>> -> memref<128x64xf32, #tpu.memory_space<hbm>>
      %dma_start3A_1292 = tpu.memref_slice %arg8[%dma_start3A_1285] : memref<10x!tpu.dma_semaphore, #tpu.memory_space<semaphore_mem>> -> memref<1x!tpu.dma_semaphore, #tpu.memory_space<semaphore_mem>>
      %dma_start3A_1293 = tpu.memref_squeeze %dma_start3A_1292 : memref<1x!tpu.dma_semaphore, #tpu.memory_space<semaphore_mem>> -> memref<!tpu.dma_semaphore, #tpu.memory_space<semaphore_mem>>
      %dma_start3A_1294 = arith.constant 0 : i32
      %dma_start3A_1295 = tpu.memref_slice %arg4[%add3A_1283, %dma_start3A_1294] : memref<819200x64xf32, #tpu.memory_space<hbm>> -> memref<128x64xf32, #tpu.memory_space<hbm>>
      %dma_start3A_1296 = arith.constant 0 : i32
      %dma_start3A_1297 = arith.constant 0 : i32
      %dma_start3A_1298 = tpu.memref_slice %arg6[%dma_start3A_1284, %dma_start3A_1296, %dma_start3A_1297] : memref<10x128x64xf32, #tpu.memory_space<vmem>> -> memref<1x128x64xf32, #tpu.memory_space<vmem>>
      %dma_start3A_1299 = tpu.memref_squeeze %dma_start3A_1298 : memref<1x128x64xf32, #tpu.memory_space<vmem>> -> memref<128x64xf32, #tpu.memory_space<vmem>>
      tpu.enqueue_dma source(%dma_start3A_1299 : memref<128x64xf32, #tpu.memory_space<vmem>>) target(%dma_start3A_1295 : memref<128x64xf32, #tpu.memory_space<hbm>>) target_semaphore(%dma_start3A_1293 : memref<!tpu.dma_semaphore, #tpu.memory_space<semaphore_mem>>)
      %sub3A_1300 = arith.constant 10 : i32
      %sub3A_1301 = arith.subi %add3A_1262, %sub3A_1300 : i32
      %mul3A_1302 = arith.constant 128 : i32
      %mul3A_1303 = arith.muli %sub3A_1301, %mul3A_1302 : i32
      %add3A_1304 = arith.addi %mul3A_2, %mul3A_1303 : i32
      %dma_wait3A_1305 = arith.constant 8 : i32
      %dma_wait3A_1306 = arith.constant 8 : i32
      %dma_wait3A_1307 = arith.constant 0 : i32
      %dma_wait3A_1308 = arith.constant 0 : i32
      %dma_wait3A_1309 = tpu.memref_slice %arg6[%dma_wait3A_1305, %dma_wait3A_1307, %dma_wait3A_1308] : memref<10x128x64xf32, #tpu.memory_space<vmem>> -> memref<1x128x64xf32, #tpu.memory_space<vmem>>
      %dma_wait3A_1310 = tpu.memref_squeeze %dma_wait3A_1309 : memref<1x128x64xf32, #tpu.memory_space<vmem>> -> memref<128x64xf32, #tpu.memory_space<vmem>>
      %dma_wait3A_1311 = arith.constant 0 : i32
      %dma_wait3A_1312 = tpu.memref_slice %arg4[%add3A_1304, %dma_wait3A_1311] : memref<819200x64xf32, #tpu.memory_space<hbm>> -> memref<128x64xf32, #tpu.memory_space<hbm>>
      %dma_wait3A_1313 = tpu.memref_slice %arg8[%dma_wait3A_1306] : memref<10x!tpu.dma_semaphore, #tpu.memory_space<semaphore_mem>> -> memref<1x!tpu.dma_semaphore, #tpu.memory_space<semaphore_mem>>
      %dma_wait3A_1314 = tpu.memref_squeeze %dma_wait3A_1313 : memref<1x!tpu.dma_semaphore, #tpu.memory_space<semaphore_mem>> -> memref<!tpu.dma_semaphore, #tpu.memory_space<semaphore_mem>>
      %dma_wait3A_1315 = arith.constant 0 : i32
      %dma_wait3A_1316 = tpu.memref_slice %arg4[%add3A_1304, %dma_wait3A_1315] : memref<819200x64xf32, #tpu.memory_space<hbm>> -> memref<128x64xf32, #tpu.memory_space<hbm>>
      %dma_wait3A_1317 = arith.constant 0 : i32
      %dma_wait3A_1318 = arith.constant 0 : i32
      %dma_wait3A_1319 = tpu.memref_slice %arg6[%dma_wait3A_1305, %dma_wait3A_1317, %dma_wait3A_1318] : memref<10x128x64xf32, #tpu.memory_space<vmem>> -> memref<1x128x64xf32, #tpu.memory_space<vmem>>
      %dma_wait3A_1320 = tpu.memref_squeeze %dma_wait3A_1319 : memref<1x128x64xf32, #tpu.memory_space<vmem>> -> memref<128x64xf32, #tpu.memory_space<vmem>>
      tpu.wait_dma2 semaphore(%dma_wait3A_1314 : memref<!tpu.dma_semaphore, #tpu.memory_space<semaphore_mem>>) src(%dma_wait3A_1320 : memref<128x64xf32, #tpu.memory_space<vmem>>) dst(%dma_wait3A_1316 : memref<128x64xf32, #tpu.memory_space<hbm>>)
      %dma_start3A_1321 = arith.constant 8 : i32
      %dma_start3A_1322 = arith.constant 8 : i32
      %dma_start3A_1323 = arith.constant 0 : i32
      %dma_start3A_1324 = arith.constant 0 : i32
      %dma_start3A_1325 = tpu.memref_slice %arg6[%dma_start3A_1321, %dma_start3A_1323, %dma_start3A_1324] : memref<10x128x64xf32, #tpu.memory_space<vmem>> -> memref<1x128x64xf32, #tpu.memory_space<vmem>>
      %dma_start3A_1326 = tpu.memref_squeeze %dma_start3A_1325 : memref<1x128x64xf32, #tpu.memory_space<vmem>> -> memref<128x64xf32, #tpu.memory_space<vmem>>
      %dma_start3A_1327 = arith.constant 0 : i32
      %dma_start3A_1328 = tpu.memref_slice %arg5[%add3A_1262, %dma_start3A_1327] : memref<200x128xi32, #tpu.memory_space<vmem>> -> memref<1x128xi32, #tpu.memory_space<vmem>>
      %dma_start3A_1329 = tpu.memref_squeeze %dma_start3A_1328 : memref<1x128xi32, #tpu.memory_space<vmem>> -> memref<128xi32, #tpu.memory_space<vmem>>
      %dma_start3A_1330 = arith.constant 0 : i32
      %dma_start3A_1331 = arith.constant 0 : i32
      %dma_start3A_1332 = tpu.memref_slice %arg3[%dma_start3A_1330, %dma_start3A_1331] : memref<1000000x64xf32, #tpu.memory_space<hbm>> -> memref<1000000x64xf32, #tpu.memory_space<hbm>>
      %dma_start3A_1333 = tpu.memref_slice %arg7[%dma_start3A_1322] : memref<10x!tpu.dma_semaphore, #tpu.memory_space<semaphore_mem>> -> memref<1x!tpu.dma_semaphore, #tpu.memory_space<semaphore_mem>>
      %dma_start3A_1334 = tpu.memref_squeeze %dma_start3A_1333 : memref<1x!tpu.dma_semaphore, #tpu.memory_space<semaphore_mem>> -> memref<!tpu.dma_semaphore, #tpu.memory_space<semaphore_mem>>
      tpu.enqueue_indirect_dma source(%dma_start3A_1332 : memref<1000000x64xf32, #tpu.memory_space<hbm>>) target(%dma_start3A_1326 : memref<128x64xf32, #tpu.memory_space<vmem>>) offsets(%dma_start3A_1329 : memref<128xi32, #tpu.memory_space<vmem>>) semaphore(%dma_start3A_1334 : memref<!tpu.dma_semaphore, #tpu.memory_space<semaphore_mem>>)
      %add3A_1335 = arith.constant 9 : i32
      %add3A_1336 = arith.addi %add3A_669, %add3A_1335 : i32
      %sub3A_1337 = arith.constant 5 : i32
      %sub3A_1338 = arith.subi %add3A_1336, %sub3A_1337 : i32
      %dma_wait3A_1339 = arith.constant 4 : i32
      %dma_wait3A_1340 = arith.constant 4 : i32
      %dma_wait3A_1341 = arith.constant 0 : i32
      %dma_wait3A_1342 = arith.constant 0 : i32
      %dma_wait3A_1343 = tpu.memref_slice %arg6[%dma_wait3A_1339, %dma_wait3A_1341, %dma_wait3A_1342] : memref<10x128x64xf32, #tpu.memory_space<vmem>> -> memref<1x128x64xf32, #tpu.memory_space<vmem>>
      %dma_wait3A_1344 = tpu.memref_squeeze %dma_wait3A_1343 : memref<1x128x64xf32, #tpu.memory_space<vmem>> -> memref<128x64xf32, #tpu.memory_space<vmem>>
      %dma_wait3A_1345 = arith.constant 0 : i32
      %dma_wait3A_1346 = tpu.memref_slice %arg5[%sub3A_1338, %dma_wait3A_1345] : memref<200x128xi32, #tpu.memory_space<vmem>> -> memref<1x128xi32, #tpu.memory_space<vmem>>
      %dma_wait3A_1347 = tpu.memref_squeeze %dma_wait3A_1346 : memref<1x128xi32, #tpu.memory_space<vmem>> -> memref<128xi32, #tpu.memory_space<vmem>>
      %dma_wait3A_1348 = arith.constant 0 : i32
      %dma_wait3A_1349 = arith.constant 0 : i32
      %dma_wait3A_1350 = tpu.memref_slice %arg3[%dma_wait3A_1348, %dma_wait3A_1349] : memref<1000000x64xf32, #tpu.memory_space<hbm>> -> memref<1000000x64xf32, #tpu.memory_space<hbm>>
      %dma_wait3A_1351 = tpu.memref_slice %arg7[%dma_wait3A_1340] : memref<10x!tpu.dma_semaphore, #tpu.memory_space<semaphore_mem>> -> memref<1x!tpu.dma_semaphore, #tpu.memory_space<semaphore_mem>>
      %dma_wait3A_1352 = tpu.memref_squeeze %dma_wait3A_1351 : memref<1x!tpu.dma_semaphore, #tpu.memory_space<semaphore_mem>> -> memref<!tpu.dma_semaphore, #tpu.memory_space<semaphore_mem>>
      tpu.wait_indirect_dma semaphore(%dma_wait3A_1352 : memref<!tpu.dma_semaphore, #tpu.memory_space<semaphore_mem>>) src(%dma_wait3A_1350 : memref<1000000x64xf32, #tpu.memory_space<hbm>>) dst(%dma_wait3A_1344 : memref<128x64xf32, #tpu.memory_space<vmem>>)
      %sub3A_1353 = arith.constant 5 : i32
      %sub3A_1354 = arith.subi %add3A_1336, %sub3A_1353 : i32
      %mul3A_1355 = arith.constant 128 : i32
      %mul3A_1356 = arith.muli %sub3A_1354, %mul3A_1355 : i32
      %add3A_1357 = arith.addi %mul3A_2, %mul3A_1356 : i32
      %dma_start3A_1358 = arith.constant 4 : i32
      %dma_start3A_1359 = arith.constant 4 : i32
      %dma_start3A_1360 = arith.constant 0 : i32
      %dma_start3A_1361 = arith.constant 0 : i32
      %dma_start3A_1362 = tpu.memref_slice %arg6[%dma_start3A_1358, %dma_start3A_1360, %dma_start3A_1361] : memref<10x128x64xf32, #tpu.memory_space<vmem>> -> memref<1x128x64xf32, #tpu.memory_space<vmem>>
      %dma_start3A_1363 = tpu.memref_squeeze %dma_start3A_1362 : memref<1x128x64xf32, #tpu.memory_space<vmem>> -> memref<128x64xf32, #tpu.memory_space<vmem>>
      %dma_start3A_1364 = arith.constant 0 : i32
      %dma_start3A_1365 = tpu.memref_slice %arg4[%add3A_1357, %dma_start3A_1364] : memref<819200x64xf32, #tpu.memory_space<hbm>> -> memref<128x64xf32, #tpu.memory_space<hbm>>
      %dma_start3A_1366 = tpu.memref_slice %arg8[%dma_start3A_1359] : memref<10x!tpu.dma_semaphore, #tpu.memory_space<semaphore_mem>> -> memref<1x!tpu.dma_semaphore, #tpu.memory_space<semaphore_mem>>
      %dma_start3A_1367 = tpu.memref_squeeze %dma_start3A_1366 : memref<1x!tpu.dma_semaphore, #tpu.memory_space<semaphore_mem>> -> memref<!tpu.dma_semaphore, #tpu.memory_space<semaphore_mem>>
      %dma_start3A_1368 = arith.constant 0 : i32
      %dma_start3A_1369 = tpu.memref_slice %arg4[%add3A_1357, %dma_start3A_1368] : memref<819200x64xf32, #tpu.memory_space<hbm>> -> memref<128x64xf32, #tpu.memory_space<hbm>>
      %dma_start3A_1370 = arith.constant 0 : i32
      %dma_start3A_1371 = arith.constant 0 : i32
      %dma_start3A_1372 = tpu.memref_slice %arg6[%dma_start3A_1358, %dma_start3A_1370, %dma_start3A_1371] : memref<10x128x64xf32, #tpu.memory_space<vmem>> -> memref<1x128x64xf32, #tpu.memory_space<vmem>>
      %dma_start3A_1373 = tpu.memref_squeeze %dma_start3A_1372 : memref<1x128x64xf32, #tpu.memory_space<vmem>> -> memref<128x64xf32, #tpu.memory_space<vmem>>
      tpu.enqueue_dma source(%dma_start3A_1373 : memref<128x64xf32, #tpu.memory_space<vmem>>) target(%dma_start3A_1369 : memref<128x64xf32, #tpu.memory_space<hbm>>) target_semaphore(%dma_start3A_1367 : memref<!tpu.dma_semaphore, #tpu.memory_space<semaphore_mem>>)
      %sub3A_1374 = arith.constant 10 : i32
      %sub3A_1375 = arith.subi %add3A_1336, %sub3A_1374 : i32
      %mul3A_1376 = arith.constant 128 : i32
      %mul3A_1377 = arith.muli %sub3A_1375, %mul3A_1376 : i32
      %add3A_1378 = arith.addi %mul3A_2, %mul3A_1377 : i32
      %dma_wait3A_1379 = arith.constant 9 : i32
      %dma_wait3A_1380 = arith.constant 9 : i32
      %dma_wait3A_1381 = arith.constant 0 : i32
      %dma_wait3A_1382 = arith.constant 0 : i32
      %dma_wait3A_1383 = tpu.memref_slice %arg6[%dma_wait3A_1379, %dma_wait3A_1381, %dma_wait3A_1382] : memref<10x128x64xf32, #tpu.memory_space<vmem>> -> memref<1x128x64xf32, #tpu.memory_space<vmem>>
      %dma_wait3A_1384 = tpu.memref_squeeze %dma_wait3A_1383 : memref<1x128x64xf32, #tpu.memory_space<vmem>> -> memref<128x64xf32, #tpu.memory_space<vmem>>
      %dma_wait3A_1385 = arith.constant 0 : i32
      %dma_wait3A_1386 = tpu.memref_slice %arg4[%add3A_1378, %dma_wait3A_1385] : memref<819200x64xf32, #tpu.memory_space<hbm>> -> memref<128x64xf32, #tpu.memory_space<hbm>>
      %dma_wait3A_1387 = tpu.memref_slice %arg8[%dma_wait3A_1380] : memref<10x!tpu.dma_semaphore, #tpu.memory_space<semaphore_mem>> -> memref<1x!tpu.dma_semaphore, #tpu.memory_space<semaphore_mem>>
      %dma_wait3A_1388 = tpu.memref_squeeze %dma_wait3A_1387 : memref<1x!tpu.dma_semaphore, #tpu.memory_space<semaphore_mem>> -> memref<!tpu.dma_semaphore, #tpu.memory_space<semaphore_mem>>
      %dma_wait3A_1389 = arith.constant 0 : i32
      %dma_wait3A_1390 = tpu.memref_slice %arg4[%add3A_1378, %dma_wait3A_1389] : memref<819200x64xf32, #tpu.memory_space<hbm>> -> memref<128x64xf32, #tpu.memory_space<hbm>>
      %dma_wait3A_1391 = arith.constant 0 : i32
      %dma_wait3A_1392 = arith.constant 0 : i32
      %dma_wait3A_1393 = tpu.memref_slice %arg6[%dma_wait3A_1379, %dma_wait3A_1391, %dma_wait3A_1392] : memref<10x128x64xf32, #tpu.memory_space<vmem>> -> memref<1x128x64xf32, #tpu.memory_space<vmem>>
      %dma_wait3A_1394 = tpu.memref_squeeze %dma_wait3A_1393 : memref<1x128x64xf32, #tpu.memory_space<vmem>> -> memref<128x64xf32, #tpu.memory_space<vmem>>
      tpu.wait_dma2 semaphore(%dma_wait3A_1388 : memref<!tpu.dma_semaphore, #tpu.memory_space<semaphore_mem>>) src(%dma_wait3A_1394 : memref<128x64xf32, #tpu.memory_space<vmem>>) dst(%dma_wait3A_1390 : memref<128x64xf32, #tpu.memory_space<hbm>>)
      %dma_start3A_1395 = arith.constant 9 : i32
      %dma_start3A_1396 = arith.constant 9 : i32
      %dma_start3A_1397 = arith.constant 0 : i32
      %dma_start3A_1398 = arith.constant 0 : i32
      %dma_start3A_1399 = tpu.memref_slice %arg6[%dma_start3A_1395, %dma_start3A_1397, %dma_start3A_1398] : memref<10x128x64xf32, #tpu.memory_space<vmem>> -> memref<1x128x64xf32, #tpu.memory_space<vmem>>
      %dma_start3A_1400 = tpu.memref_squeeze %dma_start3A_1399 : memref<1x128x64xf32, #tpu.memory_space<vmem>> -> memref<128x64xf32, #tpu.memory_space<vmem>>
      %dma_start3A_1401 = arith.constant 0 : i32
      %dma_start3A_1402 = tpu.memref_slice %arg5[%add3A_1336, %dma_start3A_1401] : memref<200x128xi32, #tpu.memory_space<vmem>> -> memref<1x128xi32, #tpu.memory_space<vmem>>
      %dma_start3A_1403 = tpu.memref_squeeze %dma_start3A_1402 : memref<1x128xi32, #tpu.memory_space<vmem>> -> memref<128xi32, #tpu.memory_space<vmem>>
      %dma_start3A_1404 = arith.constant 0 : i32
      %dma_start3A_1405 = arith.constant 0 : i32
      %dma_start3A_1406 = tpu.memref_slice %arg3[%dma_start3A_1404, %dma_start3A_1405] : memref<1000000x64xf32, #tpu.memory_space<hbm>> -> memref<1000000x64xf32, #tpu.memory_space<hbm>>
      %dma_start3A_1407 = tpu.memref_slice %arg7[%dma_start3A_1396] : memref<10x!tpu.dma_semaphore, #tpu.memory_space<semaphore_mem>> -> memref<1x!tpu.dma_semaphore, #tpu.memory_space<semaphore_mem>>
      %dma_start3A_1408 = tpu.memref_squeeze %dma_start3A_1407 : memref<1x!tpu.dma_semaphore, #tpu.memory_space<semaphore_mem>> -> memref<!tpu.dma_semaphore, #tpu.memory_space<semaphore_mem>>
      tpu.enqueue_indirect_dma source(%dma_start3A_1406 : memref<1000000x64xf32, #tpu.memory_space<hbm>>) target(%dma_start3A_1400 : memref<128x64xf32, #tpu.memory_space<vmem>>) offsets(%dma_start3A_1403 : memref<128xi32, #tpu.memory_space<vmem>>) semaphore(%dma_start3A_1408 : memref<!tpu.dma_semaphore, #tpu.memory_space<semaphore_mem>>)
    }
    %scan3A_319 = arith.constant 19 : i32
    %dma_wait3A_320 = arith.constant 195 : i32
    %dma_wait3A_321 = arith.constant 5 : i32
    %dma_wait3A_322 = arith.constant 5 : i32
    %dma_wait3A_323 = arith.constant 0 : i32
    %dma_wait3A_324 = arith.constant 0 : i32
    %dma_wait3A_325 = tpu.memref_slice %arg6[%dma_wait3A_321, %dma_wait3A_323, %dma_wait3A_324] : memref<10x128x64xf32, #tpu.memory_space<vmem>> -> memref<1x128x64xf32, #tpu.memory_space<vmem>>
    %dma_wait3A_326 = tpu.memref_squeeze %dma_wait3A_325 : memref<1x128x64xf32, #tpu.memory_space<vmem>> -> memref<128x64xf32, #tpu.memory_space<vmem>>
    %dma_wait3A_327 = arith.constant 0 : i32
    %dma_wait3A_328 = tpu.memref_slice %arg5[%dma_wait3A_320, %dma_wait3A_327] : memref<200x128xi32, #tpu.memory_space<vmem>> -> memref<1x128xi32, #tpu.memory_space<vmem>>
    %dma_wait3A_329 = tpu.memref_squeeze %dma_wait3A_328 : memref<1x128xi32, #tpu.memory_space<vmem>> -> memref<128xi32, #tpu.memory_space<vmem>>
    %dma_wait3A_330 = arith.constant 0 : i32
    %dma_wait3A_331 = arith.constant 0 : i32
    %dma_wait3A_332 = tpu.memref_slice %arg3[%dma_wait3A_330, %dma_wait3A_331] : memref<1000000x64xf32, #tpu.memory_space<hbm>> -> memref<1000000x64xf32, #tpu.memory_space<hbm>>
    %dma_wait3A_333 = tpu.memref_slice %arg7[%dma_wait3A_322] : memref<10x!tpu.dma_semaphore, #tpu.memory_space<semaphore_mem>> -> memref<1x!tpu.dma_semaphore, #tpu.memory_space<semaphore_mem>>
    %dma_wait3A_334 = tpu.memref_squeeze %dma_wait3A_333 : memref<1x!tpu.dma_semaphore, #tpu.memory_space<semaphore_mem>> -> memref<!tpu.dma_semaphore, #tpu.memory_space<semaphore_mem>>
    tpu.wait_indirect_dma semaphore(%dma_wait3A_334 : memref<!tpu.dma_semaphore, #tpu.memory_space<semaphore_mem>>) src(%dma_wait3A_332 : memref<1000000x64xf32, #tpu.memory_space<hbm>>) dst(%dma_wait3A_326 : memref<128x64xf32, #tpu.memory_space<vmem>>)
    %add3A_335 = arith.constant 24960 : i32
    %add3A_336 = arith.addi %mul3A_2, %add3A_335 : i32
    %dma_start3A_337 = arith.constant 5 : i32
    %dma_start3A_338 = arith.constant 5 : i32
    %dma_start3A_339 = arith.constant 0 : i32
    %dma_start3A_340 = arith.constant 0 : i32
    %dma_start3A_341 = tpu.memref_slice %arg6[%dma_start3A_337, %dma_start3A_339, %dma_start3A_340] : memref<10x128x64xf32, #tpu.memory_space<vmem>> -> memref<1x128x64xf32, #tpu.memory_space<vmem>>
    %dma_start3A_342 = tpu.memref_squeeze %dma_start3A_341 : memref<1x128x64xf32, #tpu.memory_space<vmem>> -> memref<128x64xf32, #tpu.memory_space<vmem>>
    %dma_start3A_343 = arith.constant 0 : i32
    %dma_start3A_344 = tpu.memref_slice %arg4[%add3A_336, %dma_start3A_343] : memref<819200x64xf32, #tpu.memory_space<hbm>> -> memref<128x64xf32, #tpu.memory_space<hbm>>
    %dma_start3A_345 = tpu.memref_slice %arg8[%dma_start3A_338] : memref<10x!tpu.dma_semaphore, #tpu.memory_space<semaphore_mem>> -> memref<1x!tpu.dma_semaphore, #tpu.memory_space<semaphore_mem>>
    %dma_start3A_346 = tpu.memref_squeeze %dma_start3A_345 : memref<1x!tpu.dma_semaphore, #tpu.memory_space<semaphore_mem>> -> memref<!tpu.dma_semaphore, #tpu.memory_space<semaphore_mem>>
    %dma_start3A_347 = arith.constant 0 : i32
    %dma_start3A_348 = tpu.memref_slice %arg4[%add3A_336, %dma_start3A_347] : memref<819200x64xf32, #tpu.memory_space<hbm>> -> memref<128x64xf32, #tpu.memory_space<hbm>>
    %dma_start3A_349 = arith.constant 0 : i32
    %dma_start3A_350 = arith.constant 0 : i32
    %dma_start3A_351 = tpu.memref_slice %arg6[%dma_start3A_337, %dma_start3A_349, %dma_start3A_350] : memref<10x128x64xf32, #tpu.memory_space<vmem>> -> memref<1x128x64xf32, #tpu.memory_space<vmem>>
    %dma_start3A_352 = tpu.memref_squeeze %dma_start3A_351 : memref<1x128x64xf32, #tpu.memory_space<vmem>> -> memref<128x64xf32, #tpu.memory_space<vmem>>
    tpu.enqueue_dma source(%dma_start3A_352 : memref<128x64xf32, #tpu.memory_space<vmem>>) target(%dma_start3A_348 : memref<128x64xf32, #tpu.memory_space<hbm>>) target_semaphore(%dma_start3A_346 : memref<!tpu.dma_semaphore, #tpu.memory_space<semaphore_mem>>)
    %dma_wait3A_353 = arith.constant 196 : i32
    %dma_wait3A_354 = arith.constant 6 : i32
    %dma_wait3A_355 = arith.constant 6 : i32
    %dma_wait3A_356 = arith.constant 0 : i32
    %dma_wait3A_357 = arith.constant 0 : i32
    %dma_wait3A_358 = tpu.memref_slice %arg6[%dma_wait3A_354, %dma_wait3A_356, %dma_wait3A_357] : memref<10x128x64xf32, #tpu.memory_space<vmem>> -> memref<1x128x64xf32, #tpu.memory_space<vmem>>
    %dma_wait3A_359 = tpu.memref_squeeze %dma_wait3A_358 : memref<1x128x64xf32, #tpu.memory_space<vmem>> -> memref<128x64xf32, #tpu.memory_space<vmem>>
    %dma_wait3A_360 = arith.constant 0 : i32
    %dma_wait3A_361 = tpu.memref_slice %arg5[%dma_wait3A_353, %dma_wait3A_360] : memref<200x128xi32, #tpu.memory_space<vmem>> -> memref<1x128xi32, #tpu.memory_space<vmem>>
    %dma_wait3A_362 = tpu.memref_squeeze %dma_wait3A_361 : memref<1x128xi32, #tpu.memory_space<vmem>> -> memref<128xi32, #tpu.memory_space<vmem>>
    %dma_wait3A_363 = arith.constant 0 : i32
    %dma_wait3A_364 = arith.constant 0 : i32
    %dma_wait3A_365 = tpu.memref_slice %arg3[%dma_wait3A_363, %dma_wait3A_364] : memref<1000000x64xf32, #tpu.memory_space<hbm>> -> memref<1000000x64xf32, #tpu.memory_space<hbm>>
    %dma_wait3A_366 = tpu.memref_slice %arg7[%dma_wait3A_355] : memref<10x!tpu.dma_semaphore, #tpu.memory_space<semaphore_mem>> -> memref<1x!tpu.dma_semaphore, #tpu.memory_space<semaphore_mem>>
    %dma_wait3A_367 = tpu.memref_squeeze %dma_wait3A_366 : memref<1x!tpu.dma_semaphore, #tpu.memory_space<semaphore_mem>> -> memref<!tpu.dma_semaphore, #tpu.memory_space<semaphore_mem>>
    tpu.wait_indirect_dma semaphore(%dma_wait3A_367 : memref<!tpu.dma_semaphore, #tpu.memory_space<semaphore_mem>>) src(%dma_wait3A_365 : memref<1000000x64xf32, #tpu.memory_space<hbm>>) dst(%dma_wait3A_359 : memref<128x64xf32, #tpu.memory_space<vmem>>)
    %add3A_368 = arith.constant 25088 : i32
    %add3A_369 = arith.addi %mul3A_2, %add3A_368 : i32
    %dma_start3A_370 = arith.constant 6 : i32
    %dma_start3A_371 = arith.constant 6 : i32
    %dma_start3A_372 = arith.constant 0 : i32
    %dma_start3A_373 = arith.constant 0 : i32
    %dma_start3A_374 = tpu.memref_slice %arg6[%dma_start3A_370, %dma_start3A_372, %dma_start3A_373] : memref<10x128x64xf32, #tpu.memory_space<vmem>> -> memref<1x128x64xf32, #tpu.memory_space<vmem>>
    %dma_start3A_375 = tpu.memref_squeeze %dma_start3A_374 : memref<1x128x64xf32, #tpu.memory_space<vmem>> -> memref<128x64xf32, #tpu.memory_space<vmem>>
    %dma_start3A_376 = arith.constant 0 : i32
    %dma_start3A_377 = tpu.memref_slice %arg4[%add3A_369, %dma_start3A_376] : memref<819200x64xf32, #tpu.memory_space<hbm>> -> memref<128x64xf32, #tpu.memory_space<hbm>>
    %dma_start3A_378 = tpu.memref_slice %arg8[%dma_start3A_371] : memref<10x!tpu.dma_semaphore, #tpu.memory_space<semaphore_mem>> -> memref<1x!tpu.dma_semaphore, #tpu.memory_space<semaphore_mem>>
    %dma_start3A_379 = tpu.memref_squeeze %dma_start3A_378 : memref<1x!tpu.dma_semaphore, #tpu.memory_space<semaphore_mem>> -> memref<!tpu.dma_semaphore, #tpu.memory_space<semaphore_mem>>
    %dma_start3A_380 = arith.constant 0 : i32
    %dma_start3A_381 = tpu.memref_slice %arg4[%add3A_369, %dma_start3A_380] : memref<819200x64xf32, #tpu.memory_space<hbm>> -> memref<128x64xf32, #tpu.memory_space<hbm>>
    %dma_start3A_382 = arith.constant 0 : i32
    %dma_start3A_383 = arith.constant 0 : i32
    %dma_start3A_384 = tpu.memref_slice %arg6[%dma_start3A_370, %dma_start3A_382, %dma_start3A_383] : memref<10x128x64xf32, #tpu.memory_space<vmem>> -> memref<1x128x64xf32, #tpu.memory_space<vmem>>
    %dma_start3A_385 = tpu.memref_squeeze %dma_start3A_384 : memref<1x128x64xf32, #tpu.memory_space<vmem>> -> memref<128x64xf32, #tpu.memory_space<vmem>>
    tpu.enqueue_dma source(%dma_start3A_385 : memref<128x64xf32, #tpu.memory_space<vmem>>) target(%dma_start3A_381 : memref<128x64xf32, #tpu.memory_space<hbm>>) target_semaphore(%dma_start3A_379 : memref<!tpu.dma_semaphore, #tpu.memory_space<semaphore_mem>>)
    %dma_wait3A_386 = arith.constant 197 : i32
    %dma_wait3A_387 = arith.constant 7 : i32
    %dma_wait3A_388 = arith.constant 7 : i32
    %dma_wait3A_389 = arith.constant 0 : i32
    %dma_wait3A_390 = arith.constant 0 : i32
    %dma_wait3A_391 = tpu.memref_slice %arg6[%dma_wait3A_387, %dma_wait3A_389, %dma_wait3A_390] : memref<10x128x64xf32, #tpu.memory_space<vmem>> -> memref<1x128x64xf32, #tpu.memory_space<vmem>>
    %dma_wait3A_392 = tpu.memref_squeeze %dma_wait3A_391 : memref<1x128x64xf32, #tpu.memory_space<vmem>> -> memref<128x64xf32, #tpu.memory_space<vmem>>
    %dma_wait3A_393 = arith.constant 0 : i32
    %dma_wait3A_394 = tpu.memref_slice %arg5[%dma_wait3A_386, %dma_wait3A_393] : memref<200x128xi32, #tpu.memory_space<vmem>> -> memref<1x128xi32, #tpu.memory_space<vmem>>
    %dma_wait3A_395 = tpu.memref_squeeze %dma_wait3A_394 : memref<1x128xi32, #tpu.memory_space<vmem>> -> memref<128xi32, #tpu.memory_space<vmem>>
    %dma_wait3A_396 = arith.constant 0 : i32
    %dma_wait3A_397 = arith.constant 0 : i32
    %dma_wait3A_398 = tpu.memref_slice %arg3[%dma_wait3A_396, %dma_wait3A_397] : memref<1000000x64xf32, #tpu.memory_space<hbm>> -> memref<1000000x64xf32, #tpu.memory_space<hbm>>
    %dma_wait3A_399 = tpu.memref_slice %arg7[%dma_wait3A_388] : memref<10x!tpu.dma_semaphore, #tpu.memory_space<semaphore_mem>> -> memref<1x!tpu.dma_semaphore, #tpu.memory_space<semaphore_mem>>
    %dma_wait3A_400 = tpu.memref_squeeze %dma_wait3A_399 : memref<1x!tpu.dma_semaphore, #tpu.memory_space<semaphore_mem>> -> memref<!tpu.dma_semaphore, #tpu.memory_space<semaphore_mem>>
    tpu.wait_indirect_dma semaphore(%dma_wait3A_400 : memref<!tpu.dma_semaphore, #tpu.memory_space<semaphore_mem>>) src(%dma_wait3A_398 : memref<1000000x64xf32, #tpu.memory_space<hbm>>) dst(%dma_wait3A_392 : memref<128x64xf32, #tpu.memory_space<vmem>>)
    %add3A_401 = arith.constant 25216 : i32
    %add3A_402 = arith.addi %mul3A_2, %add3A_401 : i32
    %dma_start3A_403 = arith.constant 7 : i32
    %dma_start3A_404 = arith.constant 7 : i32
    %dma_start3A_405 = arith.constant 0 : i32
    %dma_start3A_406 = arith.constant 0 : i32
    %dma_start3A_407 = tpu.memref_slice %arg6[%dma_start3A_403, %dma_start3A_405, %dma_start3A_406] : memref<10x128x64xf32, #tpu.memory_space<vmem>> -> memref<1x128x64xf32, #tpu.memory_space<vmem>>
    %dma_start3A_408 = tpu.memref_squeeze %dma_start3A_407 : memref<1x128x64xf32, #tpu.memory_space<vmem>> -> memref<128x64xf32, #tpu.memory_space<vmem>>
    %dma_start3A_409 = arith.constant 0 : i32
    %dma_start3A_410 = tpu.memref_slice %arg4[%add3A_402, %dma_start3A_409] : memref<819200x64xf32, #tpu.memory_space<hbm>> -> memref<128x64xf32, #tpu.memory_space<hbm>>
    %dma_start3A_411 = tpu.memref_slice %arg8[%dma_start3A_404] : memref<10x!tpu.dma_semaphore, #tpu.memory_space<semaphore_mem>> -> memref<1x!tpu.dma_semaphore, #tpu.memory_space<semaphore_mem>>
    %dma_start3A_412 = tpu.memref_squeeze %dma_start3A_411 : memref<1x!tpu.dma_semaphore, #tpu.memory_space<semaphore_mem>> -> memref<!tpu.dma_semaphore, #tpu.memory_space<semaphore_mem>>
    %dma_start3A_413 = arith.constant 0 : i32
    %dma_start3A_414 = tpu.memref_slice %arg4[%add3A_402, %dma_start3A_413] : memref<819200x64xf32, #tpu.memory_space<hbm>> -> memref<128x64xf32, #tpu.memory_space<hbm>>
    %dma_start3A_415 = arith.constant 0 : i32
    %dma_start3A_416 = arith.constant 0 : i32
    %dma_start3A_417 = tpu.memref_slice %arg6[%dma_start3A_403, %dma_start3A_415, %dma_start3A_416] : memref<10x128x64xf32, #tpu.memory_space<vmem>> -> memref<1x128x64xf32, #tpu.memory_space<vmem>>
    %dma_start3A_418 = tpu.memref_squeeze %dma_start3A_417 : memref<1x128x64xf32, #tpu.memory_space<vmem>> -> memref<128x64xf32, #tpu.memory_space<vmem>>
    tpu.enqueue_dma source(%dma_start3A_418 : memref<128x64xf32, #tpu.memory_space<vmem>>) target(%dma_start3A_414 : memref<128x64xf32, #tpu.memory_space<hbm>>) target_semaphore(%dma_start3A_412 : memref<!tpu.dma_semaphore, #tpu.memory_space<semaphore_mem>>)
    %dma_wait3A_419 = arith.constant 198 : i32
    %dma_wait3A_420 = arith.constant 8 : i32
    %dma_wait3A_421 = arith.constant 8 : i32
    %dma_wait3A_422 = arith.constant 0 : i32
    %dma_wait3A_423 = arith.constant 0 : i32
    %dma_wait3A_424 = tpu.memref_slice %arg6[%dma_wait3A_420, %dma_wait3A_422, %dma_wait3A_423] : memref<10x128x64xf32, #tpu.memory_space<vmem>> -> memref<1x128x64xf32, #tpu.memory_space<vmem>>
    %dma_wait3A_425 = tpu.memref_squeeze %dma_wait3A_424 : memref<1x128x64xf32, #tpu.memory_space<vmem>> -> memref<128x64xf32, #tpu.memory_space<vmem>>
    %dma_wait3A_426 = arith.constant 0 : i32
    %dma_wait3A_427 = tpu.memref_slice %arg5[%dma_wait3A_419, %dma_wait3A_426] : memref<200x128xi32, #tpu.memory_space<vmem>> -> memref<1x128xi32, #tpu.memory_space<vmem>>
    %dma_wait3A_428 = tpu.memref_squeeze %dma_wait3A_427 : memref<1x128xi32, #tpu.memory_space<vmem>> -> memref<128xi32, #tpu.memory_space<vmem>>
    %dma_wait3A_429 = arith.constant 0 : i32
    %dma_wait3A_430 = arith.constant 0 : i32
    %dma_wait3A_431 = tpu.memref_slice %arg3[%dma_wait3A_429, %dma_wait3A_430] : memref<1000000x64xf32, #tpu.memory_space<hbm>> -> memref<1000000x64xf32, #tpu.memory_space<hbm>>
    %dma_wait3A_432 = tpu.memref_slice %arg7[%dma_wait3A_421] : memref<10x!tpu.dma_semaphore, #tpu.memory_space<semaphore_mem>> -> memref<1x!tpu.dma_semaphore, #tpu.memory_space<semaphore_mem>>
    %dma_wait3A_433 = tpu.memref_squeeze %dma_wait3A_432 : memref<1x!tpu.dma_semaphore, #tpu.memory_space<semaphore_mem>> -> memref<!tpu.dma_semaphore, #tpu.memory_space<semaphore_mem>>
    tpu.wait_indirect_dma semaphore(%dma_wait3A_433 : memref<!tpu.dma_semaphore, #tpu.memory_space<semaphore_mem>>) src(%dma_wait3A_431 : memref<1000000x64xf32, #tpu.memory_space<hbm>>) dst(%dma_wait3A_425 : memref<128x64xf32, #tpu.memory_space<vmem>>)
    %add3A_434 = arith.constant 25344 : i32
    %add3A_435 = arith.addi %mul3A_2, %add3A_434 : i32
    %dma_start3A_436 = arith.constant 8 : i32
    %dma_start3A_437 = arith.constant 8 : i32
    %dma_start3A_438 = arith.constant 0 : i32
    %dma_start3A_439 = arith.constant 0 : i32
    %dma_start3A_440 = tpu.memref_slice %arg6[%dma_start3A_436, %dma_start3A_438, %dma_start3A_439] : memref<10x128x64xf32, #tpu.memory_space<vmem>> -> memref<1x128x64xf32, #tpu.memory_space<vmem>>
    %dma_start3A_441 = tpu.memref_squeeze %dma_start3A_440 : memref<1x128x64xf32, #tpu.memory_space<vmem>> -> memref<128x64xf32, #tpu.memory_space<vmem>>
    %dma_start3A_442 = arith.constant 0 : i32
    %dma_start3A_443 = tpu.memref_slice %arg4[%add3A_435, %dma_start3A_442] : memref<819200x64xf32, #tpu.memory_space<hbm>> -> memref<128x64xf32, #tpu.memory_space<hbm>>
    %dma_start3A_444 = tpu.memref_slice %arg8[%dma_start3A_437] : memref<10x!tpu.dma_semaphore, #tpu.memory_space<semaphore_mem>> -> memref<1x!tpu.dma_semaphore, #tpu.memory_space<semaphore_mem>>
    %dma_start3A_445 = tpu.memref_squeeze %dma_start3A_444 : memref<1x!tpu.dma_semaphore, #tpu.memory_space<semaphore_mem>> -> memref<!tpu.dma_semaphore, #tpu.memory_space<semaphore_mem>>
    %dma_start3A_446 = arith.constant 0 : i32
    %dma_start3A_447 = tpu.memref_slice %arg4[%add3A_435, %dma_start3A_446] : memref<819200x64xf32, #tpu.memory_space<hbm>> -> memref<128x64xf32, #tpu.memory_space<hbm>>
    %dma_start3A_448 = arith.constant 0 : i32
    %dma_start3A_449 = arith.constant 0 : i32
    %dma_start3A_450 = tpu.memref_slice %arg6[%dma_start3A_436, %dma_start3A_448, %dma_start3A_449] : memref<10x128x64xf32, #tpu.memory_space<vmem>> -> memref<1x128x64xf32, #tpu.memory_space<vmem>>
    %dma_start3A_451 = tpu.memref_squeeze %dma_start3A_450 : memref<1x128x64xf32, #tpu.memory_space<vmem>> -> memref<128x64xf32, #tpu.memory_space<vmem>>
    tpu.enqueue_dma source(%dma_start3A_451 : memref<128x64xf32, #tpu.memory_space<vmem>>) target(%dma_start3A_447 : memref<128x64xf32, #tpu.memory_space<hbm>>) target_semaphore(%dma_start3A_445 : memref<!tpu.dma_semaphore, #tpu.memory_space<semaphore_mem>>)
    %dma_wait3A_452 = arith.constant 199 : i32
    %dma_wait3A_453 = arith.constant 9 : i32
    %dma_wait3A_454 = arith.constant 9 : i32
    %dma_wait3A_455 = arith.constant 0 : i32
    %dma_wait3A_456 = arith.constant 0 : i32
    %dma_wait3A_457 = tpu.memref_slice %arg6[%dma_wait3A_453, %dma_wait3A_455, %dma_wait3A_456] : memref<10x128x64xf32, #tpu.memory_space<vmem>> -> memref<1x128x64xf32, #tpu.memory_space<vmem>>
    %dma_wait3A_458 = tpu.memref_squeeze %dma_wait3A_457 : memref<1x128x64xf32, #tpu.memory_space<vmem>> -> memref<128x64xf32, #tpu.memory_space<vmem>>
    %dma_wait3A_459 = arith.constant 0 : i32
    %dma_wait3A_460 = tpu.memref_slice %arg5[%dma_wait3A_452, %dma_wait3A_459] : memref<200x128xi32, #tpu.memory_space<vmem>> -> memref<1x128xi32, #tpu.memory_space<vmem>>
    %dma_wait3A_461 = tpu.memref_squeeze %dma_wait3A_460 : memref<1x128xi32, #tpu.memory_space<vmem>> -> memref<128xi32, #tpu.memory_space<vmem>>
    %dma_wait3A_462 = arith.constant 0 : i32
    %dma_wait3A_463 = arith.constant 0 : i32
    %dma_wait3A_464 = tpu.memref_slice %arg3[%dma_wait3A_462, %dma_wait3A_463] : memref<1000000x64xf32, #tpu.memory_space<hbm>> -> memref<1000000x64xf32, #tpu.memory_space<hbm>>
    %dma_wait3A_465 = tpu.memref_slice %arg7[%dma_wait3A_454] : memref<10x!tpu.dma_semaphore, #tpu.memory_space<semaphore_mem>> -> memref<1x!tpu.dma_semaphore, #tpu.memory_space<semaphore_mem>>
    %dma_wait3A_466 = tpu.memref_squeeze %dma_wait3A_465 : memref<1x!tpu.dma_semaphore, #tpu.memory_space<semaphore_mem>> -> memref<!tpu.dma_semaphore, #tpu.memory_space<semaphore_mem>>
    tpu.wait_indirect_dma semaphore(%dma_wait3A_466 : memref<!tpu.dma_semaphore, #tpu.memory_space<semaphore_mem>>) src(%dma_wait3A_464 : memref<1000000x64xf32, #tpu.memory_space<hbm>>) dst(%dma_wait3A_458 : memref<128x64xf32, #tpu.memory_space<vmem>>)
    %add3A_467 = arith.constant 25472 : i32
    %add3A_468 = arith.addi %mul3A_2, %add3A_467 : i32
    %dma_start3A_469 = arith.constant 9 : i32
    %dma_start3A_470 = arith.constant 9 : i32
    %dma_start3A_471 = arith.constant 0 : i32
    %dma_start3A_472 = arith.constant 0 : i32
    %dma_start3A_473 = tpu.memref_slice %arg6[%dma_start3A_469, %dma_start3A_471, %dma_start3A_472] : memref<10x128x64xf32, #tpu.memory_space<vmem>> -> memref<1x128x64xf32, #tpu.memory_space<vmem>>
    %dma_start3A_474 = tpu.memref_squeeze %dma_start3A_473 : memref<1x128x64xf32, #tpu.memory_space<vmem>> -> memref<128x64xf32, #tpu.memory_space<vmem>>
    %dma_start3A_475 = arith.constant 0 : i32
    %dma_start3A_476 = tpu.memref_slice %arg4[%add3A_468, %dma_start3A_475] : memref<819200x64xf32, #tpu.memory_space<hbm>> -> memref<128x64xf32, #tpu.memory_space<hbm>>
    %dma_start3A_477 = tpu.memref_slice %arg8[%dma_start3A_470] : memref<10x!tpu.dma_semaphore, #tpu.memory_space<semaphore_mem>> -> memref<1x!tpu.dma_semaphore, #tpu.memory_space<semaphore_mem>>
    %dma_start3A_478 = tpu.memref_squeeze %dma_start3A_477 : memref<1x!tpu.dma_semaphore, #tpu.memory_space<semaphore_mem>> -> memref<!tpu.dma_semaphore, #tpu.memory_space<semaphore_mem>>
    %dma_start3A_479 = arith.constant 0 : i32
    %dma_start3A_480 = tpu.memref_slice %arg4[%add3A_468, %dma_start3A_479] : memref<819200x64xf32, #tpu.memory_space<hbm>> -> memref<128x64xf32, #tpu.memory_space<hbm>>
    %dma_start3A_481 = arith.constant 0 : i32
    %dma_start3A_482 = arith.constant 0 : i32
    %dma_start3A_483 = tpu.memref_slice %arg6[%dma_start3A_469, %dma_start3A_481, %dma_start3A_482] : memref<10x128x64xf32, #tpu.memory_space<vmem>> -> memref<1x128x64xf32, #tpu.memory_space<vmem>>
    %dma_start3A_484 = tpu.memref_squeeze %dma_start3A_483 : memref<1x128x64xf32, #tpu.memory_space<vmem>> -> memref<128x64xf32, #tpu.memory_space<vmem>>
    tpu.enqueue_dma source(%dma_start3A_484 : memref<128x64xf32, #tpu.memory_space<vmem>>) target(%dma_start3A_480 : memref<128x64xf32, #tpu.memory_space<hbm>>) target_semaphore(%dma_start3A_478 : memref<!tpu.dma_semaphore, #tpu.memory_space<semaphore_mem>>)
    %add3A_485 = arith.constant 24320 : i32
    %add3A_486 = arith.addi %mul3A_2, %add3A_485 : i32
    %dma_wait3A_487 = arith.constant 0 : i32
    %dma_wait3A_488 = arith.constant 0 : i32
    %dma_wait3A_489 = arith.constant 0 : i32
    %dma_wait3A_490 = arith.constant 0 : i32
    %dma_wait3A_491 = tpu.memref_slice %arg6[%dma_wait3A_487, %dma_wait3A_489, %dma_wait3A_490] : memref<10x128x64xf32, #tpu.memory_space<vmem>> -> memref<1x128x64xf32, #tpu.memory_space<vmem>>
    %dma_wait3A_492 = tpu.memref_squeeze %dma_wait3A_491 : memref<1x128x64xf32, #tpu.memory_space<vmem>> -> memref<128x64xf32, #tpu.memory_space<vmem>>
    %dma_wait3A_493 = arith.constant 0 : i32
    %dma_wait3A_494 = tpu.memref_slice %arg4[%add3A_486, %dma_wait3A_493] : memref<819200x64xf32, #tpu.memory_space<hbm>> -> memref<128x64xf32, #tpu.memory_space<hbm>>
    %dma_wait3A_495 = tpu.memref_slice %arg8[%dma_wait3A_488] : memref<10x!tpu.dma_semaphore, #tpu.memory_space<semaphore_mem>> -> memref<1x!tpu.dma_semaphore, #tpu.memory_space<semaphore_mem>>
    %dma_wait3A_496 = tpu.memref_squeeze %dma_wait3A_495 : memref<1x!tpu.dma_semaphore, #tpu.memory_space<semaphore_mem>> -> memref<!tpu.dma_semaphore, #tpu.memory_space<semaphore_mem>>
    %dma_wait3A_497 = arith.constant 0 : i32
    %dma_wait3A_498 = tpu.memref_slice %arg4[%add3A_486, %dma_wait3A_497] : memref<819200x64xf32, #tpu.memory_space<hbm>> -> memref<128x64xf32, #tpu.memory_space<hbm>>
    %dma_wait3A_499 = arith.constant 0 : i32
    %dma_wait3A_500 = arith.constant 0 : i32
    %dma_wait3A_501 = tpu.memref_slice %arg6[%dma_wait3A_487, %dma_wait3A_499, %dma_wait3A_500] : memref<10x128x64xf32, #tpu.memory_space<vmem>> -> memref<1x128x64xf32, #tpu.memory_space<vmem>>
    %dma_wait3A_502 = tpu.memref_squeeze %dma_wait3A_501 : memref<1x128x64xf32, #tpu.memory_space<vmem>> -> memref<128x64xf32, #tpu.memory_space<vmem>>
    tpu.wait_dma2 semaphore(%dma_wait3A_496 : memref<!tpu.dma_semaphore, #tpu.memory_space<semaphore_mem>>) src(%dma_wait3A_502 : memref<128x64xf32, #tpu.memory_space<vmem>>) dst(%dma_wait3A_498 : memref<128x64xf32, #tpu.memory_space<hbm>>)
    %add3A_503 = arith.constant 24448 : i32
    %add3A_504 = arith.addi %mul3A_2, %add3A_503 : i32
    %dma_wait3A_505 = arith.constant 1 : i32
    %dma_wait3A_506 = arith.constant 1 : i32
    %dma_wait3A_507 = arith.constant 0 : i32
    %dma_wait3A_508 = arith.constant 0 : i32
    %dma_wait3A_509 = tpu.memref_slice %arg6[%dma_wait3A_505, %dma_wait3A_507, %dma_wait3A_508] : memref<10x128x64xf32, #tpu.memory_space<vmem>> -> memref<1x128x64xf32, #tpu.memory_space<vmem>>
    %dma_wait3A_510 = tpu.memref_squeeze %dma_wait3A_509 : memref<1x128x64xf32, #tpu.memory_space<vmem>> -> memref<128x64xf32, #tpu.memory_space<vmem>>
    %dma_wait3A_511 = arith.constant 0 : i32
    %dma_wait3A_512 = tpu.memref_slice %arg4[%add3A_504, %dma_wait3A_511] : memref<819200x64xf32, #tpu.memory_space<hbm>> -> memref<128x64xf32, #tpu.memory_space<hbm>>
    %dma_wait3A_513 = tpu.memref_slice %arg8[%dma_wait3A_506] : memref<10x!tpu.dma_semaphore, #tpu.memory_space<semaphore_mem>> -> memref<1x!tpu.dma_semaphore, #tpu.memory_space<semaphore_mem>>
    %dma_wait3A_514 = tpu.memref_squeeze %dma_wait3A_513 : memref<1x!tpu.dma_semaphore, #tpu.memory_space<semaphore_mem>> -> memref<!tpu.dma_semaphore, #tpu.memory_space<semaphore_mem>>
    %dma_wait3A_515 = arith.constant 0 : i32
    %dma_wait3A_516 = tpu.memref_slice %arg4[%add3A_504, %dma_wait3A_515] : memref<819200x64xf32, #tpu.memory_space<hbm>> -> memref<128x64xf32, #tpu.memory_space<hbm>>
    %dma_wait3A_517 = arith.constant 0 : i32
    %dma_wait3A_518 = arith.constant 0 : i32
    %dma_wait3A_519 = tpu.memref_slice %arg6[%dma_wait3A_505, %dma_wait3A_517, %dma_wait3A_518] : memref<10x128x64xf32, #tpu.memory_space<vmem>> -> memref<1x128x64xf32, #tpu.memory_space<vmem>>
    %dma_wait3A_520 = tpu.memref_squeeze %dma_wait3A_519 : memref<1x128x64xf32, #tpu.memory_space<vmem>> -> memref<128x64xf32, #tpu.memory_space<vmem>>
    tpu.wait_dma2 semaphore(%dma_wait3A_514 : memref<!tpu.dma_semaphore, #tpu.memory_space<semaphore_mem>>) src(%dma_wait3A_520 : memref<128x64xf32, #tpu.memory_space<vmem>>) dst(%dma_wait3A_516 : memref<128x64xf32, #tpu.memory_space<hbm>>)
    %add3A_521 = arith.constant 24576 : i32
    %add3A_522 = arith.addi %mul3A_2, %add3A_521 : i32
    %dma_wait3A_523 = arith.constant 2 : i32
    %dma_wait3A_524 = arith.constant 2 : i32
    %dma_wait3A_525 = arith.constant 0 : i32
    %dma_wait3A_526 = arith.constant 0 : i32
    %dma_wait3A_527 = tpu.memref_slice %arg6[%dma_wait3A_523, %dma_wait3A_525, %dma_wait3A_526] : memref<10x128x64xf32, #tpu.memory_space<vmem>> -> memref<1x128x64xf32, #tpu.memory_space<vmem>>
    %dma_wait3A_528 = tpu.memref_squeeze %dma_wait3A_527 : memref<1x128x64xf32, #tpu.memory_space<vmem>> -> memref<128x64xf32, #tpu.memory_space<vmem>>
    %dma_wait3A_529 = arith.constant 0 : i32
    %dma_wait3A_530 = tpu.memref_slice %arg4[%add3A_522, %dma_wait3A_529] : memref<819200x64xf32, #tpu.memory_space<hbm>> -> memref<128x64xf32, #tpu.memory_space<hbm>>
    %dma_wait3A_531 = tpu.memref_slice %arg8[%dma_wait3A_524] : memref<10x!tpu.dma_semaphore, #tpu.memory_space<semaphore_mem>> -> memref<1x!tpu.dma_semaphore, #tpu.memory_space<semaphore_mem>>
    %dma_wait3A_532 = tpu.memref_squeeze %dma_wait3A_531 : memref<1x!tpu.dma_semaphore, #tpu.memory_space<semaphore_mem>> -> memref<!tpu.dma_semaphore, #tpu.memory_space<semaphore_mem>>
    %dma_wait3A_533 = arith.constant 0 : i32
    %dma_wait3A_534 = tpu.memref_slice %arg4[%add3A_522, %dma_wait3A_533] : memref<819200x64xf32, #tpu.memory_space<hbm>> -> memref<128x64xf32, #tpu.memory_space<hbm>>
    %dma_wait3A_535 = arith.constant 0 : i32
    %dma_wait3A_536 = arith.constant 0 : i32
    %dma_wait3A_537 = tpu.memref_slice %arg6[%dma_wait3A_523, %dma_wait3A_535, %dma_wait3A_536] : memref<10x128x64xf32, #tpu.memory_space<vmem>> -> memref<1x128x64xf32, #tpu.memory_space<vmem>>
    %dma_wait3A_538 = tpu.memref_squeeze %dma_wait3A_537 : memref<1x128x64xf32, #tpu.memory_space<vmem>> -> memref<128x64xf32, #tpu.memory_space<vmem>>
    tpu.wait_dma2 semaphore(%dma_wait3A_532 : memref<!tpu.dma_semaphore, #tpu.memory_space<semaphore_mem>>) src(%dma_wait3A_538 : memref<128x64xf32, #tpu.memory_space<vmem>>) dst(%dma_wait3A_534 : memref<128x64xf32, #tpu.memory_space<hbm>>)
    %add3A_539 = arith.constant 24704 : i32
    %add3A_540 = arith.addi %mul3A_2, %add3A_539 : i32
    %dma_wait3A_541 = arith.constant 3 : i32
    %dma_wait3A_542 = arith.constant 3 : i32
    %dma_wait3A_543 = arith.constant 0 : i32
    %dma_wait3A_544 = arith.constant 0 : i32
    %dma_wait3A_545 = tpu.memref_slice %arg6[%dma_wait3A_541, %dma_wait3A_543, %dma_wait3A_544] : memref<10x128x64xf32, #tpu.memory_space<vmem>> -> memref<1x128x64xf32, #tpu.memory_space<vmem>>
    %dma_wait3A_546 = tpu.memref_squeeze %dma_wait3A_545 : memref<1x128x64xf32, #tpu.memory_space<vmem>> -> memref<128x64xf32, #tpu.memory_space<vmem>>
    %dma_wait3A_547 = arith.constant 0 : i32
    %dma_wait3A_548 = tpu.memref_slice %arg4[%add3A_540, %dma_wait3A_547] : memref<819200x64xf32, #tpu.memory_space<hbm>> -> memref<128x64xf32, #tpu.memory_space<hbm>>
    %dma_wait3A_549 = tpu.memref_slice %arg8[%dma_wait3A_542] : memref<10x!tpu.dma_semaphore, #tpu.memory_space<semaphore_mem>> -> memref<1x!tpu.dma_semaphore, #tpu.memory_space<semaphore_mem>>
    %dma_wait3A_550 = tpu.memref_squeeze %dma_wait3A_549 : memref<1x!tpu.dma_semaphore, #tpu.memory_space<semaphore_mem>> -> memref<!tpu.dma_semaphore, #tpu.memory_space<semaphore_mem>>
    %dma_wait3A_551 = arith.constant 0 : i32
    %dma_wait3A_552 = tpu.memref_slice %arg4[%add3A_540, %dma_wait3A_551] : memref<819200x64xf32, #tpu.memory_space<hbm>> -> memref<128x64xf32, #tpu.memory_space<hbm>>
    %dma_wait3A_553 = arith.constant 0 : i32
    %dma_wait3A_554 = arith.constant 0 : i32
    %dma_wait3A_555 = tpu.memref_slice %arg6[%dma_wait3A_541, %dma_wait3A_553, %dma_wait3A_554] : memref<10x128x64xf32, #tpu.memory_space<vmem>> -> memref<1x128x64xf32, #tpu.memory_space<vmem>>
    %dma_wait3A_556 = tpu.memref_squeeze %dma_wait3A_555 : memref<1x128x64xf32, #tpu.memory_space<vmem>> -> memref<128x64xf32, #tpu.memory_space<vmem>>
    tpu.wait_dma2 semaphore(%dma_wait3A_550 : memref<!tpu.dma_semaphore, #tpu.memory_space<semaphore_mem>>) src(%dma_wait3A_556 : memref<128x64xf32, #tpu.memory_space<vmem>>) dst(%dma_wait3A_552 : memref<128x64xf32, #tpu.memory_space<hbm>>)
    %add3A_557 = arith.constant 24832 : i32
    %add3A_558 = arith.addi %mul3A_2, %add3A_557 : i32
    %dma_wait3A_559 = arith.constant 4 : i32
    %dma_wait3A_560 = arith.constant 4 : i32
    %dma_wait3A_561 = arith.constant 0 : i32
    %dma_wait3A_562 = arith.constant 0 : i32
    %dma_wait3A_563 = tpu.memref_slice %arg6[%dma_wait3A_559, %dma_wait3A_561, %dma_wait3A_562] : memref<10x128x64xf32, #tpu.memory_space<vmem>> -> memref<1x128x64xf32, #tpu.memory_space<vmem>>
    %dma_wait3A_564 = tpu.memref_squeeze %dma_wait3A_563 : memref<1x128x64xf32, #tpu.memory_space<vmem>> -> memref<128x64xf32, #tpu.memory_space<vmem>>
    %dma_wait3A_565 = arith.constant 0 : i32
    %dma_wait3A_566 = tpu.memref_slice %arg4[%add3A_558, %dma_wait3A_565] : memref<819200x64xf32, #tpu.memory_space<hbm>> -> memref<128x64xf32, #tpu.memory_space<hbm>>
    %dma_wait3A_567 = tpu.memref_slice %arg8[%dma_wait3A_560] : memref<10x!tpu.dma_semaphore, #tpu.memory_space<semaphore_mem>> -> memref<1x!tpu.dma_semaphore, #tpu.memory_space<semaphore_mem>>
    %dma_wait3A_568 = tpu.memref_squeeze %dma_wait3A_567 : memref<1x!tpu.dma_semaphore, #tpu.memory_space<semaphore_mem>> -> memref<!tpu.dma_semaphore, #tpu.memory_space<semaphore_mem>>
    %dma_wait3A_569 = arith.constant 0 : i32
    %dma_wait3A_570 = tpu.memref_slice %arg4[%add3A_558, %dma_wait3A_569] : memref<819200x64xf32, #tpu.memory_space<hbm>> -> memref<128x64xf32, #tpu.memory_space<hbm>>
    %dma_wait3A_571 = arith.constant 0 : i32
    %dma_wait3A_572 = arith.constant 0 : i32
    %dma_wait3A_573 = tpu.memref_slice %arg6[%dma_wait3A_559, %dma_wait3A_571, %dma_wait3A_572] : memref<10x128x64xf32, #tpu.memory_space<vmem>> -> memref<1x128x64xf32, #tpu.memory_space<vmem>>
    %dma_wait3A_574 = tpu.memref_squeeze %dma_wait3A_573 : memref<1x128x64xf32, #tpu.memory_space<vmem>> -> memref<128x64xf32, #tpu.memory_space<vmem>>
    tpu.wait_dma2 semaphore(%dma_wait3A_568 : memref<!tpu.dma_semaphore, #tpu.memory_space<semaphore_mem>>) src(%dma_wait3A_574 : memref<128x64xf32, #tpu.memory_space<vmem>>) dst(%dma_wait3A_570 : memref<128x64xf32, #tpu.memory_space<hbm>>)
    %add3A_575 = arith.constant 24960 : i32
    %add3A_576 = arith.addi %mul3A_2, %add3A_575 : i32
    %dma_wait3A_577 = arith.constant 5 : i32
    %dma_wait3A_578 = arith.constant 5 : i32
    %dma_wait3A_579 = arith.constant 0 : i32
    %dma_wait3A_580 = arith.constant 0 : i32
    %dma_wait3A_581 = tpu.memref_slice %arg6[%dma_wait3A_577, %dma_wait3A_579, %dma_wait3A_580] : memref<10x128x64xf32, #tpu.memory_space<vmem>> -> memref<1x128x64xf32, #tpu.memory_space<vmem>>
    %dma_wait3A_582 = tpu.memref_squeeze %dma_wait3A_581 : memref<1x128x64xf32, #tpu.memory_space<vmem>> -> memref<128x64xf32, #tpu.memory_space<vmem>>
    %dma_wait3A_583 = arith.constant 0 : i32
    %dma_wait3A_584 = tpu.memref_slice %arg4[%add3A_576, %dma_wait3A_583] : memref<819200x64xf32, #tpu.memory_space<hbm>> -> memref<128x64xf32, #tpu.memory_space<hbm>>
    %dma_wait3A_585 = tpu.memref_slice %arg8[%dma_wait3A_578] : memref<10x!tpu.dma_semaphore, #tpu.memory_space<semaphore_mem>> -> memref<1x!tpu.dma_semaphore, #tpu.memory_space<semaphore_mem>>
    %dma_wait3A_586 = tpu.memref_squeeze %dma_wait3A_585 : memref<1x!tpu.dma_semaphore, #tpu.memory_space<semaphore_mem>> -> memref<!tpu.dma_semaphore, #tpu.memory_space<semaphore_mem>>
    %dma_wait3A_587 = arith.constant 0 : i32
    %dma_wait3A_588 = tpu.memref_slice %arg4[%add3A_576, %dma_wait3A_587] : memref<819200x64xf32, #tpu.memory_space<hbm>> -> memref<128x64xf32, #tpu.memory_space<hbm>>
    %dma_wait3A_589 = arith.constant 0 : i32
    %dma_wait3A_590 = arith.constant 0 : i32
    %dma_wait3A_591 = tpu.memref_slice %arg6[%dma_wait3A_577, %dma_wait3A_589, %dma_wait3A_590] : memref<10x128x64xf32, #tpu.memory_space<vmem>> -> memref<1x128x64xf32, #tpu.memory_space<vmem>>
    %dma_wait3A_592 = tpu.memref_squeeze %dma_wait3A_591 : memref<1x128x64xf32, #tpu.memory_space<vmem>> -> memref<128x64xf32, #tpu.memory_space<vmem>>
    tpu.wait_dma2 semaphore(%dma_wait3A_586 : memref<!tpu.dma_semaphore, #tpu.memory_space<semaphore_mem>>) src(%dma_wait3A_592 : memref<128x64xf32, #tpu.memory_space<vmem>>) dst(%dma_wait3A_588 : memref<128x64xf32, #tpu.memory_space<hbm>>)
    %add3A_593 = arith.constant 25088 : i32
    %add3A_594 = arith.addi %mul3A_2, %add3A_593 : i32
    %dma_wait3A_595 = arith.constant 6 : i32
    %dma_wait3A_596 = arith.constant 6 : i32
    %dma_wait3A_597 = arith.constant 0 : i32
    %dma_wait3A_598 = arith.constant 0 : i32
    %dma_wait3A_599 = tpu.memref_slice %arg6[%dma_wait3A_595, %dma_wait3A_597, %dma_wait3A_598] : memref<10x128x64xf32, #tpu.memory_space<vmem>> -> memref<1x128x64xf32, #tpu.memory_space<vmem>>
    %dma_wait3A_600 = tpu.memref_squeeze %dma_wait3A_599 : memref<1x128x64xf32, #tpu.memory_space<vmem>> -> memref<128x64xf32, #tpu.memory_space<vmem>>
    %dma_wait3A_601 = arith.constant 0 : i32
    %dma_wait3A_602 = tpu.memref_slice %arg4[%add3A_594, %dma_wait3A_601] : memref<819200x64xf32, #tpu.memory_space<hbm>> -> memref<128x64xf32, #tpu.memory_space<hbm>>
    %dma_wait3A_603 = tpu.memref_slice %arg8[%dma_wait3A_596] : memref<10x!tpu.dma_semaphore, #tpu.memory_space<semaphore_mem>> -> memref<1x!tpu.dma_semaphore, #tpu.memory_space<semaphore_mem>>
    %dma_wait3A_604 = tpu.memref_squeeze %dma_wait3A_603 : memref<1x!tpu.dma_semaphore, #tpu.memory_space<semaphore_mem>> -> memref<!tpu.dma_semaphore, #tpu.memory_space<semaphore_mem>>
    %dma_wait3A_605 = arith.constant 0 : i32
    %dma_wait3A_606 = tpu.memref_slice %arg4[%add3A_594, %dma_wait3A_605] : memref<819200x64xf32, #tpu.memory_space<hbm>> -> memref<128x64xf32, #tpu.memory_space<hbm>>
    %dma_wait3A_607 = arith.constant 0 : i32
    %dma_wait3A_608 = arith.constant 0 : i32
    %dma_wait3A_609 = tpu.memref_slice %arg6[%dma_wait3A_595, %dma_wait3A_607, %dma_wait3A_608] : memref<10x128x64xf32, #tpu.memory_space<vmem>> -> memref<1x128x64xf32, #tpu.memory_space<vmem>>
    %dma_wait3A_610 = tpu.memref_squeeze %dma_wait3A_609 : memref<1x128x64xf32, #tpu.memory_space<vmem>> -> memref<128x64xf32, #tpu.memory_space<vmem>>
    tpu.wait_dma2 semaphore(%dma_wait3A_604 : memref<!tpu.dma_semaphore, #tpu.memory_space<semaphore_mem>>) src(%dma_wait3A_610 : memref<128x64xf32, #tpu.memory_space<vmem>>) dst(%dma_wait3A_606 : memref<128x64xf32, #tpu.memory_space<hbm>>)
    %add3A_611 = arith.constant 25216 : i32
    %add3A_612 = arith.addi %mul3A_2, %add3A_611 : i32
    %dma_wait3A_613 = arith.constant 7 : i32
    %dma_wait3A_614 = arith.constant 7 : i32
    %dma_wait3A_615 = arith.constant 0 : i32
    %dma_wait3A_616 = arith.constant 0 : i32
    %dma_wait3A_617 = tpu.memref_slice %arg6[%dma_wait3A_613, %dma_wait3A_615, %dma_wait3A_616] : memref<10x128x64xf32, #tpu.memory_space<vmem>> -> memref<1x128x64xf32, #tpu.memory_space<vmem>>
    %dma_wait3A_618 = tpu.memref_squeeze %dma_wait3A_617 : memref<1x128x64xf32, #tpu.memory_space<vmem>> -> memref<128x64xf32, #tpu.memory_space<vmem>>
    %dma_wait3A_619 = arith.constant 0 : i32
    %dma_wait3A_620 = tpu.memref_slice %arg4[%add3A_612, %dma_wait3A_619] : memref<819200x64xf32, #tpu.memory_space<hbm>> -> memref<128x64xf32, #tpu.memory_space<hbm>>
    %dma_wait3A_621 = tpu.memref_slice %arg8[%dma_wait3A_614] : memref<10x!tpu.dma_semaphore, #tpu.memory_space<semaphore_mem>> -> memref<1x!tpu.dma_semaphore, #tpu.memory_space<semaphore_mem>>
    %dma_wait3A_622 = tpu.memref_squeeze %dma_wait3A_621 : memref<1x!tpu.dma_semaphore, #tpu.memory_space<semaphore_mem>> -> memref<!tpu.dma_semaphore, #tpu.memory_space<semaphore_mem>>
    %dma_wait3A_623 = arith.constant 0 : i32
    %dma_wait3A_624 = tpu.memref_slice %arg4[%add3A_612, %dma_wait3A_623] : memref<819200x64xf32, #tpu.memory_space<hbm>> -> memref<128x64xf32, #tpu.memory_space<hbm>>
    %dma_wait3A_625 = arith.constant 0 : i32
    %dma_wait3A_626 = arith.constant 0 : i32
    %dma_wait3A_627 = tpu.memref_slice %arg6[%dma_wait3A_613, %dma_wait3A_625, %dma_wait3A_626] : memref<10x128x64xf32, #tpu.memory_space<vmem>> -> memref<1x128x64xf32, #tpu.memory_space<vmem>>
    %dma_wait3A_628 = tpu.memref_squeeze %dma_wait3A_627 : memref<1x128x64xf32, #tpu.memory_space<vmem>> -> memref<128x64xf32, #tpu.memory_space<vmem>>
    tpu.wait_dma2 semaphore(%dma_wait3A_622 : memref<!tpu.dma_semaphore, #tpu.memory_space<semaphore_mem>>) src(%dma_wait3A_628 : memref<128x64xf32, #tpu.memory_space<vmem>>) dst(%dma_wait3A_624 : memref<128x64xf32, #tpu.memory_space<hbm>>)
    %add3A_629 = arith.constant 25344 : i32
    %add3A_630 = arith.addi %mul3A_2, %add3A_629 : i32
    %dma_wait3A_631 = arith.constant 8 : i32
    %dma_wait3A_632 = arith.constant 8 : i32
    %dma_wait3A_633 = arith.constant 0 : i32
    %dma_wait3A_634 = arith.constant 0 : i32
    %dma_wait3A_635 = tpu.memref_slice %arg6[%dma_wait3A_631, %dma_wait3A_633, %dma_wait3A_634] : memref<10x128x64xf32, #tpu.memory_space<vmem>> -> memref<1x128x64xf32, #tpu.memory_space<vmem>>
    %dma_wait3A_636 = tpu.memref_squeeze %dma_wait3A_635 : memref<1x128x64xf32, #tpu.memory_space<vmem>> -> memref<128x64xf32, #tpu.memory_space<vmem>>
    %dma_wait3A_637 = arith.constant 0 : i32
    %dma_wait3A_638 = tpu.memref_slice %arg4[%add3A_630, %dma_wait3A_637] : memref<819200x64xf32, #tpu.memory_space<hbm>> -> memref<128x64xf32, #tpu.memory_space<hbm>>
    %dma_wait3A_639 = tpu.memref_slice %arg8[%dma_wait3A_632] : memref<10x!tpu.dma_semaphore, #tpu.memory_space<semaphore_mem>> -> memref<1x!tpu.dma_semaphore, #tpu.memory_space<semaphore_mem>>
    %dma_wait3A_640 = tpu.memref_squeeze %dma_wait3A_639 : memref<1x!tpu.dma_semaphore, #tpu.memory_space<semaphore_mem>> -> memref<!tpu.dma_semaphore, #tpu.memory_space<semaphore_mem>>
    %dma_wait3A_641 = arith.constant 0 : i32
    %dma_wait3A_642 = tpu.memref_slice %arg4[%add3A_630, %dma_wait3A_641] : memref<819200x64xf32, #tpu.memory_space<hbm>> -> memref<128x64xf32, #tpu.memory_space<hbm>>
    %dma_wait3A_643 = arith.constant 0 : i32
    %dma_wait3A_644 = arith.constant 0 : i32
    %dma_wait3A_645 = tpu.memref_slice %arg6[%dma_wait3A_631, %dma_wait3A_643, %dma_wait3A_644] : memref<10x128x64xf32, #tpu.memory_space<vmem>> -> memref<1x128x64xf32, #tpu.memory_space<vmem>>
    %dma_wait3A_646 = tpu.memref_squeeze %dma_wait3A_645 : memref<1x128x64xf32, #tpu.memory_space<vmem>> -> memref<128x64xf32, #tpu.memory_space<vmem>>
    tpu.wait_dma2 semaphore(%dma_wait3A_640 : memref<!tpu.dma_semaphore, #tpu.memory_space<semaphore_mem>>) src(%dma_wait3A_646 : memref<128x64xf32, #tpu.memory_space<vmem>>) dst(%dma_wait3A_642 : memref<128x64xf32, #tpu.memory_space<hbm>>)
    %add3A_647 = arith.constant 25472 : i32
    %add3A_648 = arith.addi %mul3A_2, %add3A_647 : i32
    %dma_wait3A_649 = arith.constant 9 : i32
    %dma_wait3A_650 = arith.constant 9 : i32
    %dma_wait3A_651 = arith.constant 0 : i32
    %dma_wait3A_652 = arith.constant 0 : i32
    %dma_wait3A_653 = tpu.memref_slice %arg6[%dma_wait3A_649, %dma_wait3A_651, %dma_wait3A_652] : memref<10x128x64xf32, #tpu.memory_space<vmem>> -> memref<1x128x64xf32, #tpu.memory_space<vmem>>
    %dma_wait3A_654 = tpu.memref_squeeze %dma_wait3A_653 : memref<1x128x64xf32, #tpu.memory_space<vmem>> -> memref<128x64xf32, #tpu.memory_space<vmem>>
    %dma_wait3A_655 = arith.constant 0 : i32
    %dma_wait3A_656 = tpu.memref_slice %arg4[%add3A_648, %dma_wait3A_655] : memref<819200x64xf32, #tpu.memory_space<hbm>> -> memref<128x64xf32, #tpu.memory_space<hbm>>
    %dma_wait3A_657 = tpu.memref_slice %arg8[%dma_wait3A_650] : memref<10x!tpu.dma_semaphore, #tpu.memory_space<semaphore_mem>> -> memref<1x!tpu.dma_semaphore, #tpu.memory_space<semaphore_mem>>
    %dma_wait3A_658 = tpu.memref_squeeze %dma_wait3A_657 : memref<1x!tpu.dma_semaphore, #tpu.memory_space<semaphore_mem>> -> memref<!tpu.dma_semaphore, #tpu.memory_space<semaphore_mem>>
    %dma_wait3A_659 = arith.constant 0 : i32
    %dma_wait3A_660 = tpu.memref_slice %arg4[%add3A_648, %dma_wait3A_659] : memref<819200x64xf32, #tpu.memory_space<hbm>> -> memref<128x64xf32, #tpu.memory_space<hbm>>
    %dma_wait3A_661 = arith.constant 0 : i32
    %dma_wait3A_662 = arith.constant 0 : i32
    %dma_wait3A_663 = tpu.memref_slice %arg6[%dma_wait3A_649, %dma_wait3A_661, %dma_wait3A_662] : memref<10x128x64xf32, #tpu.memory_space<vmem>> -> memref<1x128x64xf32, #tpu.memory_space<vmem>>
    %dma_wait3A_664 = tpu.memref_squeeze %dma_wait3A_663 : memref<1x128x64xf32, #tpu.memory_space<vmem>> -> memref<128x64xf32, #tpu.memory_space<vmem>>
    tpu.wait_dma2 semaphore(%dma_wait3A_658 : memref<!tpu.dma_semaphore, #tpu.memory_space<semaphore_mem>>) src(%dma_wait3A_664 : memref<128x64xf32, #tpu.memory_space<vmem>>) dst(%dma_wait3A_660 : memref<128x64xf32, #tpu.memory_space<hbm>>)
    return
  }
}

</mosaic_0001>

<sc_bundles>
// kernel: kernel.3.cloned.1.call-start
scs
__scs_entry_jumppad:
0x0: {  	(pc) =	sbr.rel $0x88, $3  }
0x1: {  	(tag) =	ssettag $0x0;
	lr =	simm.s32 $0x1  }
0x2: {  	[smem:$0x3F9F] =	sst lr;
	_ =	strace $0xD0000000  }
0x3: {  	_ = 	snop  }
0x4: {  	_ = 	snop  }
0x5: {  	_ = 	snop  }
0x6: {  	_ = 	snop  }
0x7: {  	_ = 	snop  }
__scs_overlays_trampoline_lowered:
0x8: {  	[smem:$0x3FAE] =	sst s0  }
0x9: {  	[smem:$0x3FAF] =	sst s1  }
0xa: {  	[smem:$0x3FB0] =	sst s2  }
0xb: {  	[smem:$0x3FB1] =	sst s3  }
0xc: {  	[smem:$0x3FB2] =	sst s4  }
0xd: {  	[smem:$0x3FB3] =	sst s5  }
0xe: {  	[smem:$0x3FB4] =	sst s6  }
0xf: {  	[smem:$0x3FB5] =	sst s7  }
0x10: {  	[smem:$0x3FB6] =	sst s8  }
0x11: {  	[smem:$0x3FB7] =	sst s9;
	s0 =	simm.s32 @!p0 $0x0  }
0x12: {  	s1 =	sld [smem:$0x3F9D];
	s0 =	simm.s32 @p0 $0x1  }
0x13: {  	[smem:$0x3FB8] =	sst s0;
	s0 =	simm.s32 @!p1 $0x0  }
0x14: {  	s2 =	sld [smem:$0x3F9C];
	s0 =	simm.s32 @p1 $0x1  }
0x15: {  	[smem:$0x3FB9] =	sst s0;
	s0 =	simm.s32 @!p2 $0x0  }
0x16: {  	s3 =	sld [smem:$0x3FDB];
	s0 =	simm.s32 @p2 $0x1  }
0x17: {  	s4 =	simm.s32 $0x1BF5;
	[smem:$0x3FBB] =	sst s0  }
0x18: {  	s0 =	sld [smem:$0x3F9E];
	_ =	swait.ge [sflag:s4], $0x0  }
0x19: {  	s7 =	sld [smem:$0x3F9F]  }
0x1a: {  	s8 =	sadd.s32 $0xFFFFE003, lr  }
0x1b: {  	s9 =	sadd.s32 $0xFFFFFEF7, lr;
	s5 =	simm.s32 $0xFFFFFFFF;
	p2 =	slt.u32 s8, $0xFFFFF086  }
0x1c: {  	p1 =	slt.u32 s9, $0xF7A;
	s5 =	simm.s32 @!p2 $0x0  }
0x1d: {  	s5 =	simm.s32 @p1 $0x1;
	p0 =	seq.s32 s7, s2  }
0x1e: {  	s7 =	smul.u32 @!p0 $0xF7A, s2;
	p2 =	seq.s32 @!p0 s5, $0x0  }
0x1f: {  	s9 =	smul.u32 $0xF7A, s1;
	s8 =	simm.s32 @!p0 $0x1BF5;
	p2 =	por !p2, p0  }
0x20: {  	[sflag:s8] =	ssyncset.s32 @!p0 $0xFFFFF086;
	s6 =	sadd.s32 @!p0 s3, s7;
	s7 =	simm.s32 @!p0 $0x108  }
0x21: {  	s3 =	sadd.s32 s3, s9;
	s6 =	sadd.s32 @!p0 $0x88, s6;
	s7 =	simm.s32 @p2 $0x1082  }
0x22: {  	[simem:s7], [sflag:s8] =	dma.local @!p0 [hbm:s6], $0xF7A  }
0x23: {  	s9 =	sor.u32 $0xD0000000, s2;
	s6 =	simm.s32 $0x108;
	_ =	swait.ge @!p0 [sflag:s8], $0x0  }
0x24: {  	s3 =	sadd.s32 $0x88, s3;
	s6 =	simm.s32 @!p1 $0x1082;
	[sflag:s4] =	ssyncset.s32 $0xFFFFF086  }
0x25: {  	[simem:s6], [sflag:s4] =	dma.local [hbm:s3], $0xF7A  }
0x26: {  	[smem:$0x3F9F] =	sst s1;
	(tag) =	ssettag s2;
	_ =	strace s9  }
0x27: {  	s1 =	sld [smem:$0x3FAF]  }
0x28: {  	s2 =	sld [smem:$0x3FB0]  }
0x29: {  	s4 =	sld [smem:$0x3FB2]  }
0x2a: {  	p0 =	seq.s32 s5, $0x0;
	s5 =	sld [smem:$0x3FB3]  }
0x2b: {  	s6 =	sld [smem:$0x3FB4]  }
0x2c: {  	s7 =	sld [smem:$0x3FB5]  }
0x2d: {  	s3 =	simm.s32 $0x108;
	s8 =	sld [smem:$0x3FB6]  }
0x2e: {  	s3 =	simm.s32 @!p0 $0x1082;
	s9 =	sld [smem:$0x3FB7]  }
0x2f: {  	lr =	sadd.s32 s0, s3;
	s0 =	sld [smem:$0x3FAE]  }
0x30: {  	s3 =	sld [smem:$0x3FB1]  }
0x31: {  	[smem:$0x3FBA] =	sst s10  }
0x32: {  	s10 =	sld [smem:$0x3FB8];
	_ =	sdelay $0x3  }
0x33: {  	p0 =	seq.s32 s10, $0x1;
	s10 =	sld [smem:$0x3FBA];
	_ =	sdelay $0x3  }
0x34: {  	[smem:$0x3FBA] =	sst s10  }
0x35: {  	s10 =	sld [smem:$0x3FB9];
	_ =	sdelay $0x3  }
0x36: {  	p1 =	seq.s32 s10, $0x1;
	s10 =	sld [smem:$0x3FBA];
	_ =	sdelay $0x3  }
0x37: {  	[smem:$0x3FBA] =	sst s10  }
0x38: {  	s10 =	sld [smem:$0x3FBB]  }
0x39: {  	_ = 	snop;
	(pc) =	sbr.ind lr, $3  }
0x3a: {  	_ = 	snop  }
0x3b: {  	_ = 	snop  }
0x3c: {  	p2 =	seq.s32 s10, $0x1;
	s10 =	sld [smem:$0x3FBA]  }
0x3d: {  	_ =	shalt  }
0x3e: {  	_ =	shalt  }
0x3f: {  	_ =	shalt  }
0x40: {  	_ =	shalt  }
0x41: {  	_ =	shalt  }
0x42: {  	_ =	shalt  }
0x43: {  	_ =	shalt  }
0x44: {  	_ =	shalt  }
0x45: {  	_ =	shalt  }
0x46: {  	_ =	shalt  }
0x47: {  	_ =	shalt  }
0x48: {  	_ =	shalt  }
0x49: {  	_ =	shalt  }
0x4a: {  	_ =	shalt  }
0x4b: {  	_ =	shalt  }
0x4c: {  	_ =	shalt  }
0x4d: {  	_ =	shalt  }
0x4e: {  	_ =	shalt  }
0x4f: {  	_ =	shalt  }
0x50: {  	_ =	shalt  }
0x51: {  	_ =	shalt  }
0x52: {  	_ =	shalt  }
0x53: {  	_ =	shalt  }
0x54: {  	_ =	shalt  }
0x55: {  	_ =	shalt  }
0x56: {  	_ =	shalt  }
0x57: {  	_ =	shalt  }
0x58: {  	_ =	shalt  }
0x59: {  	_ =	shalt  }
0x5a: {  	_ =	shalt  }
0x5b: {  	_ =	shalt  }
0x5c: {  	_ =	shalt  }
0x5d: {  	_ =	shalt  }
0x5e: {  	_ =	shalt  }
0x5f: {  	_ =	shalt  }
0x60: {  	_ =	shalt  }
0x61: {  	_ =	shalt  }
0x62: {  	_ =	shalt  }
0x63: {  	_ =	shalt  }
0x64: {  	_ =	shalt  }
0x65: {  	_ =	shalt  }
0x66: {  	_ =	shalt  }
0x67: {  	_ =	shalt  }
0x68: {  	_ =	shalt  }
0x69: {  	_ =	shalt  }
0x6a: {  	_ =	shalt  }
0x6b: {  	_ =	shalt  }
0x6c: {  	_ =	shalt  }
0x6d: {  	_ =	shalt  }
0x6e: {  	_ =	shalt  }
0x6f: {  	_ =	shalt  }
0x70: {  	_ =	shalt  }
0x71: {  	_ =	shalt  }
0x72: {  	_ =	shalt  }
0x73: {  	_ =	shalt  }
0x74: {  	_ =	shalt  }
0x75: {  	_ =	shalt  }
0x76: {  	_ =	shalt  }
0x77: {  	_ =	shalt  }
0x78: {  	_ =	shalt  }
0x79: {  	_ =	shalt  }
0x7a: {  	_ =	shalt  }
0x7b: {  	_ =	shalt  }
0x7c: {  	_ =	shalt  }
0x7d: {  	_ =	shalt  }
0x7e: {  	_ =	shalt  }
0x7f: {  	_ =	shalt  }
0x80: {  	_ =	shalt  }
0x81: {  	_ =	shalt  }
0x82: {  	_ =	shalt  }
0x83: {  	_ =	shalt  }
0x84: {  	_ =	shalt  }
0x85: {  	_ =	shalt  }
0x86: {  	_ =	shalt  }
0x87: {  	_ =	shalt  }
.Lfunc_end0:
.L_simem_size_0:
called_computation.1_lowered:
.L_overlay_start_0:
0x88: {  	s2 =	sld [smem:$0x3FD9]  }
0x89: {  	s3 =	sld [smem:$0x3FFE];
	_ =	sdelay $0x1  }
0x8a: {  	s1 =	srdreg.scid  }
0x8b: {  	s0 =	sand.u32 $0x1, s1  }
0x8c: {  	s17 =	sshll.u32 s0, $0xA;
	s2 =	sadd.s32 s3, s2  }
0x8d: {  	s2 =	sadd.s32 s2, s17  }
0x8e: {  	[smem:$0x3FC6] =	sst s2  }
0x8f: {  	_ = 	snop  }
0x90: {  	s2 =	sld [smem:$0x3FD0];
	(tm) =	ssettm $0x1  }
0x91: {  	s18 =	sld [smem:$0x3FFB];
	_ =	sdelay $0x3  }
0x92: {  	_ =	strace s18  }
0x93: {  	s3 =	sld [smem:$0x3FFC];
	_ =	sdelay $0x3  }
0x94: {  	_ =	strace s3  }
0x95: {  	s3 =	sld [smem:$0x3FFD];
	_ =	sdelay $0x3  }
0x96: {  	_ =	strace s3  }
0x97: {  	_ =	strace $0x8FFFFFFF  }
0x98: {  	s19 =	sld [smem:$0x3FDB];
	_ =	sdelay $0x1  }
0x99: {  	s4 =	simm.s32 $_scs_section_size  }
0x9a: {  	s5 =	simm.s32 $_size__tile_overlayer_lowered;
	s6 =	simm.s32 $_tile_overlayer_lowered  }
0x9b: {  	s22 =	simm.s32 $0x1BFF;
	s21 =	sshll.u32 s6, $0x1;
	s3 =	sadd.s32 s4, s19  }
0x9c: {  	s7 =	simm.s32 $0x0;
	s20 =	sshll.u32 s5, $0x1;
	s5 =	sadd.s32 s21, s3  }
0x9d: {  	[timem:s7], [sflag:s22] =	dma.local [hbm:s5], s20  }
0x9e: {  	_ =	swait.ge [sflag:s22], s20  }
0x9f: {  	s4 =	ssub.s32 $0x0, s20;
	[sflag:s22] =	ssyncset.done $0x0  }
0xa0: {  	[sflag:s22] =	ssyncadd.s32 s4;
	_ =	sdelay $0x1  }
0xa1: {  	s23 =	simm.s32 $0x1B8B  }
0xa2: {  	_ =	swait.ge [sflag:s23], $0x1  }
0xa3: {  	[sflag:s23] =	ssyncset.done $0x0  }
0xa4: {  	s25 =	simm.s32 $0x1B8E;
	s24 =	sld [smem:$0x3FFE];
	[sflag:s23] =	ssyncadd.s32 $0xFFFFFFFF  }
0xa5: {  	s26 =	simm.s32 $execute0_lowered;
	[smem:$0x3FD2] =	sst s25  }
0xa6: {  	s5 =	sshll.u32 s26, $0x1;
	_ =	strace $0x80000046;
	[dreg:$0x1] =	wrdreg $0xFFFFFFFF  }
0xa7: {  	s28 =	simm.s32 $_size_execute0_lowered;
	s3 =	sadd.s32 s3, s5;
	[dreg:$0x0] =	wrdreg $0x0  }
0xa8: {  	s5 =	sshll.u32 s28, $0x1;
	[dreg:$0x2] =	wrdreg s3  }
0xa9: {  	[dreg:$0x3] =	wrdreg s5  }
0xaa: {  	[dreg:$0x4] =	wrdreg $0xC0  }
0xab: {  	_ =	task [dreg:s7], $0x5FFFF  }
0xac: {  	[dreg:$0x1] =	wrdreg $0xFFFFFFFF  }
0xad: {  	[dreg:$0x0] =	wrdreg $0x60  }
0xae: {  	[dreg:$0x2] =	wrdreg s24  }
0xaf: {  	[dreg:$0x3] =	wrdreg s2  }
0xb0: {  	[dreg:$0x4] =	wrdreg $0x9  }
0xb1: {  	_ =	task.clear_ibuf [dreg:s7], $0x5FFFF;
	_ =	strace $0x90000046  }
0xb2: {  	s29 =	simm.s32 $0x9;
	_ =	strace $0x80000048  }
0xb3: {  	_ =	swait.ge [sflag:s29], $0x1  }
0xb4: {  	[sflag:s29] =	ssyncadd.s32 $0xFFFFFFFF  }
0xb5: {  	_ =	strace $0x90000048  }
0xb6: {  	_ =	sfence  }
0xb7: {  	s30 =	sld [smem:$0x0];
	_ =	sdelay $0x2  }
0xb8: {  	s31 =	sshll.u32 s1, $0xD;
	s1 =	sshrl.u32 s1, $0x2  }
0xb9: {  	s3 =	sand.u32 $0x4000, s31;
	s1 =	sadd.s32 s1, s30  }
0xba: {  	s0 =	sor.u32 s3, s0;
	s1 =	sshll.u32 s1, $0x11  }
0xbb: {  	s0 =	sor.u32 s1, s0  }
0xbc: {  	s0 =	sadd.s32 $0x8F2B, s0  }
0xbd: {  	[sflag:s0] =	ssyncadd.remote.s32 $0x1  }
0xbe: {  	_ =	sfence.sel $0xFFFF  }
0xbf: {  	[dreg:$0x0] =	wrdreg $0xFFFFFFFF;
	(pc) =	sbr.abs _section_cstart, $3  }
0xc0: {  	[dreg:$0x1] =	wrdreg $0xFFFFFFFF  }
0xc1: {  	_ =	task.clear_ibuf [dreg:s7], $0x2FFFF;
	_ =	strace $0x9FFFFFFF  }
0xc2: {  	(tm) =	ssettm $0x7FFFFFFF  }
0xc3: {  	_ =	shalt  }
tec
execute0_lowered:
.L_overlay_start_1:
0x0: {  	(tag) =	ssettag $0x1  }
0x1: {  	s0 =	srdreg.scid;
	s1 =	rddreg [dreg:$0x0]  }
0x2: {  	s7 =	stileid.u32;
	s10 =	rddreg [dreg:$0x1]  }
0x3: {  	s0 =	sand.u32 $0x1, s0;
	s2 =	sshll.u32 s7, $0x1;
	s7 =	smul.u32 $0xC800, s7  }
0x4: {  	s2 =	sor.u32 s0, s2;
	s6 =	ssub.s32 $0x2, s0;
	s0 =	smul.u32 $0x6400, s0  }
0x5: {  	s3 =	simm.s32 $0x0;
	s28 =	simm.s32 $0x1;
	s4 =	smul.u32 $0x6400, s2  }
0x6: {  	s31 =	simm.s32 $0x1;
	[smem:$0x7FF] =	sst s3;
	s5 =	smul.u32 $0x32000, s2  }
0x7: {  	_ =	strace $0x80000047;
	s8 =	sshrl.u32 s6, $0x1;
	s2 =	smul.u32 $0x190000, s2  }
0x8: {  	s11 =	ssub.s32 s6, s8;
	s0 =	sadd.s32 s0, s7;
	s13 =	sadd.s32 s10, s5  }
0x9: {  	s8 =	simm.s32 $0x3;
	s5 =	sadd.s32 $0x400, s13;
	[dreg:$0xe] =	wrdreg s13  }
0xa: {  	s7 =	simm.s32 $0x0;
	s14 =	sadd.s32 $0x800, s13;
	[dreg:$0xf] =	wrdreg s5  }
0xb: {  	s4 =	sshrl.u32 s4, $0x3;
	s15 =	sadd.s32 $0xC00, s13;
	[dreg:$0x10] =	wrdreg s14  }
0xc: {  	s0 =	sshll.u32 s0, $0x3;
	s6 =	sadd.s32 $0x1000, s13;
	[dreg:$0x11] =	wrdreg s15  }
0xd: {  	s2 =	sshrl.u32 s2, $0x3;
	s16 =	sadd.s32 $0x2400, s0;
	[dreg:$0x12] =	wrdreg s6  }
0xe: {  	s9 =	sadd.s32 s4, s1;
	s17 =	sadd.s32 $0x2000, s0;
	[dreg:$0x3] =	wrdreg s16  }
0xf: {  	s4 =	sadd.s32 $0xF42E00, s1;
	s18 =	sor.u32 $0x1C00, s0;
	[dreg:$0x4] =	wrdreg s17  }
0x10: {  	s2 =	sadd.s32 s10, s2;
	s19 =	sor.u32 $0x1800, s0;
	[dreg:$0x5] =	wrdreg s18  }
0x11: {  	s21 =	sor.u32 $0x1400, s0;
	s23 =	sadd.s32 $0x3800, s0;
	[dreg:$0x6] =	wrdreg s19  }
0x12: {  	s25 =	sadd.s32 $0x3400, s0;
	s29 =	sadd.s32 $0x3000, s0;
	[dreg:$0x7] =	wrdreg s21  }
0x13: {  	s30 =	sadd.s32 $0x2C00, s0;
	s1 =	smax.u32 s11, $0x1;
	[dreg:$0x8] =	wrdreg s23  }
0x14: {  	s0 =	sadd.s32 $0x2800, s0;
	s10 =	simm.s32 $0x4;
	[dreg:$0x9] =	wrdreg s25  }
0x15: {  	s11 =	simm.s32 $0x5;
	s13 =	simm.s32 $0x9;
	[dreg:$0xa] =	wrdreg s29  }
0x16: {  	s12 =	sadd.s32 $0xA00, s9;
	s20 =	sadd.s32 $0x30C00, s2;
	[dreg:$0x18] =	wrdreg s1  }
0x17: {  	s22 =	sadd.s32 $0x31000, s2;
	s24 =	sadd.s32 $0x31400, s2;
	[dreg:$0xb] =	wrdreg s30  }
0x18: {  	s26 =	sadd.s32 $0x31800, s2;
	s2 =	sadd.s32 $0x31C00, s2;
	[dreg:$0xc] =	wrdreg s0  }
0x19: {  	s18 =	simm.s32 $0x80;
	s0 =	simm.s32 $0x6400;
	[dreg:$0xd] =	wrdreg s12  }
0x1a: {  	s25 =	simm.s32 $0x8400;
	s23 =	simm.s32 $0xA400;
	[dreg:$0x13] =	wrdreg s20  }
0x1b: {  	s5 =	simm.s32 $0xC400;
	s1 =	simm.s32 $0x2;
	[dreg:$0x14] =	wrdreg s22  }
0x1c: {  	s14 =	simm.s32 $0xE;
	s15 =	simm.s32 $0xA;
	[dreg:$0x15] =	wrdreg s24  }
0x1d: {  	s16 =	simm.s32 $0xF;
	s6 =	simm.s32 $0x10;
	[dreg:$0x16] =	wrdreg s26  }
0x1e: {  	s17 =	simm.s32 $0x11;
	s19 =	simm.s32 $0x13;
	[dreg:$0x17] =	wrdreg s2  }
0x1f: {  	s26 =	simm.s32 $0xE400;
	s2 =	simm.s32 $0x12;
	s20 =	simm.s32 $0x14  }
.LBB2_1:
0x20: {  	[dreg:$0x19] =	wrdreg s7  }
0x21: {  	s22 =	rddreg [dreg:$0xd];
	s30 =	simm.s32 $0x15  }
0x22: {  	[tilespmem:s3], [sflag:$0x15] =	stream.linear.gather [hbm4b:s22+s3], $0x6400, $0x38;
	[tilespmem:$0x1A400] =	vst v63  }
0x23: {  	_ =	swait.ge [sflag:s30], $0x6400  }
0x24: {  	[sflag:s30] =	ssyncset.done $0x0  }
0x25: {  	[sflag:s30] =	ssyncadd.s32 $0xFFFF9C00  }
0x26: {  	[tilespmem:s0], [sflag:$0x1] =	stream.indirect.gather [hbm4b:s4+s18], $0x40, s3, s18, $0xb8;
	[tilespmem:$0x1A400] =	vst v63  }
0x27: {  	_ = 	snop  }
0x28: {  	[tilespmem:s25], [sflag:$0x2] =	stream.indirect.gather [hbm4b:s4+s18], $0x40, s18, s18, $0xb8;
	[tilespmem:$0x1A400] =	vst v63  }
0x29: {  	s7 =	simm.s32 $0x100  }
0x2a: {  	[tilespmem:s23], [sflag:$0x3] =	stream.indirect.gather [hbm4b:s4+s18], $0x40, s7, s18, $0xb8;
	[tilespmem:$0x1A400] =	vst v63  }
0x2b: {  	s9 =	simm.s32 $0x180  }
0x2c: {  	[tilespmem:s5], [sflag:$0x4] =	stream.indirect.gather [hbm4b:s4+s18], $0x40, s9, s18, $0xb8;
	[tilespmem:$0x1A400] =	vst v63  }
0x2d: {  	s12 =	simm.s32 $0x200  }
0x2e: {  	[tilespmem:s26], [sflag:$0x5] =	stream.indirect.gather [hbm4b:s4+s18], $0x40, s12, s18, $0xb8;
	[tilespmem:$0x1A400] =	vst v63  }
0x2f: {  	_ =	swait.ge [sflag:s28], $0x2000  }
0x30: {  	[sflag:s28] =	ssyncset.done $0x0  }
0x31: {  	s21 =	rddreg [dreg:$0xe];
	[sflag:s28] =	ssyncadd.s32 $0xFFFFE000  }
0x32: {  	[hbm4b:s21+s3] =	stream.linear.scatter [tilespmem:s0], [sflag:$0xB], $0x2000, $0x38;
	[tilespmem:$0x1A400] =	vst v63  }
0x33: {  	s24 =	simm.s32 $0x280;
	s21 =	simm.s32 $0x10400  }
0x34: {  	[tilespmem:s21], [sflag:$0x6] =	stream.indirect.gather [hbm4b:s4+s18], $0x40, s24, s18, $0xb8;
	[tilespmem:$0x1A400] =	vst v63  }
0x35: {  	_ =	swait.ge [sflag:s1], $0x2000  }
0x36: {  	[sflag:s1] =	ssyncset.done $0x0  }
0x37: {  	s29 =	rddreg [dreg:$0xf];
	[sflag:s1] =	ssyncadd.s32 $0xFFFFE000  }
0x38: {  	[hbm4b:s29+s3] =	stream.linear.scatter [tilespmem:s25], [sflag:$0xC], $0x2000, $0x38;
	[tilespmem:$0x1A400] =	vst v63  }
0x39: {  	s30 =	simm.s32 $0x300;
	s7 =	simm.s32 $0x12400  }
0x3a: {  	[tilespmem:s7], [sflag:$0x7] =	stream.indirect.gather [hbm4b:s4+s18], $0x40, s30, s18, $0xb8;
	[tilespmem:$0x1A400] =	vst v63  }
0x3b: {  	_ =	swait.ge [sflag:s8], $0x2000  }
0x3c: {  	[sflag:s8] =	ssyncset.done $0x0  }
0x3d: {  	s9 =	rddreg [dreg:$0x10];
	[sflag:s8] =	ssyncadd.s32 $0xFFFFE000  }
0x3e: {  	[hbm4b:s9+s3] =	stream.linear.scatter [tilespmem:s23], [sflag:$0xD], $0x2000, $0x38;
	[tilespmem:$0x1A400] =	vst v63  }
0x3f: {  	s12 =	simm.s32 $0x380;
	s9 =	simm.s32 $0x14400  }
0x40: {  	[tilespmem:s9], [sflag:$0x8] =	stream.indirect.gather [hbm4b:s4+s18], $0x40, s12, s18, $0xb8;
	[tilespmem:$0x1A400] =	vst v63  }
0x41: {  	_ =	swait.ge [sflag:s10], $0x2000  }
0x42: {  	[sflag:s10] =	ssyncset.done $0x0  }
0x43: {  	s24 =	rddreg [dreg:$0x11];
	[sflag:s10] =	ssyncadd.s32 $0xFFFFE000  }
0x44: {  	[hbm4b:s24+s3] =	stream.linear.scatter [tilespmem:s5], [sflag:$0xE], $0x2000, $0x38;
	[tilespmem:$0x1A400] =	vst v63  }
0x45: {  	s29 =	simm.s32 $0x400;
	s12 =	simm.s32 $0x16400  }
0x46: {  	[tilespmem:s12], [sflag:$0x9] =	stream.indirect.gather [hbm4b:s4+s18], $0x40, s29, s18, $0xb8;
	[tilespmem:$0x1A400] =	vst v63  }
0x47: {  	_ =	swait.ge [sflag:s11], $0x2000  }
0x48: {  	[sflag:s11] =	ssyncset.done $0x0  }
0x49: {  	s30 =	rddreg [dreg:$0x12];
	[sflag:s11] =	ssyncadd.s32 $0xFFFFE000  }
0x4a: {  	[hbm4b:s30+s3] =	stream.linear.scatter [tilespmem:s26], [sflag:$0xF], $0x2000, $0x38;
	[tilespmem:$0x1A400] =	vst v63  }
0x4b: {  	s24 =	simm.s32 $0x480;
	s29 =	simm.s32 $0x18400  }
0x4c: {  	[tilespmem:s29], [sflag:$0xA] =	stream.indirect.gather [hbm4b:s4+s18], $0x40, s24, s18, $0xb8;
	[tilespmem:$0x1A400] =	vst v63  }
0x4d: {  	s24 =	simm.s32 $0x6  }
0x4e: {  	_ =	swait.ge [sflag:s24], $0x2000  }
0x4f: {  	[sflag:s24] =	ssyncset.done $0x0  }
0x50: {  	s30 =	rddreg [dreg:$0x7];
	[sflag:s24] =	ssyncadd.s32 $0xFFFFE000  }
0x51: {  	s24 =	rddreg [dreg:$0x1]  }
0x52: {  	s22 =	sadd.s32 s24, s30;
	s30 =	simm.s32 $0xB  }
0x53: {  	[hbm4b:s22+s3] =	stream.linear.scatter [tilespmem:s21], [sflag:$0x10], $0x2000, $0x38;
	[tilespmem:$0x1A400] =	vst v63  }
0x54: {  	_ =	swait.ge [sflag:s30], $0x2000  }
0x55: {  	[sflag:s30] =	ssyncset.done $0x0  }
0x56: {  	[sflag:s30] =	ssyncadd.s32 $0xFFFFE000;
	s30 =	simm.s32 $0x500  }
0x57: {  	[tilespmem:s0], [sflag:$0x1] =	stream.indirect.gather [hbm4b:s4+s18], $0x40, s30, s18, $0xb8;
	[tilespmem:$0x1A400] =	vst v63  }
0x58: {  	s30 =	simm.s32 $0x7  }
0x59: {  	_ =	swait.ge [sflag:s30], $0x2000  }
0x5a: {  	s22 =	rddreg [dreg:$0x6];
	[sflag:s30] =	ssyncset.done $0x0  }
0x5b: {  	[sflag:s30] =	ssyncadd.s32 $0xFFFFE000;
	s22 =	sadd.s32 s24, s22;
	s30 =	simm.s32 $0xC  }
0x5c: {  	[hbm4b:s22+s3] =	stream.linear.scatter [tilespmem:s7], [sflag:$0x11], $0x2000, $0x38;
	[tilespmem:$0x1A400] =	vst v63  }
0x5d: {  	_ =	swait.ge [sflag:s30], $0x2000  }
0x5e: {  	[sflag:s30] =	ssyncset.done $0x0  }
0x5f: {  	[sflag:s30] =	ssyncadd.s32 $0xFFFFE000;
	s30 =	simm.s32 $0x580  }
0x60: {  	[tilespmem:s25], [sflag:$0x2] =	stream.indirect.gather [hbm4b:s4+s18], $0x40, s30, s18, $0xb8;
	[tilespmem:$0x1A400] =	vst v63  }
0x61: {  	s30 =	simm.s32 $0x8  }
0x62: {  	_ =	swait.ge [sflag:s30], $0x2000  }
0x63: {  	s22 =	rddreg [dreg:$0x5];
	[sflag:s30] =	ssyncset.done $0x0  }
0x64: {  	[sflag:s30] =	ssyncadd.s32 $0xFFFFE000;
	s22 =	sadd.s32 s24, s22;
	s30 =	simm.s32 $0xD  }
0x65: {  	[hbm4b:s22+s3] =	stream.linear.scatter [tilespmem:s9], [sflag:$0x12], $0x2000, $0x38;
	[tilespmem:$0x1A400] =	vst v63  }
0x66: {  	_ =	swait.ge [sflag:s30], $0x2000  }
0x67: {  	[sflag:s30] =	ssyncset.done $0x0  }
0x68: {  	[sflag:s30] =	ssyncadd.s32 $0xFFFFE000;
	s30 =	simm.s32 $0x600  }
0x69: {  	[tilespmem:s23], [sflag:$0x3] =	stream.indirect.gather [hbm4b:s4+s18], $0x40, s30, s18, $0xb8;
	[tilespmem:$0x1A400] =	vst v63  }
0x6a: {  	_ =	swait.ge [sflag:s13], $0x2000  }
0x6b: {  	s30 =	rddreg [dreg:$0x4];
	[sflag:s13] =	ssyncset.done $0x0  }
0x6c: {  	[sflag:s13] =	ssyncadd.s32 $0xFFFFE000;
	s22 =	sadd.s32 s24, s30  }
0x6d: {  	[hbm4b:s22+s3] =	stream.linear.scatter [tilespmem:s12], [sflag:$0x13], $0x2000, $0x38;
	[tilespmem:$0x1A400] =	vst v63  }
0x6e: {  	_ =	swait.ge [sflag:s14], $0x2000  }
0x6f: {  	[sflag:s14] =	ssyncset.done $0x0  }
0x70: {  	s30 =	simm.s32 $0x680;
	[sflag:s14] =	ssyncadd.s32 $0xFFFFE000  }
0x71: {  	[tilespmem:s5], [sflag:$0x4] =	stream.indirect.gather [hbm4b:s4+s18], $0x40, s30, s18, $0xb8;
	[tilespmem:$0x1A400] =	vst v63  }
0x72: {  	_ =	swait.ge [sflag:s15], $0x2000  }
0x73: {  	s30 =	rddreg [dreg:$0x3];
	[sflag:s15] =	ssyncset.done $0x0  }
0x74: {  	[sflag:s15] =	ssyncadd.s32 $0xFFFFE000;
	s22 =	sadd.s32 s24, s30  }
0x75: {  	[hbm4b:s22+s3] =	stream.linear.scatter [tilespmem:s29], [sflag:$0x14], $0x2000, $0x38;
	[tilespmem:$0x1A400] =	vst v63  }
0x76: {  	_ =	swait.ge [sflag:s16], $0x2000  }
0x77: {  	[sflag:s16] =	ssyncset.done $0x0  }
0x78: {  	s30 =	simm.s32 $0x700;
	[sflag:s16] =	ssyncadd.s32 $0xFFFFE000  }
0x79: {  	[tilespmem:s26], [sflag:$0x5] =	stream.indirect.gather [hbm4b:s4+s18], $0x40, s30, s18, $0xb8;
	[tilespmem:$0x1A400] =	vst v63  }
0x7a: {  	_ =	swait.ge [sflag:s28], $0x2000  }
0x7b: {  	s29 =	rddreg [dreg:$0xc];
	[sflag:s28] =	ssyncset.done $0x0  }
0x7c: {  	[sflag:s28] =	ssyncadd.s32 $0xFFFFE000;
	s22 =	sadd.s32 s24, s29  }
0x7d: {  	[hbm4b:s22+s3] =	stream.linear.scatter [tilespmem:s0], [sflag:$0xB], $0x2000, $0x38;
	[tilespmem:$0x1A400] =	vst v63  }
0x7e: {  	_ =	swait.ge [sflag:s6], $0x2000  }
0x7f: {  	[sflag:s6] =	ssyncset.done $0x0  }
0x80: {  	s30 =	simm.s32 $0x780;
	[sflag:s6] =	ssyncadd.s32 $0xFFFFE000  }
0x81: {  	[tilespmem:s21], [sflag:$0x6] =	stream.indirect.gather [hbm4b:s4+s18], $0x40, s30, s18, $0xb8;
	[tilespmem:$0x1A400] =	vst v63  }
0x82: {  	_ =	swait.ge [sflag:s1], $0x2000  }
0x83: {  	s0 =	rddreg [dreg:$0xb];
	[sflag:s1] =	ssyncset.done $0x0  }
0x84: {  	[sflag:s1] =	ssyncadd.s32 $0xFFFFE000;
	s22 =	sadd.s32 s24, s0  }
0x85: {  	[hbm4b:s22+s3] =	stream.linear.scatter [tilespmem:s25], [sflag:$0xC], $0x2000, $0x38;
	[tilespmem:$0x1A400] =	vst v63  }
0x86: {  	_ =	swait.ge [sflag:s17], $0x2000  }
0x87: {  	[sflag:s17] =	ssyncset.done $0x0  }
0x88: {  	s1 =	simm.s32 $0x800;
	[sflag:s17] =	ssyncadd.s32 $0xFFFFE000  }
0x89: {  	[tilespmem:s7], [sflag:$0x7] =	stream.indirect.gather [hbm4b:s4+s18], $0x40, s1, s18, $0xb8;
	[tilespmem:$0x1A400] =	vst v63  }
0x8a: {  	_ =	swait.ge [sflag:s8], $0x2000  }
0x8b: {  	s21 =	rddreg [dreg:$0xa];
	[sflag:s8] =	ssyncset.done $0x0  }
0x8c: {  	[sflag:s8] =	ssyncadd.s32 $0xFFFFE000;
	s22 =	sadd.s32 s24, s21  }
0x8d: {  	[hbm4b:s22+s3] =	stream.linear.scatter [tilespmem:s23], [sflag:$0xD], $0x2000, $0x38;
	[tilespmem:$0x1A400] =	vst v63  }
0x8e: {  	_ =	swait.ge [sflag:s2], $0x2000  }
0x8f: {  	[sflag:s2] =	ssyncset.done $0x0  }
0x90: {  	s23 =	simm.s32 $0x880;
	[sflag:s2] =	ssyncadd.s32 $0xFFFFE000  }
0x91: {  	[tilespmem:s9], [sflag:$0x8] =	stream.indirect.gather [hbm4b:s4+s18], $0x40, s23, s18, $0xb8;
	[tilespmem:$0x1A400] =	vst v63  }
0x92: {  	_ =	swait.ge [sflag:s10], $0x2000  }
0x93: {  	s25 =	rddreg [dreg:$0x9];
	[sflag:s10] =	ssyncset.done $0x0  }
0x94: {  	[sflag:s10] =	ssyncadd.s32 $0xFFFFE000;
	s22 =	sadd.s32 s24, s25  }
0x95: {  	[hbm4b:s22+s3] =	stream.linear.scatter [tilespmem:s5], [sflag:$0xE], $0x2000, $0x38;
	[tilespmem:$0x1A400] =	vst v63  }
0x96: {  	_ =	swait.ge [sflag:s19], $0x2000  }
0x97: {  	s29 =	simm.s32 $0x900;
	[sflag:s19] =	ssyncset.done $0x0  }
0x98: {  	s28 =	simm.s32 $0xE400;
	s0 =	simm.s32 $0x6400;
	[sflag:s19] =	ssyncadd.s32 $0xFFFFE000  }
0x99: {  	[tilespmem:s12], [sflag:$0x9] =	stream.indirect.gather [hbm4b:s4+s18], $0x40, s29, s18, $0xb8;
	[tilespmem:$0x1A400] =	vst v63  }
0x9a: {  	s1 =	simm.s32 $0x2;
	s8 =	simm.s32 $0x3;
	_ =	swait.ge [sflag:s11], $0x2000  }
0x9b: {  	s23 =	simm.s32 $0xA400;
	s30 =	rddreg [dreg:$0x8];
	[sflag:s11] =	ssyncset.done $0x0  }
0x9c: {  	s25 =	simm.s32 $0x8400;
	[sflag:s11] =	ssyncadd.s32 $0xFFFFE000;
	s22 =	sadd.s32 s24, s30  }
0x9d: {  	[hbm4b:s22+s3] =	stream.linear.scatter [tilespmem:s26], [sflag:$0xF], $0x2000, $0x38;
	[tilespmem:$0x1A400] =	vst v63  }
0x9e: {  	s10 =	simm.s32 $0x4;
	s5 =	simm.s32 $0xC400;
	_ =	swait.ge [sflag:s20], $0x2000  }
0x9f: {  	s24 =	sadd.s32 $0x2800, s24;
	s11 =	simm.s32 $0x5;
	[sflag:s20] =	ssyncset.done $0x0  }
0xa0: {  	s22 =	simm.s32 $0x1400;
	s26 =	simm.s32 $0x980;
	[sflag:s20] =	ssyncadd.s32 $0xFFFFE000  }
.LBB2_2:
0xa1: {  	s29 =	simm.s32 $0x18400;
	s7 =	simm.s32 $0x6  }
0xa2: {  	[tilespmem:s29], [sflag:$0xA] =	stream.indirect.gather [hbm4b:s4+s18], $0x40, s26, s18, $0xb8;
	[tilespmem:$0x1A400] =	vst v63  }
0xa3: {  	_ =	swait.ge [sflag:s7], $0x2000  }
0xa4: {  	s30 =	rddreg [dreg:$0x7];
	[sflag:s7] =	ssyncset.done $0x0  }
0xa5: {  	s21 =	simm.s32 $0x10400;
	[sflag:s7] =	ssyncadd.s32 $0xFFFFE000;
	s30 =	sadd.s32 s24, s30  }
0xa6: {  	[hbm4b:s30+s3] =	stream.linear.scatter [tilespmem:s21], [sflag:$0x10], $0x2000, $0x38;
	[tilespmem:$0x1A400] =	vst v63  }
0xa7: {  	s30 =	simm.s32 $0xB  }
0xa8: {  	s12 =	smov.u32 s22;
	_ =	swait.ge [sflag:s30], $0x2000  }
0xa9: {  	s26 =	sshra.s32 s12, $0x2;
	[sflag:s30] =	ssyncset.done $0x0  }
0xaa: {  	s9 =	simm.s32 $0x7;
	s7 =	sadd.s32 $0x500, s26;
	[sflag:s30] =	ssyncadd.s32 $0xFFFFE000  }
0xab: {  	[tilespmem:s0], [sflag:$0x1] =	stream.indirect.gather [hbm4b:s4+s18], $0x40, s7, s18, $0xb8;
	[tilespmem:$0x1A400] =	vst v63  }
0xac: {  	_ =	swait.ge [sflag:s9], $0x2000  }
0xad: {  	s7 =	simm.s32 $0x12400;
	s12 =	rddreg [dreg:$0x6];
	[sflag:s9] =	ssyncset.done $0x0  }
0xae: {  	[sflag:s9] =	ssyncadd.s32 $0xFFFFE000;
	s30 =	sadd.s32 s24, s12;
	s9 =	simm.s32 $0xC  }
0xaf: {  	[hbm4b:s30+s3] =	stream.linear.scatter [tilespmem:s7], [sflag:$0x11], $0x2000, $0x38;
	[tilespmem:$0x1A400] =	vst v63  }
0xb0: {  	_ =	swait.ge [sflag:s9], $0x2000  }
0xb1: {  	[sflag:s9] =	ssyncset.done $0x0  }
0xb2: {  	[sflag:s9] =	ssyncadd.s32 $0xFFFFE000;
	s9 =	sadd.s32 $0x580, s26  }
0xb3: {  	[tilespmem:s25], [sflag:$0x2] =	stream.indirect.gather [hbm4b:s4+s18], $0x40, s9, s18, $0xb8;
	[tilespmem:$0x1A400] =	vst v63  }
0xb4: {  	s9 =	simm.s32 $0x8  }
0xb5: {  	_ =	swait.ge [sflag:s9], $0x2000  }
0xb6: {  	[sflag:s9] =	ssyncset.done $0x0  }
0xb7: {  	s12 =	rddreg [dreg:$0x5];
	[sflag:s9] =	ssyncadd.s32 $0xFFFFE000  }
0xb8: {  	s30 =	sadd.s32 s24, s12;
	s9 =	simm.s32 $0x14400;
	s12 =	simm.s32 $0xD  }
0xb9: {  	[hbm4b:s30+s3] =	stream.linear.scatter [tilespmem:s9], [sflag:$0x12], $0x2000, $0x38;
	[tilespmem:$0x1A400] =	vst v63  }
0xba: {  	_ =	swait.ge [sflag:s12], $0x2000  }
0xbb: {  	[sflag:s12] =	ssyncset.done $0x0  }
0xbc: {  	[sflag:s12] =	ssyncadd.s32 $0xFFFFE000;
	s12 =	sadd.s32 $0x600, s26  }
0xbd: {  	[tilespmem:s23], [sflag:$0x3] =	stream.indirect.gather [hbm4b:s4+s18], $0x40, s12, s18, $0xb8;
	[tilespmem:$0x1A400] =	vst v63  }
0xbe: {  	_ =	swait.ge [sflag:s13], $0x2000  }
0xbf: {  	s12 =	rddreg [dreg:$0x4];
	[sflag:s13] =	ssyncset.done $0x0  }
0xc0: {  	[sflag:s13] =	ssyncadd.s32 $0xFFFFE000;
	s30 =	sadd.s32 s24, s12;
	s12 =	simm.s32 $0x16400  }
0xc1: {  	[hbm4b:s30+s3] =	stream.linear.scatter [tilespmem:s12], [sflag:$0x13], $0x2000, $0x38;
	[tilespmem:$0x1A400] =	vst v63  }
0xc2: {  	_ =	swait.ge [sflag:s14], $0x2000  }
0xc3: {  	[sflag:s14] =	ssyncset.done $0x0  }
0xc4: {  	s30 =	sadd.s32 $0x680, s26;
	[sflag:s14] =	ssyncadd.s32 $0xFFFFE000  }
0xc5: {  	[tilespmem:s5], [sflag:$0x4] =	stream.indirect.gather [hbm4b:s4+s18], $0x40, s30, s18, $0xb8;
	[tilespmem:$0x1A400] =	vst v63  }
0xc6: {  	_ =	swait.ge [sflag:s15], $0x2000  }
0xc7: {  	s30 =	rddreg [dreg:$0x3];
	[sflag:s15] =	ssyncset.done $0x0  }
0xc8: {  	[sflag:s15] =	ssyncadd.s32 $0xFFFFE000;
	s30 =	sadd.s32 s24, s30  }
0xc9: {  	[hbm4b:s30+s3] =	stream.linear.scatter [tilespmem:s29], [sflag:$0x14], $0x2000, $0x38;
	[tilespmem:$0x1A400] =	vst v63  }
0xca: {  	_ =	swait.ge [sflag:s16], $0x2000  }
0xcb: {  	[sflag:s16] =	ssyncset.done $0x0  }
0xcc: {  	s30 =	sadd.s32 $0x700, s26;
	[sflag:s16] =	ssyncadd.s32 $0xFFFFE000  }
0xcd: {  	[tilespmem:s28], [sflag:$0x5] =	stream.indirect.gather [hbm4b:s4+s18], $0x40, s30, s18, $0xb8;
	[tilespmem:$0x1A400] =	vst v63  }
0xce: {  	_ =	swait.ge [sflag:s31], $0x2000  }
0xcf: {  	s30 =	rddreg [dreg:$0xc];
	[sflag:s31] =	ssyncset.done $0x0  }
0xd0: {  	[sflag:s31] =	ssyncadd.s32 $0xFFFFE000;
	s30 =	sadd.s32 s24, s30  }
0xd1: {  	[hbm4b:s30+s3] =	stream.linear.scatter [tilespmem:s0], [sflag:$0xB], $0x2000, $0x38;
	[tilespmem:$0x1A400] =	vst v63  }
0xd2: {  	_ =	swait.ge [sflag:s6], $0x2000  }
0xd3: {  	[sflag:s6] =	ssyncset.done $0x0  }
0xd4: {  	s30 =	sadd.s32 $0x780, s26;
	[sflag:s6] =	ssyncadd.s32 $0xFFFFE000  }
0xd5: {  	[tilespmem:s21], [sflag:$0x6] =	stream.indirect.gather [hbm4b:s4+s18], $0x40, s30, s18, $0xb8;
	[tilespmem:$0x1A400] =	vst v63  }
0xd6: {  	_ =	swait.ge [sflag:s1], $0x2000  }
0xd7: {  	s21 =	rddreg [dreg:$0xb];
	[sflag:s1] =	ssyncset.done $0x0  }
0xd8: {  	[sflag:s1] =	ssyncadd.s32 $0xFFFFE000;
	s30 =	sadd.s32 s24, s21  }
0xd9: {  	[hbm4b:s30+s3] =	stream.linear.scatter [tilespmem:s25], [sflag:$0xC], $0x2000, $0x38;
	[tilespmem:$0x1A400] =	vst v63  }
0xda: {  	_ =	swait.ge [sflag:s17], $0x2000  }
0xdb: {  	[sflag:s17] =	ssyncset.done $0x0  }
0xdc: {  	s30 =	sadd.s32 $0x800, s26;
	[sflag:s17] =	ssyncadd.s32 $0xFFFFE000  }
0xdd: {  	[tilespmem:s7], [sflag:$0x7] =	stream.indirect.gather [hbm4b:s4+s18], $0x40, s30, s18, $0xb8;
	[tilespmem:$0x1A400] =	vst v63  }
0xde: {  	_ =	swait.ge [sflag:s8], $0x2000  }
0xdf: {  	s7 =	rddreg [dreg:$0xa];
	[sflag:s8] =	ssyncset.done $0x0  }
0xe0: {  	[sflag:s8] =	ssyncadd.s32 $0xFFFFE000;
	s30 =	sadd.s32 s24, s7  }
0xe1: {  	[hbm4b:s30+s3] =	stream.linear.scatter [tilespmem:s23], [sflag:$0xD], $0x2000, $0x38;
	[tilespmem:$0x1A400] =	vst v63  }
0xe2: {  	_ =	swait.ge [sflag:s2], $0x2000  }
0xe3: {  	[sflag:s2] =	ssyncset.done $0x0  }
0xe4: {  	s30 =	sadd.s32 $0x880, s26;
	[sflag:s2] =	ssyncadd.s32 $0xFFFFE000  }
0xe5: {  	[tilespmem:s9], [sflag:$0x8] =	stream.indirect.gather [hbm4b:s4+s18], $0x40, s30, s18, $0xb8;
	[tilespmem:$0x1A400] =	vst v63  }
0xe6: {  	_ =	swait.ge [sflag:s10], $0x2000  }
0xe7: {  	s9 =	rddreg [dreg:$0x9];
	[sflag:s10] =	ssyncset.done $0x0  }
0xe8: {  	[sflag:s10] =	ssyncadd.s32 $0xFFFFE000;
	s30 =	sadd.s32 s24, s9  }
0xe9: {  	[hbm4b:s30+s3] =	stream.linear.scatter [tilespmem:s5], [sflag:$0xE], $0x2000, $0x38;
	[tilespmem:$0x1A400] =	vst v63  }
0xea: {  	_ =	swait.ge [sflag:s19], $0x2000  }
0xeb: {  	[sflag:s19] =	ssyncset.done $0x0  }
0xec: {  	s30 =	sadd.s32 $0x900, s26;
	[sflag:s19] =	ssyncadd.s32 $0xFFFFE000  }
0xed: {  	[tilespmem:s12], [sflag:$0x9] =	stream.indirect.gather [hbm4b:s4+s18], $0x40, s30, s18, $0xb8;
	[tilespmem:$0x1A400] =	vst v63  }
0xee: {  	p0 =	sne.s32 s22, $0x16800;
	_ =	swait.ge [sflag:s11], $0x2000  }
0xef: {  	s22 =	sadd.s32 $0x1400, s22;
	s12 =	rddreg [dreg:$0x8];
	[sflag:s11] =	ssyncset.done $0x0  }
.Ltmp0:
0xf0: {  	[sflag:s11] =	ssyncadd.s32 $0xFFFFE000;
	s30 =	sadd.s32 s24, s12;
	(pc) =	sbr.rel @p0 .LBB2_2-.Ltmp0, $4  }
0xf1: {  	[hbm4b:s30+s3] =	stream.linear.scatter [tilespmem:s28], [sflag:$0xF], $0x2000, $0x38;
	[tilespmem:$0x1A400] =	vst v63  }
0xf2: {  	s29 =	simm.s32 $0x10400;
	s21 =	simm.s32 $0x12400;
	_ =	swait.ge [sflag:s20], $0x2000  }
0xf3: {  	s7 =	simm.s32 $0x14400;
	s9 =	simm.s32 $0x16400;
	[sflag:s20] =	ssyncset.done $0x0  }
0xf4: {  	s26 =	sadd.s32 $0x980, s26;
	s24 =	sadd.s32 $0x2800, s24;
	[sflag:s20] =	ssyncadd.s32 $0xFFFFE000  }
0xf5: {  	s1 =	simm.s32 $0x18400;
	s0 =	simm.s32 $0x6  }
0xf6: {  	[tilespmem:s1], [sflag:$0xA] =	stream.indirect.gather [hbm4b:s4+s18], $0x40, s26, s18, $0xb8;
	[tilespmem:$0x1A400] =	vst v63  }
0xf7: {  	_ =	swait.ge [sflag:s0], $0x2000  }
0xf8: {  	[sflag:s0] =	ssyncset.done $0x0  }
0xf9: {  	s8 =	simm.s32 $0x7;
	s22 =	rddreg [dreg:$0x13];
	[sflag:s0] =	ssyncadd.s32 $0xFFFFE000  }
0xfa: {  	[hbm4b:s22+s3] =	stream.linear.scatter [tilespmem:s29], [sflag:$0x10], $0x2000, $0x38;
	[tilespmem:$0x1A400] =	vst v63  }
0xfb: {  	_ =	swait.ge [sflag:s8], $0x2000  }
0xfc: {  	[sflag:s8] =	ssyncset.done $0x0  }
0xfd: {  	s11 =	simm.s32 $0x8;
	s10 =	rddreg [dreg:$0x14];
	[sflag:s8] =	ssyncadd.s32 $0xFFFFE000  }
0xfe: {  	[hbm4b:s10+s3] =	stream.linear.scatter [tilespmem:s21], [sflag:$0x11], $0x2000, $0x38;
	[tilespmem:$0x1A400] =	vst v63  }
0xff: {  	_ =	swait.ge [sflag:s11], $0x2000  }
0x100: {  	[sflag:s11] =	ssyncset.done $0x0  }
0x101: {  	s12 =	rddreg [dreg:$0x15];
	[sflag:s11] =	ssyncadd.s32 $0xFFFFE000  }
0x102: {  	[hbm4b:s12+s3] =	stream.linear.scatter [tilespmem:s7], [sflag:$0x12], $0x2000, $0x38;
	[tilespmem:$0x1A400] =	vst v63  }
0x103: {  	_ =	swait.ge [sflag:s13], $0x2000  }
0x104: {  	[sflag:s13] =	ssyncset.done $0x0  }
0x105: {  	s21 =	rddreg [dreg:$0x16];
	[sflag:s13] =	ssyncadd.s32 $0xFFFFE000  }
0x106: {  	[hbm4b:s21+s3] =	stream.linear.scatter [tilespmem:s9], [sflag:$0x13], $0x2000, $0x38;
	[tilespmem:$0x1A400] =	vst v63  }
0x107: {  	_ =	swait.ge [sflag:s15], $0x2000  }
0x108: {  	[sflag:s15] =	ssyncset.done $0x0  }
0x109: {  	s24 =	simm.s32 $0xB;
	s23 =	rddreg [dreg:$0x17];
	[sflag:s15] =	ssyncadd.s32 $0xFFFFE000  }
0x10a: {  	[hbm4b:s23+s3] =	stream.linear.scatter [tilespmem:s1], [sflag:$0x14], $0x2000, $0x38;
	[tilespmem:$0x1A400] =	vst v63  }
0x10b: {  	_ =	swait.ge [sflag:s24], $0x2000  }
0x10c: {  	[sflag:s24] =	ssyncset.done $0x0  }
0x10d: {  	s25 =	simm.s32 $0xC;
	[sflag:s24] =	ssyncadd.s32 $0xFFFFE000  }
0x10e: {  	_ =	swait.ge [sflag:s25], $0x2000  }
0x10f: {  	[sflag:s25] =	ssyncset.done $0x0  }
0x110: {  	s26 =	simm.s32 $0xD;
	[sflag:s25] =	ssyncadd.s32 $0xFFFFE000  }
0x111: {  	_ =	swait.ge [sflag:s26], $0x2000  }
0x112: {  	[sflag:s26] =	ssyncset.done $0x0  }
0x113: {  	[sflag:s26] =	ssyncadd.s32 $0xFFFFE000  }
0x114: {  	_ =	swait.ge [sflag:s14], $0x2000  }
0x115: {  	[sflag:s14] =	ssyncset.done $0x0  }
0x116: {  	[sflag:s14] =	ssyncadd.s32 $0xFFFFE000  }
0x117: {  	_ =	swait.ge [sflag:s16], $0x2000  }
0x118: {  	[sflag:s16] =	ssyncset.done $0x0  }
0x119: {  	[sflag:s16] =	ssyncadd.s32 $0xFFFFE000  }
0x11a: {  	_ =	swait.ge [sflag:s6], $0x2000  }
0x11b: {  	[sflag:s6] =	ssyncset.done $0x0  }
0x11c: {  	[sflag:s6] =	ssyncadd.s32 $0xFFFFE000  }
0x11d: {  	_ =	swait.ge [sflag:s17], $0x2000  }
0x11e: {  	[sflag:s17] =	ssyncset.done $0x0  }
0x11f: {  	[sflag:s17] =	ssyncadd.s32 $0xFFFFE000  }
0x120: {  	_ =	swait.ge [sflag:s2], $0x2000  }
0x121: {  	[sflag:s2] =	ssyncset.done $0x0  }
0x122: {  	[sflag:s2] =	ssyncadd.s32 $0xFFFFE000  }
0x123: {  	_ =	swait.ge [sflag:s19], $0x2000  }
0x124: {  	[sflag:s19] =	ssyncset.done $0x0  }
0x125: {  	[sflag:s19] =	ssyncadd.s32 $0xFFFFE000  }
0x126: {  	_ =	swait.ge [sflag:s20], $0x2000  }
0x127: {  	s29 =	rddreg [dreg:$0x19]  }
0x128: {  	s30 =	rddreg [dreg:$0x18];
	s7 =	sadd.s32 $0x1, s29  }
0x129: {  	p0 =	sne.s32 s7, s30  }
.Ltmp1:
0x12a: {  	_ = 	snop;
	(pc) =	sbr.rel @p0 .LBB2_1-.Ltmp1, $4  }
0x12b: {  	s5 =	simm.s32 $0xC400;
	s28 =	simm.s32 $0x1;
	s0 =	simm.s32 $0x6400  }
0x12c: {  	s8 =	simm.s32 $0x3;
	s10 =	simm.s32 $0x4;
	s11 =	simm.s32 $0x5  }
0x12d: {  	s23 =	simm.s32 $0xA400;
	s1 =	simm.s32 $0x2;
	[sflag:s20] =	ssyncset.done $0x0  }
0x12e: {  	s25 =	simm.s32 $0x8400;
	s26 =	simm.s32 $0xE400;
	[sflag:s20] =	ssyncadd.s32 $0xFFFFE000  }
0x12f: {  	_ =	sfence.sel $0x180000  }
0x130: {  	[bflag:$0x0] =	sbarrier.arrive $0xFFFF  }
0x131: {  	_ =	strace $0x90000047  }
0x132: {  	s0 =	stileid.u32;
	[bflag:$0x2] =	sbarrier.arrive $0xFFFF  }
0x133: {  	p0 =	sne.s32 s0, $0x0;
	s0 =	rddreg [dreg:$0x2]  }
0x134: {  	s0 =	sadd.s32 @!p0 $0x100000, s0  }
0x135: {  	[sflag:s0] =	ssyncadd.tile.s32 @!p0 $0x1;
	_ =	shalt  }
.Lfunc_end2:
_tile_overlayer_lowered:
.L_overlay_start_2:
0x136: {  	(tag) =	ssettag $0x2  }
0x137: {  	s0 =	rddreg [dreg:$0x0];
	s2 =	stileid.u32  }
0x138: {  	s1 =	rddreg [dreg:$0x1];
	p0 =	sne.s32 s2, $0x0  }
0x139: {  	s3 =	rddreg [dreg:$0x2];
	[bflag:$0x3] =	sbarrier.arrive $0xFFFF;
	s2 =	simm.s32 @!p0 $0x1C15  }
0x13a: {  	[timem:s3], [sflag:s2] =	dma.local @!p0 [hbm:s0], s1  }
0x13b: {  	s0 =	simm.s32 @!p0 $0x15  }
0x13c: {  	_ =	swait.ge @!p0 [sflag:s0], s1  }
0x13d: {  	s1 =	ssub.s32 @!p0 $0x0, s1;
	[sflag:s0] =	ssyncset.done @!p0 $0x0  }
0x13e: {  	[sflag:s0] =	ssyncadd.s32 @!p0 s1  }
0x13f: {  	[bflag:$0x3] =	sbarrier.arrive $0xFFFF  }
0x140: {  	_ =	shalt  }

// kernel: sparse-core-data-format-call.cloned.1.call-start
scs
called_computation_lowered:
.L_overlay_start_0:
0x0: {  	s2 =	sld [smem:$0x3FD9]  }
0x1: {  	s3 =	sld [smem:$0x3FFE];
	_ =	sdelay $0x1  }
0x2: {  	s1 =	srdreg.scid  }
0x3: {  	s0 =	sand.u32 $0x1, s1  }
0x4: {  	s18 =	sshll.u32 s0, $0xA;
	s2 =	sadd.s32 s3, s2  }
0x5: {  	s2 =	sadd.s32 s2, s18  }
0x6: {  	[smem:$0x3FC6] =	sst s2  }
0x7: {  	_ = 	snop  }
0x8: {  	s2 =	sld [smem:$0x3FD0];
	(tm) =	ssettm $0x1  }
0x9: {  	s19 =	sld [smem:$0x3FFB];
	_ =	sdelay $0x3  }
0xa: {  	_ =	strace s19  }
0xb: {  	s3 =	sld [smem:$0x3FFC];
	_ =	sdelay $0x3  }
0xc: {  	_ =	strace s3  }
0xd: {  	s3 =	sld [smem:$0x3FFD];
	_ =	sdelay $0x3  }
0xe: {  	_ =	strace s3  }
0xf: {  	_ =	strace $0x8FFFFFFF  }
0x10: {  	s20 =	sld [smem:$0x3FDB];
	_ =	sdelay $0x1  }
0x11: {  	s4 =	simm.s32 $_scs_section_size  }
0x12: {  	s5 =	simm.s32 $_size__tile_overlayer_lowered;
	s6 =	simm.s32 $_tile_overlayer_lowered  }
0x13: {  	s23 =	simm.s32 $0x1BFF;
	s22 =	sshll.u32 s6, $0x1;
	s3 =	sadd.s32 s4, s20  }
0x14: {  	s7 =	simm.s32 $0x0;
	s21 =	sshll.u32 s5, $0x1;
	s5 =	sadd.s32 s22, s3  }
0x15: {  	[timem:s7], [sflag:s23] =	dma.local [hbm:s5], s21  }
0x16: {  	_ =	swait.ge [sflag:s23], s21  }
0x17: {  	s4 =	ssub.s32 $0x0, s21;
	[sflag:s23] =	ssyncset.done $0x0  }
0x18: {  	[sflag:s23] =	ssyncadd.s32 s4;
	_ =	sdelay $0x1  }
0x19: {  	s24 =	simm.s32 $0x1B8B  }
0x1a: {  	_ =	swait.ge [sflag:s24], $0x1  }
0x1b: {  	[sflag:s24] =	ssyncset.done $0x0  }
0x1c: {  	s26 =	simm.s32 $0x1B8E;
	s25 =	sld [smem:$0x3FFE];
	[sflag:s24] =	ssyncadd.s32 $0xFFFFFFFF  }
0x1d: {  	s27 =	simm.s32 $execute0_lowered;
	[smem:$0x3FD2] =	sst s26  }
0x1e: {  	s5 =	sshll.u32 s27, $0x1;
	_ =	strace $0x80000049;
	[dreg:$0x1] =	wrdreg $0xFFFFFFFF  }
0x1f: {  	s28 =	simm.s32 $_size_execute0_lowered;
	s3 =	sadd.s32 s3, s5;
	[dreg:$0x0] =	wrdreg $0x0  }
0x20: {  	s5 =	sshll.u32 s28, $0x1;
	[dreg:$0x2] =	wrdreg s3  }
0x21: {  	[dreg:$0x3] =	wrdreg s5  }
0x22: {  	[dreg:$0x4] =	wrdreg $0xC0  }
0x23: {  	_ =	task [dreg:s7], $0x5FFFF  }
0x24: {  	[dreg:$0x1] =	wrdreg $0xFFFFFFFF  }
0x25: {  	[dreg:$0x0] =	wrdreg $0x60  }
0x26: {  	[dreg:$0x2] =	wrdreg s25  }
0x27: {  	[dreg:$0x3] =	wrdreg s2  }
0x28: {  	[dreg:$0x4] =	wrdreg $0x9  }
0x29: {  	_ =	task.clear_ibuf [dreg:s7], $0x5FFFF;
	_ =	strace $0x90000049  }
0x2a: {  	s29 =	simm.s32 $0x9;
	_ =	strace $0x8000004B  }
0x2b: {  	_ =	swait.ge [sflag:s29], $0x1  }
0x2c: {  	[sflag:s29] =	ssyncadd.s32 $0xFFFFFFFF  }
0x2d: {  	_ =	strace $0x9000004B  }
0x2e: {  	_ =	sfence  }
0x2f: {  	s30 =	sld [smem:$0x0];
	_ =	sdelay $0x2  }
0x30: {  	s31 =	sshll.u32 s1, $0xD;
	s1 =	sshrl.u32 s1, $0x2  }
0x31: {  	s3 =	sand.u32 $0x4000, s31;
	s1 =	sadd.s32 s1, s30  }
0x32: {  	s0 =	sor.u32 s3, s0;
	s1 =	sshll.u32 s1, $0x11  }
0x33: {  	s0 =	sor.u32 s1, s0  }
0x34: {  	s0 =	sadd.s32 $0x8F2B, s0  }
0x35: {  	[sflag:s0] =	ssyncadd.remote.s32 $0x1  }
0x36: {  	_ =	sfence.sel $0xFFFF  }
0x37: {  	[dreg:$0x0] =	wrdreg $0xFFFFFFFF;
	(pc) =	sbr.abs _section_cstart, $3  }
0x38: {  	[dreg:$0x1] =	wrdreg $0xFFFFFFFF  }
0x39: {  	_ =	task.clear_ibuf [dreg:s7], $0x2FFFF;
	_ =	strace $0x9FFFFFFF  }
0x3a: {  	(tm) =	ssettm $0x7FFFFFFF  }
0x3b: {  	_ =	shalt  }
tec
execute0_lowered:
.L_overlay_start_1:
0x0: {  	(tag) =	ssettag $0x1  }
0x1: {  	s0 =	srdreg.scid  }
0x2: {  	s1 =	sshll.u32 s0, $0x4  }
0x3: {  	s0 =	stileid.u32;
	s1 =	sand.u32 $0x10, s1  }
0x4: {  	s1 =	sor.u32 s0, s1  }
0x5: {  	s6 =	rddreg [dreg:$0x0];
	s4 =	simm.s32 $0x1;
	s2 =	sshll.u32 s1, $0x7  }
0x6: {  	s7 =	simm.s32 $0x2;
	s12 =	simm.s32 $0x0;
	s1 =	ssub.s32 $0x4000, s2  }
0x7: {  	s8 =	simm.s32 $0x20000;
	s13 =	simm.s32 $0x0;
	s3 =	sand.u32 $0xF80, s1  }
0x8: {  	s9 =	simm.s32 $0x0;
	s5 =	sshrl.u32 s1, $0xC;
	p0 =	sne.s32 s3, $0x0  }
.Ltmp0:
0x9: {  	s1 =	rddreg [dreg:$0x2];
	s4 =	simm.s32 @!p0 $0x0;
	(pc) =	sbr.rel .LBB1_1-.Ltmp0, $4  }
0xa: {  	s11 =	simm.s32 $0x0;
	s3 =	rddreg [dreg:$0x1];
	s5 =	sadd.s32 s4, s5  }
0xb: {  	_ =	strace $0x8000004A;
	s4 =	simm.s32 $0x1;
	s5 =	smul.u32 $0x32, s5  }
0xc: {  	s6 =	sadd.s32 $0xA00, s6;
	s10 =	smov.u32 s2;
	[sflag:s4] =	ssyncpa.u1 $0x0  }
0xd: {  	p0 =	por $0x0, $0x0;
	[sflag:s7] =	ssyncpa.u1 $0x0;
	s7 =	sor.u32 $0x1, s5  }
.LBB1_4:
0xe: {  	s16 =	sshll.u32 s13, $0x3;
	s17 =	sand.u32 $0x78, s13  }
0xf: {  	s30 =	sand.u32 $0x1F800, s13;
	s12 =	sshll.u32 s12, $0x11;
	s16 =	sand.u32 $0x3C00, s16  }
0x10: {  	[tilespmem:s15+$0x810 ss:$0x81] =	vst.msk $0xffff, v2;
	s31 =	sand.u32 $0x7, s13;
	s16 =	sor.u32 s17, s16;
	s17 =	sadd.s32 s3, s30  }
0x11: {  	[tilespmem:s15+$0x1020 ss:$0x81] =	vst.msk $0xffff, v0;
	s13 =	sshll.u32 s31, $0x12;
	s12 =	sadd.s32 s12, s17;
	s16 =	sshrl.u32 s16, $0x3  }
0x12: {  	[tilespmem:s15+$0x0 ss:$0x81] =	vst.msk $0xffff, v1;
	s13 =	sor.u32 $0x400, s13;
	s12 =	sadd.s32 s16, s12  }
0x13: {  	[hbm4b:s12+s13] =	stream.strided.scatter [tilespmem:s14], [sflag:$0x2], $0x2000, s8, s13, $0x20;
	[tilespmem:$0x8080] =	vst v63  }
.LBB1_5:
0x14: {  	s14 =	sadd.s32 $0x1, s9  }
0x15: {  	s12 =	sadd.s32 $0x1000, s10;
	s16 =	smov.u32 s10;
	p2 =	sgt.s32 s14, $0x31  }
0x16: {  	s16 =	smov.u32 @p2 s12  }
0x17: {  	s14 =	simm.s32 @p2 $0x0;
	p2 =	sgt.s32 s16, $0x3FFF  }
0x18: {  	s16 =	smov.u32 @p2 s2;
	p2 =	sne.s32 s11, s7  }
.Ltmp1:
0x19: {  	p1 =	slt.u32 s11, $0x2;
	(pc) =	sbr.rel @!p2 .LBB1_6-.Ltmp1, $4  }
0x1a: {  	s15 =	simm.s32 @!p1 $0x2  }
0x1b: {  	s13 =	smov.u32 s10;
	p0 =	por !p0, !p0;
	_ =	swait.ge @!p1 [sflag:s15], $0x2000  }
0x1c: {  	s12 =	smov.u32 s9;
	[sflag:s15] =	ssyncset.done @!p1 $0x0;
	s9 =	smov.u32 s14  }
0x1d: {  	s11 =	sadd.s32 $0x1, s11;
	[sflag:s15] =	ssyncadd.s32 @!p1 $0xFFFFE000;
	s10 =	smov.u32 s16  }
.LBB1_1:
0x1e: {  	p1 =	sge.u32 s11, s5  }
0x1f: {  	s14 =	sand.u32 @!p1 $0x1FFFFFF, s9  }
0x20: {  	s15 =	smulhi.u32 @!p1 $0x4924925, s14;
	_ =	sdelay $0x1  }
0x21: {  	s15 =	smul.u32 @!p1 $0x38, s15  }
0x22: {  	s16 =	sxor.u32 @!p1 $0xFFFFFFFF, s11;
	s17 =	smul.u32 @!p1 $0x380, s10  }
0x23: {  	s31 =	sadd.s32 $0xFFFFFFFF, s11;
	s16 =	sshll.u32 @!p1 s16, $0xD;
	s14 =	ssub.s32 @!p1 s14, s15  }
0x24: {  	s15 =	sand.u32 @!p1 $0x2000, s16;
	s16 =	sadd.s32 @!p1 s6, s17;
	s14 =	sshll.u32 @!p1 s14, $0x4  }
0x25: {  	s17 =	simm.s32 @!p1 $0x1C00;
	s14 =	sadd.s32 @!p1 s14, s16;
	s16 =	simm.s32 @!p1 $0x40  }
0x26: {  	[tilespmem:s15], [sflag:$0x1] =	stream.strided.gather @!p1 [hbm4b:s14+s16], $0x2000, s17, s16, $0x38;
	[tilespmem:$0x8080] =	vst v63  }
0x27: {  	p1 =	sge.u32 s31, s5  }
.Ltmp2:
0x28: {  	_ = 	snop;
	(pc) =	sbr.rel @p1 .LBB1_5-.Ltmp2, $1  }
0x29: {  	_ =	sdelay $0x3  }
0x2a: {  	s14 =	simm.s32 $0x1  }
0x2b: {  	_ =	swait.ge [sflag:s4], $0x2000;
	s14 =	simm.s32 @!p0 $0x0  }
0x2c: {  	[sflag:s4] =	ssyncset.done $0x0;
	s15 =	sshll.u32 s14, $0xD  }
0x2d: {  	[sflag:s4] =	ssyncadd.s32 $0xFFFFE000;
	s18 =	sor.u32 $0x20, s15  }
0x2e: {  	s14 =	smul.u32 $0x8100, s14;
	v3 =	vld [tilespmem:s18+$0x10]  }
0x2f: {  	s30 =	sand.u32 $0x1, s11;
	v2 =	vld [tilespmem:s18+$0xFFFFFFF0]  }
0x30: {  	s15 =	smul.u32 $0x8100, s30;
	s14 =	sshrl.u32 s14, $0x2;
	v0 =	vld [tilespmem:s18+$0x0]  }
0x31: {  	v1 =	vld [tilespmem:s18+$0xFFFFFFE0];
	s16 =	sor.u32 $0x4000, s14  }
0x32: {  	s31 =	sshrl.u32 s15, $0x2;
	s15 =	sadd.s32 $0x0, s16  }
0x33: {  	s17 =	simm.s32 $0x4;
	s18 =	sadd.s32 $0x40, s18;
	s14 =	sor.u32 $0x4000, s31;
	[tilespmem:s15+$0x1830 ss:$0x81] =	vst.msk $0xffff, v3  }
.LBB1_3:
0x34: {  	v3 =	vld [tilespmem:s18+$0x10];
	p1 =	sne.s32 s17, $0x1FC;
	[tilespmem:s15+$0x810 ss:$0x81] =	vst.msk $0xffff, v2;
	s19 =	smov.u32 s17;
	s17 =	sadd.s32 $0x4, s17  }
.Ltmp3:
0x35: {  	v2 =	vld [tilespmem:s18+$0xFFFFFFF0];
	[tilespmem:s15+$0x1020 ss:$0x81] =	vst.msk $0xffff, v0;
	(pc) =	sbr.rel @p1 .LBB1_3-.Ltmp3, $4  }
0x36: {  	v0 =	vld [tilespmem:s18+$0x0];
	[tilespmem:s15+$0x0 ss:$0x81] =	vst.msk $0xffff, v1  }
0x37: {  	s15 =	sshra.s32 s19, $0x2;
	v1 =	vld [tilespmem:s18+$0xFFFFFFE0]  }
0x38: {  	s15 =	sadd.s32 s15, s16  }
0x39: {  	s18 =	sadd.s32 $0x40, s18;
	[tilespmem:s15+$0x1830 ss:$0x81] =	vst.msk $0xffff, v3  }
.Ltmp4:
0x3a: {  	_ = 	snop;
	(pc) =	sbr.rel .LBB1_4-.Ltmp4, $1  }
0x3b: {  	_ =	sdelay $0x3  }
.LBB1_6:
0x3c: {  	_ =	sfence.sel $0x180000  }
0x3d: {  	s2 =	simm.s32 $0x1;
	[bflag:$0x0] =	sbarrier.arrive $0xFFFF  }
0x3e: {  	s31 =	simm.s32 $0x2;
	[sflag:s2] =	ssyncpa.u1 $0x1  }
0x3f: {  	[sflag:s31] =	ssyncpa.u1 $0x1  }
0x40: {  	p0 =	sne.s32 s0, $0x0;
	_ =	strace $0x9000004A  }
0x41: {  	s0 =	sadd.s32 @!p0 $0x100000, s1;
	[bflag:$0x2] =	sbarrier.arrive $0xFFFF  }
0x42: {  	[sflag:s0] =	ssyncadd.tile.s32 @!p0 $0x1;
	_ =	shalt  }
.Lfunc_end1:
_tile_overlayer_lowered:
.L_overlay_start_2:
0x43: {  	(tag) =	ssettag $0x2  }
0x44: {  	s0 =	rddreg [dreg:$0x0];
	s2 =	stileid.u32  }
0x45: {  	s1 =	rddreg [dreg:$0x1];
	p0 =	sne.s32 s2, $0x0  }
0x46: {  	s3 =	rddreg [dreg:$0x2];
	[bflag:$0x3] =	sbarrier.arrive $0xFFFF;
	s2 =	simm.s32 @!p0 $0x1C01  }
0x47: {  	[timem:s3], [sflag:s2] =	dma.local @!p0 [hbm:s0], s1  }
0x48: {  	s0 =	simm.s32 @!p0 $0x1  }
0x49: {  	_ =	swait.ge @!p0 [sflag:s0], s1  }
0x4a: {  	s1 =	ssub.s32 @!p0 $0x0, s1;
	[sflag:s0] =	ssyncset.done @!p0 $0x0  }
0x4b: {  	[sflag:s0] =	ssyncadd.s32 @!p0 s1  }
0x4c: {  	[bflag:$0x3] =	sbarrier.arrive $0xFFFF  }
0x4d: {  	_ =	shalt  }

</sc_bundles>
